<compile_context>
chip_gen: v7x
topology: tpu7x:2x2x1
jax: 0.10.2.dev20260603
libtpu: 0.0.44.dev20260713+nightly
codegen_flags: <defaults>
</compile_context>

<pallas_src>
import functools

import jax
import jax.numpy as jnp
from jax import lax
from jax.experimental import pallas as pl
from jax.experimental.pallas import tpu as pltpu
from jax.experimental.pallas import tpu_sc as plsc

F32 = jnp.float32
I32 = jnp.int32

_NS = 16
_NC = 2
_B = 128
_BA = 112


def _sc_mesh():
    return plsc.VectorSubcoreMesh(core_axis_name="c", subcore_axis_name="s")


def _make_deg_kernel(n_pad, e_pad):
    rows_tile = n_pad // _NS
    nb = e_pad // (_NC * _NS * _BA)

    @functools.partial(
        pl.kernel,
        out_type=jax.ShapeDtypeStruct((_NC * n_pad,), F32),
        mesh=_sc_mesh(),
        compiler_params=pltpu.CompilerParams(use_tc_tiling_on_sc=False),
        scratch_types=[
            pltpu.VMEM((nb, _BA), I32),
            pltpu.VMEM((_BA,), F32),
            pltpu.VMEM((rows_tile,), F32),
            pltpu.VMEM_SHARED((n_pad,), F32),
        ],
    )
    def deg_kernel(dst_hbm, out_hbm, dstv, ones, zbuf, acc):
        cid = lax.axis_index("c")
        sid = lax.axis_index("s")
        wid = cid * _NS + sid

        def fill_ones(i, _):
            ones[pl.ds(i * 16, 16)] = jnp.ones((16,), F32)
            return _
        lax.fori_loop(0, _BA // 16, fill_ones, None)

        def fill_z(i, _):
            zbuf[pl.ds(i * 16, 16)] = jnp.zeros((16,), F32)
            return _
        lax.fori_loop(0, rows_tile // 16, fill_z, None)
        pltpu.sync_copy(zbuf, acc.at[pl.ds(sid * rows_tile, rows_tile)])
        plsc.subcore_barrier()

        pltpu.sync_copy(dst_hbm.at[pl.ds(wid * nb, nb)], dstv)

        def scat(j, _):
            pltpu.sync_copy(ones, acc.at[dstv.at[j]], add=True)
            return _
        lax.fori_loop(0, nb, scat, None)
        plsc.subcore_barrier()

        off = cid * n_pad + sid * rows_tile
        pltpu.sync_copy(acc.at[pl.ds(sid * rows_tile, rows_tile)],
                        out_hbm.at[pl.ds(off, rows_tile)])

    return deg_kernel


def _make_agg_kernel(n, n_pad, e_pad):
    rows_acc = n_pad // _NS
    nb = e_pad // (_NS * _BA)
    nh = nb // 2
    zrows = 128
    nz = rows_acc // zrows

    @functools.partial(
        pl.kernel,
        out_type=jax.ShapeDtypeStruct((_NC, n_pad, 128), F32),
        mesh=_sc_mesh(),
        compiler_params=pltpu.CompilerParams(use_tc_tiling_on_sc=False),
        scratch_types=[
            pltpu.VMEM((nh, _BA), I32),
            pltpu.VMEM((nh, _BA), I32),
            [pltpu.VMEM((_BA, 64), F32)] * 5,
            pltpu.VMEM_SHARED((n_pad, 64), F32),
            pltpu.VMEM_SHARED((n_pad, 64), F32),
            [pltpu.SemaphoreType.DMA] * 5,
            [pltpu.SemaphoreType.DMA] * 5,
        ],
    )
    def agg_kernel(hs_hbm, src_hbm, dst_hbm, out_hbm, srcv, dstv, bufs,
                   table, acc, sg, ss):
        cid = lax.axis_index("c")
        sid = lax.axis_index("s")

        for q in range(2):
            pltpu.async_copy(
                hs_hbm.at[cid, pl.ds(sid * rows_acc, rows_acc),
                          pl.ds(q * 64, 64)],
                table.at[pl.ds(sid * rows_acc, rows_acc)], sg[0])
            pltpu.async_copy(
                hs_hbm.at[cid, pl.ds(sid * rows_acc, rows_acc),
                          pl.ds(q * 64, 64)],
                acc.at[pl.ds(sid * rows_acc, rows_acc)], sg[1])
            pltpu.make_async_copy(
                hs_hbm.at[cid, pl.ds(sid * rows_acc, rows_acc),
                          pl.ds(q * 64, 64)],
                table.at[pl.ds(sid * rows_acc, rows_acc)], sg[0]).wait()
            pltpu.make_async_copy(
                hs_hbm.at[cid, pl.ds(sid * rows_acc, rows_acc),
                          pl.ds(q * 64, 64)],
                acc.at[pl.ds(sid * rows_acc, rows_acc)], sg[1]).wait()
            plsc.subcore_barrier()

            def half_loop(hf, _):
                base = sid * nb + hf * nh
                pltpu.sync_copy(src_hbm.at[pl.ds(base, nh)], srcv)
                pltpu.sync_copy(dst_hbm.at[pl.ds(base, nh)], dstv)

                for p in range(3):
                    pltpu.async_copy(table.at[srcv.at[p]], bufs[p], sg[p])

                def quint(g, __):
                    for p in range(5):
                        j = 5 * g + p
                        q = (p + 3) % 5
                        pltpu.make_async_copy(
                            table.at[srcv.at[j]], bufs[p], sg[p]).wait()
                        pltpu.async_copy(
                            bufs[p], acc.at[dstv.at[j]], ss[p], add=True)

                        @pl.when(j >= 2)
                        def _wait_prev():
                            pltpu.make_async_copy(
                                bufs[q], acc.at[dstv.at[j]], ss[q]).wait()

                        @pl.when(j + 3 < nh)
                        def _issue_next():
                            pltpu.async_copy(
                                table.at[srcv.at[j + 3]], bufs[q], sg[q])
                    return __
                lax.fori_loop(0, nh // 5, quint, None)
                pltpu.make_async_copy(
                    bufs[(nh - 2) % 5], acc.at[dstv.at[nh - 2]], ss[(nh - 2) % 5]).wait()
                pltpu.make_async_copy(
                    bufs[(nh - 1) % 5], acc.at[dstv.at[nh - 1]], ss[(nh - 1) % 5]).wait()
                return _
            lax.fori_loop(0, 2, half_loop, None)
            plsc.subcore_barrier()

            def co(t, _):
                r0 = sid * rows_acc + t * zrows
                pltpu.sync_copy(acc.at[pl.ds(r0, zrows)],
                                out_hbm.at[cid, pl.ds(r0, zrows),
                                           pl.ds(q * 64, 64)])
                return _
            lax.fori_loop(0, nz, co, None)

    return agg_kernel


def _mm1_body(x_ref, w_ref, dg_ref, hs_ref, dinv_ref):
    deg = dg_ref[...] + 1.0
    dinv = lax.rsqrt(jnp.maximum(deg, 1e-12))
    xw = jnp.dot(x_ref[...], w_ref[...], preferred_element_type=F32)
    hs = xw * dinv
    hs_ref[0] = hs[:, :128]
    hs_ref[1] = hs[:, 128:]
    dinv_ref[...] = dinv


def _mm2_body(agg_ref, dinv_ref, b1_ref, w2_ref, hs2_ref):
    dinv = dinv_ref[...]
    hq = [jnp.tanh(dinv * agg_ref[q] + b1_ref[q]) for q in range(2)]
    h = jnp.concatenate(hq, axis=1)
    hw = jnp.dot(h, w2_ref[...], preferred_element_type=F32) * dinv
    hs2_ref[0] = hw[:, :128]
    hs2_ref[1] = hw[:, 128:]


def _fin_body(agg_ref, dinv_ref, b2_ref, fcw_ref, fcb_ref, emb_ref,
              pred_ref):
    dinv = dinv_ref[...]
    eq = [dinv * agg_ref[q] + b2_ref[q] for q in range(2)]
    emb = jnp.concatenate(eq, axis=1)
    emb_ref[...] = emb
    pred_ref[...] = jax.nn.sigmoid(
        jnp.dot(emb, fcw_ref[...], preferred_element_type=F32) + fcb_ref[0, 0])


def kernel(x, edge_index, W1, b1, W2, b2, fcW, fcb):
    n, d = x.shape
    h = W1.shape[1]
    e = edge_index.shape[1]

    n_pad = ((n + 2047) // 2048) * 2048
    ea_q = _NS * _BA * 10
    e_pad_a = ((e + ea_q - 1) // ea_q) * ea_q
    blk = 2000
    grid = (n // blk,)

    src = edge_index[0]
    dst = edge_index[1]
    srcpa = jnp.concatenate([src, jnp.zeros((e_pad_a - e,), I32)])
    dstpa = jnp.concatenate([dst, jnp.full((e_pad_a - e,), n, I32)])
    src2da = srcpa.reshape(e_pad_a // _BA, _BA)
    dst2da = dstpa.reshape(e_pad_a // _BA, _BA)

    deg_call = _make_deg_kernel(n_pad, e_pad_a)
    agg_call = _make_agg_kernel(n, n_pad, e_pad_a)

    degflat = deg_call(dst2da)
    dg = (degflat[:n] + degflat[n_pad:n_pad + n]).reshape(n, 1)

    hs1, dinv = pl.pallas_call(
        _mm1_body,
        grid=grid,
        in_specs=[
            pl.BlockSpec((blk, d), lambda i: (i, 0)),
            pl.BlockSpec((d, h), lambda i: (0, 0)),
            pl.BlockSpec((blk, 1), lambda i: (i, 0)),
        ],
        out_specs=[
            pl.BlockSpec((2, blk, 128), lambda i: (0, i, 0)),
            pl.BlockSpec((blk, 1), lambda i: (i, 0)),
        ],
        out_shape=[
            jax.ShapeDtypeStruct((2, n_pad, 128), F32),
            jax.ShapeDtypeStruct((n, 1), F32),
        ],
    )(x, W1, dg)

    agg1 = agg_call(hs1, src2da, dst2da)

    hs2 = pl.pallas_call(
        _mm2_body,
        grid=grid,
        in_specs=[
            pl.BlockSpec((2, blk, 128), lambda i: (0, i, 0)),
            pl.BlockSpec((blk, 1), lambda i: (i, 0)),
            pl.BlockSpec((2, 1, 128), lambda i: (0, 0, 0)),
            pl.BlockSpec((h, h), lambda i: (0, 0)),
        ],
        out_specs=pl.BlockSpec((2, blk, 128), lambda i: (0, i, 0)),
        out_shape=jax.ShapeDtypeStruct((2, n_pad, 128), F32),
    )(agg1, dinv, b1.reshape(2, 1, 128), W2)

    agg2 = agg_call(hs2, src2da, dst2da)

    emb, pred = pl.pallas_call(
        _fin_body,
        grid=grid,
        in_specs=[
            pl.BlockSpec((2, blk, 128), lambda i: (0, i, 0)),
            pl.BlockSpec((blk, 1), lambda i: (i, 0)),
            pl.BlockSpec((2, 1, 128), lambda i: (0, 0, 0)),
            pl.BlockSpec((h, 1), lambda i: (0, 0)),
            pl.BlockSpec((1, 1), lambda i: (0, 0)),
        ],
        out_specs=[
            pl.BlockSpec((blk, h), lambda i: (i, 0)),
            pl.BlockSpec((blk, 1), lambda i: (i, 0)),
        ],
        out_shape=[
            jax.ShapeDtypeStruct((n, h), F32),
            jax.ShapeDtypeStruct((n, 1), F32),
        ],
    )(agg2, dinv, b2.reshape(2, 1, 128), fcW, fcb.reshape(1, 1))

    return (emb, pred)

# --- scband reference (transcript-rebuilt; emitter-appended) ---
"""Pipeline reference for scband-net-83494164234948 (READ-ONLY COPY).

The authoritative reference and input builder live on the scoring server;
editing this copy changes nothing except your own understanding.
"""

import jax, jax.numpy as jnp
import numpy as np

N = 10000
E = 160000
D = 256
H = 256


def setup_inputs(seed: int = 0) -> dict:
    key = jax.random.key(seed)
    ks = jax.random.split(key, 8)
    x = jax.random.normal(ks[0], (N, D), dtype=jnp.float32)
    edge_index = jax.random.randint(ks[1], (2, E), 0, N, dtype=jnp.int32)
    W1 = jax.random.normal(ks[2], (D, H), dtype=jnp.float32) / np.sqrt(D)
    b1 = jnp.zeros((H,), dtype=jnp.float32)
    W2 = jax.random.normal(ks[3], (H, H), dtype=jnp.float32) / np.sqrt(H)
    b2 = jnp.zeros((H,), dtype=jnp.float32)
    fcW = jax.random.normal(ks[4], (H, 1), dtype=jnp.float32) / np.sqrt(H)
    fcb = jnp.zeros((1,), dtype=jnp.float32)
    return {"x": x, "edge_index": edge_index, "W1": W1, "b1": b1, "W2": W2, "b2": b2, "fcW": fcW, "fcb": fcb}


def gcn_conv(x, edge_index, W, b):
    # PyG GCNConv: add self-loops, symmetric normalization D^-1/2 (A+I) D^-1/2,
    # linear transform then scatter-add aggregation, bias after aggregation.
    n = x.shape[0]
    src = edge_index[0]
    dst = edge_index[1]
    loop = jnp.arange(n, dtype=src.dtype)
    src = jnp.concatenate([src, loop])
    dst = jnp.concatenate([dst, loop])
    ones = jnp.ones(src.shape[0], dtype=x.dtype)
    deg = jax.ops.segment_sum(ones, dst, num_segments=n)
    dinv = jax.lax.rsqrt(jnp.maximum(deg, 1e-12))
    norm = dinv[src] * dinv[dst]
    h = x @ W
    msg = h[src] * norm[:, None]
    out = jax.ops.segment_sum(msg, dst, num_segments=n)
    return out + b


def reference(x, edge_index, W1, b1, W2, b2, fcW, fcb):
    h = jnp.tanh(gcn_conv(x, edge_index, W1, b1))
    emb = gcn_conv(h, edge_index, W2, b2)
    pred = jax.nn.sigmoid(emb @ fcW + fcb)
    return (emb, pred)

if __name__ == "__main__":
    import jax
    _d = setup_inputs()
    print(jax.jit(kernel)(*tuple(_d.values())))

</pallas_src>

<mosaic_0001>
#map = affine_map<(d0, d1) -> (0, 0)>
#map1 = affine_map<(d0, d1) -> (0)>
module attributes {stable_mosaic.version = 14 : i64} {
  func.func @deg_kernel(%arg0: i32, %arg1: i32, %arg2: memref<1440x112xi32, #tpu.memory_space<hbm>>, %arg3: memref<20480xf32, #tpu.memory_space<hbm>>, %arg4: memref<45x112xi32, #tpu.memory_space<vmem>>, %arg5: memref<112xf32, #tpu.memory_space<vmem>>, %arg6: memref<640xf32, #tpu.memory_space<vmem>>, %arg7: memref<10240xf32, #tpu.memory_space<vmem_shared>>) attributes {dimension_semantics = [#tpu.dimension_semantics<core_parallel>, #tpu.dimension_semantics<subcore_parallel>], iteration_bounds = array<i64: 2, 16>, scalar_prefetch = 0 : i64, scratch_operands = 4 : i64, tpu.core_type = #tpu.core_type<sc_vector_subcore>, window_params = [{transform_indices = #map}, {transform_indices = #map1}]} {
    %mul3A = arith.constant 16 : i32
    %mul3A_0 = arith.muli %arg0, %mul3A : i32
    %add3A = arith.addi %mul3A_0, %arg1 : i32
    %scan3A = arith.constant 0 : i32
    %scan3A_1 = arith.constant 7 : i32
    %scan3A_2 = arith.addi %scan3A, %scan3A_1 : i32
    %scan3A_3 = arith.constant 1 : i32
    scf.for %scan3A_27 = %scan3A to %scan3A_2 step %scan3A_3  : i32 {
      %broadcast_in_dim3A = arith.constant 1.000000e+00 : f32
      %broadcast_in_dim3A_28 = vector.broadcast %broadcast_in_dim3A : f32 to vector<16xf32>
      %mul3A_29 = arith.constant 16 : i32
      %mul3A_30 = arith.muli %scan3A_27, %mul3A_29 : i32
      %swap3A = arith.index_cast %mul3A_30 : i32 to index
      %swap3A_31 = tpu.vector_load %arg5[%swap3A] {strides = array<i32>} : memref<112xf32, #tpu.memory_space<vmem>>, vector<16xf32>,
      %swap3A_32 = vector.shape_cast %swap3A_31 : vector<16xf32> to vector<16xf32>
      %swap3A_33 = vector.shape_cast %broadcast_in_dim3A_28 : vector<16xf32> to vector<16xf32>
      tpu.vector_store %arg5[%swap3A], %swap3A_33 {strides = array<i32>} : memref<112xf32, #tpu.memory_space<vmem>>, vector<16xf32>,
    }
    %scan3A_4 = arith.constant 7 : i32
    %scan3A_5 = arith.constant 0 : i32
    %scan3A_6 = arith.constant 40 : i32
    %scan3A_7 = arith.addi %scan3A_5, %scan3A_6 : i32
    %scan3A_8 = arith.constant 1 : i32
    scf.for %scan3A_27 = %scan3A_5 to %scan3A_7 step %scan3A_8  : i32 {
      %broadcast_in_dim3A = arith.constant 0.000000e+00 : f32
      %broadcast_in_dim3A_28 = vector.broadcast %broadcast_in_dim3A : f32 to vector<16xf32>
      %mul3A_29 = arith.constant 16 : i32
      %mul3A_30 = arith.muli %scan3A_27, %mul3A_29 : i32
      %swap3A = arith.index_cast %mul3A_30 : i32 to index
      %swap3A_31 = tpu.vector_load %arg6[%swap3A] {strides = array<i32>} : memref<640xf32, #tpu.memory_space<vmem>>, vector<16xf32>,
      %swap3A_32 = vector.shape_cast %swap3A_31 : vector<16xf32> to vector<16xf32>
      %swap3A_33 = vector.shape_cast %broadcast_in_dim3A_28 : vector<16xf32> to vector<16xf32>
      tpu.vector_store %arg6[%swap3A], %swap3A_33 {strides = array<i32>} : memref<640xf32, #tpu.memory_space<vmem>>, vector<16xf32>,
    }
    %scan3A_9 = arith.constant 40 : i32
    %mul3A_10 = arith.constant 640 : i32
    %mul3A_11 = arith.muli %arg1, %mul3A_10 : i32
    "tpu.region"() ({
      %run_scoped3A = tpu.sem_alloc : memref<!tpu.dma_semaphore, #tpu.memory_space<semaphore_mem>>
      %dma_start3A = tpu.memref_slice %arg7[%mul3A_11] : memref<10240xf32, #tpu.memory_space<vmem_shared>> -> memref<640xf32, #tpu.memory_space<vmem_shared>>
      %dma_start3A_27 = tpu.memref_slice %arg7[%mul3A_11] : memref<10240xf32, #tpu.memory_space<vmem_shared>> -> memref<640xf32, #tpu.memory_space<vmem_shared>>
      tpu.enqueue_dma source(%arg6 : memref<640xf32, #tpu.memory_space<vmem>>) target(%dma_start3A_27 : memref<640xf32, #tpu.memory_space<vmem_shared>>) target_semaphore(%run_scoped3A : memref<!tpu.dma_semaphore, #tpu.memory_space<semaphore_mem>>)
      %dma_wait3A = tpu.memref_slice %arg7[%mul3A_11] : memref<10240xf32, #tpu.memory_space<vmem_shared>> -> memref<640xf32, #tpu.memory_space<vmem_shared>>
      %dma_wait3A_28 = tpu.memref_slice %arg7[%mul3A_11] : memref<10240xf32, #tpu.memory_space<vmem_shared>> -> memref<640xf32, #tpu.memory_space<vmem_shared>>
      tpu.wait_dma2 semaphore(%run_scoped3A : memref<!tpu.dma_semaphore, #tpu.memory_space<semaphore_mem>>) src(%arg6 : memref<640xf32, #tpu.memory_space<vmem>>) dst(%dma_wait3A_28 : memref<640xf32, #tpu.memory_space<vmem_shared>>)
      tpu.yield
    }) : () -> ()
    %barrier3A = arith.constant 0 : index
    tpu.barrier barrier_id(%barrier3A)
    %mul3A_12 = arith.constant 45 : i32
    %mul3A_13 = arith.muli %add3A, %mul3A_12 : i32
    "tpu.region"() ({
      %run_scoped3A = tpu.sem_alloc : memref<!tpu.dma_semaphore, #tpu.memory_space<semaphore_mem>>
      %dma_start3A = arith.constant 0 : i32
      %dma_start3A_27 = tpu.memref_slice %arg2[%mul3A_13, %dma_start3A] : memref<1440x112xi32, #tpu.memory_space<hbm>> -> memref<45x112xi32, #tpu.memory_space<hbm>>
      %dma_start3A_28 = arith.constant 0 : i32
      %dma_start3A_29 = tpu.memref_slice %arg2[%mul3A_13, %dma_start3A_28] : memref<1440x112xi32, #tpu.memory_space<hbm>> -> memref<45x112xi32, #tpu.memory_space<hbm>>
      tpu.enqueue_dma source(%dma_start3A_29 : memref<45x112xi32, #tpu.memory_space<hbm>>) target(%arg4 : memref<45x112xi32, #tpu.memory_space<vmem>>) target_semaphore(%run_scoped3A : memref<!tpu.dma_semaphore, #tpu.memory_space<semaphore_mem>>)
      %dma_wait3A = arith.constant 0 : i32
      %dma_wait3A_30 = tpu.memref_slice %arg2[%mul3A_13, %dma_wait3A] : memref<1440x112xi32, #tpu.memory_space<hbm>> -> memref<45x112xi32, #tpu.memory_space<hbm>>
      %dma_wait3A_31 = arith.constant 0 : i32
      %dma_wait3A_32 = tpu.memref_slice %arg2[%mul3A_13, %dma_wait3A_31] : memref<1440x112xi32, #tpu.memory_space<hbm>> -> memref<45x112xi32, #tpu.memory_space<hbm>>
      tpu.wait_dma2 semaphore(%run_scoped3A : memref<!tpu.dma_semaphore, #tpu.memory_space<semaphore_mem>>) src(%dma_wait3A_32 : memref<45x112xi32, #tpu.memory_space<hbm>>) dst(%arg4 : memref<45x112xi32, #tpu.memory_space<vmem>>)
      tpu.yield
    }) : () -> ()
    %scan3A_14 = arith.constant 0 : i32
    %scan3A_15 = arith.constant 45 : i32
    %scan3A_16 = arith.addi %scan3A_14, %scan3A_15 : i32
    %scan3A_17 = arith.constant 1 : i32
    scf.for %scan3A_27 = %scan3A_14 to %scan3A_16 step %scan3A_17  : i32 {
      "tpu.region"() ({
        %run_scoped3A = tpu.sem_alloc : memref<!tpu.dma_semaphore, #tpu.memory_space<semaphore_mem>>
        %dma_start3A = arith.constant 0 : i32
        %dma_start3A_28 = tpu.memref_slice %arg4[%scan3A_27, %dma_start3A] : memref<45x112xi32, #tpu.memory_space<vmem>> -> memref<1x112xi32, #tpu.memory_space<vmem>>
        %dma_start3A_29 = tpu.memref_squeeze %dma_start3A_28 : memref<1x112xi32, #tpu.memory_space<vmem>> -> memref<112xi32, #tpu.memory_space<vmem>>
        %dma_start3A_30 = arith.constant 0 : i32
        %dma_start3A_31 = tpu.memref_slice %arg7[%dma_start3A_30] : memref<10240xf32, #tpu.memory_space<vmem_shared>> -> memref<10240xf32, #tpu.memory_space<vmem_shared>>
        tpu.enqueue_indirect_dma source(%arg5 : memref<112xf32, #tpu.memory_space<vmem>>) target(%dma_start3A_31 : memref<10240xf32, #tpu.memory_space<vmem_shared>>) offsets(%dma_start3A_29 : memref<112xi32, #tpu.memory_space<vmem>>) semaphore(%run_scoped3A : memref<!tpu.dma_semaphore, #tpu.memory_space<semaphore_mem>>) {add = true}
        %dma_wait3A = arith.constant 0 : i32
        %dma_wait3A_32 = tpu.memref_slice %arg4[%scan3A_27, %dma_wait3A] : memref<45x112xi32, #tpu.memory_space<vmem>> -> memref<1x112xi32, #tpu.memory_space<vmem>>
        %dma_wait3A_33 = tpu.memref_squeeze %dma_wait3A_32 : memref<1x112xi32, #tpu.memory_space<vmem>> -> memref<112xi32, #tpu.memory_space<vmem>>
        %dma_wait3A_34 = arith.constant 0 : i32
        %dma_wait3A_35 = tpu.memref_slice %arg7[%dma_wait3A_34] : memref<10240xf32, #tpu.memory_space<vmem_shared>> -> memref<10240xf32, #tpu.memory_space<vmem_shared>>
        tpu.wait_indirect_dma semaphore(%run_scoped3A : memref<!tpu.dma_semaphore, #tpu.memory_space<semaphore_mem>>) src(%arg5 : memref<112xf32, #tpu.memory_space<vmem>>) dst(%dma_wait3A_35 : memref<10240xf32, #tpu.memory_space<vmem_shared>>)
        tpu.yield
      }) : () -> ()
    }
    %scan3A_18 = arith.constant 45 : i32
    %barrier3A_19 = arith.constant 0 : index
    tpu.barrier barrier_id(%barrier3A_19)
    %mul3A_20 = arith.constant 10240 : i32
    %mul3A_21 = arith.muli %arg0, %mul3A_20 : i32
    %mul3A_22 = arith.constant 640 : i32
    %mul3A_23 = arith.muli %arg1, %mul3A_22 : i32
    %add3A_24 = arith.addi %mul3A_21, %mul3A_23 : i32
    %mul3A_25 = arith.constant 640 : i32
    %mul3A_26 = arith.muli %arg1, %mul3A_25 : i32
    "tpu.region"() ({
      %run_scoped3A = tpu.sem_alloc : memref<!tpu.dma_semaphore, #tpu.memory_space<semaphore_mem>>
      %dma_start3A = tpu.memref_slice %arg3[%add3A_24] : memref<20480xf32, #tpu.memory_space<hbm>> -> memref<640xf32, #tpu.memory_space<hbm>>
      %dma_start3A_27 = tpu.memref_slice %arg7[%mul3A_26] : memref<10240xf32, #tpu.memory_space<vmem_shared>> -> memref<640xf32, #tpu.memory_space<vmem_shared>>
      tpu.enqueue_dma source(%dma_start3A_27 : memref<640xf32, #tpu.memory_space<vmem_shared>>) target(%dma_start3A : memref<640xf32, #tpu.memory_space<hbm>>) target_semaphore(%run_scoped3A : memref<!tpu.dma_semaphore, #tpu.memory_space<semaphore_mem>>)
      %dma_wait3A = tpu.memref_slice %arg3[%add3A_24] : memref<20480xf32, #tpu.memory_space<hbm>> -> memref<640xf32, #tpu.memory_space<hbm>>
      %dma_wait3A_28 = tpu.memref_slice %arg7[%mul3A_26] : memref<10240xf32, #tpu.memory_space<vmem_shared>> -> memref<640xf32, #tpu.memory_space<vmem_shared>>
      tpu.wait_dma2 semaphore(%run_scoped3A : memref<!tpu.dma_semaphore, #tpu.memory_space<semaphore_mem>>) src(%dma_wait3A_28 : memref<640xf32, #tpu.memory_space<vmem_shared>>) dst(%dma_wait3A : memref<640xf32, #tpu.memory_space<hbm>>)
      tpu.yield
    }) : () -> ()
    return
  }
}

#map = affine_map<(d0, d1) -> (0, 0, 0)>
#map1 = affine_map<(d0, d1) -> (0, 0)>
module attributes {stable_mosaic.version = 14 : i64} {
  func.func @agg_kernel(%arg0: i32, %arg1: i32, %arg2: memref<2x10240x128xf32, #tpu.memory_space<hbm>>, %arg3: memref<1440x112xi32, #tpu.memory_space<hbm>>, %arg4: memref<1440x112xi32, #tpu.memory_space<hbm>>, %arg5: memref<2x10240x128xf32, #tpu.memory_space<hbm>>, %arg6: memref<45x112xi32, #tpu.memory_space<vmem>>, %arg7: memref<45x112xi32, #tpu.memory_space<vmem>>, %arg8: memref<112x64xf32, #tpu.memory_space<vmem>>, %arg9: memref<112x64xf32, #tpu.memory_space<vmem>>, %arg10: memref<112x64xf32, #tpu.memory_space<vmem>>, %arg11: memref<112x64xf32, #tpu.memory_space<vmem>>, %arg12: memref<112x64xf32, #tpu.memory_space<vmem>>, %arg13: memref<10240x64xf32, #tpu.memory_space<vmem_shared>>, %arg14: memref<10240x64xf32, #tpu.memory_space<vmem_shared>>, %arg15: memref<!tpu.dma_semaphore, #tpu.memory_space<semaphore_mem>>, %arg16: memref<!tpu.dma_semaphore, #tpu.memory_space<semaphore_mem>>, %arg17: memref<!tpu.dma_semaphore, #tpu.memory_space<semaphore_mem>>, %arg18: memref<!tpu.dma_semaphore, #tpu.memory_space<semaphore_mem>>, %arg19: memref<!tpu.dma_semaphore, #tpu.memory_space<semaphore_mem>>, %arg20: memref<!tpu.dma_semaphore, #tpu.memory_space<semaphore_mem>>, %arg21: memref<!tpu.dma_semaphore, #tpu.memory_space<semaphore_mem>>, %arg22: memref<!tpu.dma_semaphore, #tpu.memory_space<semaphore_mem>>, %arg23: memref<!tpu.dma_semaphore, #tpu.memory_space<semaphore_mem>>, %arg24: memref<!tpu.dma_semaphore, #tpu.memory_space<semaphore_mem>>) attributes {dimension_semantics = [#tpu.dimension_semantics<core_parallel>, #tpu.dimension_semantics<subcore_parallel>], iteration_bounds = array<i64: 2, 16>, scalar_prefetch = 0 : i64, scratch_operands = 19 : i64, tpu.core_type = #tpu.core_type<sc_vector_subcore>, window_params = [{transform_indices = #map}, {transform_indices = #map1}, {transform_indices = #map1}, {transform_indices = #map}]} {
    %mul3A = arith.constant 640 : i32
    %mul3A_0 = arith.muli %arg1, %mul3A : i32
    %mul3A_1 = arith.constant 640 : i32
    %mul3A_2 = arith.muli %arg1, %mul3A_1 : i32
    %dma_start3A = arith.constant 0 : i32
    %dma_start3A_3 = tpu.memref_slice %arg13[%mul3A_2, %dma_start3A] : memref<10240x64xf32, #tpu.memory_space<vmem_shared>> -> memref<640x64xf32, #tpu.memory_space<vmem_shared>>
    %dma_start3A_4 = arith.constant 0 : i32
    %dma_start3A_5 = tpu.memref_slice %arg2[%arg0, %mul3A_0, %dma_start3A_4] : memref<2x10240x128xf32, #tpu.memory_space<hbm>> -> memref<1x640x64xf32, #tpu.memory_space<hbm>>
    %dma_start3A_6 = tpu.memref_squeeze %dma_start3A_5 : memref<1x640x64xf32, #tpu.memory_space<hbm>> -> memref<640x64xf32, #tpu.memory_space<hbm>>
    tpu.enqueue_dma source(%dma_start3A_6 : memref<640x64xf32, #tpu.memory_space<hbm>>) target(%dma_start3A_3 : memref<640x64xf32, #tpu.memory_space<vmem_shared>>) target_semaphore(%arg15 : memref<!tpu.dma_semaphore, #tpu.memory_space<semaphore_mem>>)
    %mul3A_7 = arith.constant 640 : i32
    %mul3A_8 = arith.muli %arg1, %mul3A_7 : i32
    %mul3A_9 = arith.constant 640 : i32
    %mul3A_10 = arith.muli %arg1, %mul3A_9 : i32
    %dma_start3A_11 = arith.constant 0 : i32
    %dma_start3A_12 = tpu.memref_slice %arg14[%mul3A_10, %dma_start3A_11] : memref<10240x64xf32, #tpu.memory_space<vmem_shared>> -> memref<640x64xf32, #tpu.memory_space<vmem_shared>>
    %dma_start3A_13 = arith.constant 0 : i32
    %dma_start3A_14 = tpu.memref_slice %arg2[%arg0, %mul3A_8, %dma_start3A_13] : memref<2x10240x128xf32, #tpu.memory_space<hbm>> -> memref<1x640x64xf32, #tpu.memory_space<hbm>>
    %dma_start3A_15 = tpu.memref_squeeze %dma_start3A_14 : memref<1x640x64xf32, #tpu.memory_space<hbm>> -> memref<640x64xf32, #tpu.memory_space<hbm>>
    tpu.enqueue_dma source(%dma_start3A_15 : memref<640x64xf32, #tpu.memory_space<hbm>>) target(%dma_start3A_12 : memref<640x64xf32, #tpu.memory_space<vmem_shared>>) target_semaphore(%arg16 : memref<!tpu.dma_semaphore, #tpu.memory_space<semaphore_mem>>)
    %mul3A_16 = arith.constant 640 : i32
    %mul3A_17 = arith.muli %arg1, %mul3A_16 : i32
    %mul3A_18 = arith.constant 640 : i32
    %mul3A_19 = arith.muli %arg1, %mul3A_18 : i32
    %dma_wait3A = arith.constant 0 : i32
    %dma_wait3A_20 = tpu.memref_slice %arg13[%mul3A_19, %dma_wait3A] : memref<10240x64xf32, #tpu.memory_space<vmem_shared>> -> memref<640x64xf32, #tpu.memory_space<vmem_shared>>
    %dma_wait3A_21 = arith.constant 0 : i32
    %dma_wait3A_22 = tpu.memref_slice %arg2[%arg0, %mul3A_17, %dma_wait3A_21] : memref<2x10240x128xf32, #tpu.memory_space<hbm>> -> memref<1x640x64xf32, #tpu.memory_space<hbm>>
    %dma_wait3A_23 = tpu.memref_squeeze %dma_wait3A_22 : memref<1x640x64xf32, #tpu.memory_space<hbm>> -> memref<640x64xf32, #tpu.memory_space<hbm>>
    tpu.wait_dma2 semaphore(%arg15 : memref<!tpu.dma_semaphore, #tpu.memory_space<semaphore_mem>>) src(%dma_wait3A_23 : memref<640x64xf32, #tpu.memory_space<hbm>>) dst(%dma_wait3A_20 : memref<640x64xf32, #tpu.memory_space<vmem_shared>>)
    %mul3A_24 = arith.constant 640 : i32
    %mul3A_25 = arith.muli %arg1, %mul3A_24 : i32
    %mul3A_26 = arith.constant 640 : i32
    %mul3A_27 = arith.muli %arg1, %mul3A_26 : i32
    %dma_wait3A_28 = arith.constant 0 : i32
    %dma_wait3A_29 = tpu.memref_slice %arg14[%mul3A_27, %dma_wait3A_28] : memref<10240x64xf32, #tpu.memory_space<vmem_shared>> -> memref<640x64xf32, #tpu.memory_space<vmem_shared>>
    %dma_wait3A_30 = arith.constant 0 : i32
    %dma_wait3A_31 = tpu.memref_slice %arg2[%arg0, %mul3A_25, %dma_wait3A_30] : memref<2x10240x128xf32, #tpu.memory_space<hbm>> -> memref<1x640x64xf32, #tpu.memory_space<hbm>>
    %dma_wait3A_32 = tpu.memref_squeeze %dma_wait3A_31 : memref<1x640x64xf32, #tpu.memory_space<hbm>> -> memref<640x64xf32, #tpu.memory_space<hbm>>
    tpu.wait_dma2 semaphore(%arg16 : memref<!tpu.dma_semaphore, #tpu.memory_space<semaphore_mem>>) src(%dma_wait3A_32 : memref<640x64xf32, #tpu.memory_space<hbm>>) dst(%dma_wait3A_29 : memref<640x64xf32, #tpu.memory_space<vmem_shared>>)
    %barrier3A = arith.constant 0 : index
    tpu.barrier barrier_id(%barrier3A)
    %scan3A = arith.constant 0 : i32
    %scan3A_33 = arith.constant 2 : i32
    %scan3A_34 = arith.addi %scan3A, %scan3A_33 : i32
    %scan3A_35 = arith.constant 1 : i32
    scf.for %scan3A_91 = %scan3A to %scan3A_34 step %scan3A_35  : i32 {
      %mul3A_92 = arith.constant 90 : i32
      %mul3A_93 = arith.muli %arg1, %mul3A_92 : i32
      %mul3A_94 = arith.constant 45 : i32
      %mul3A_95 = arith.muli %scan3A_91, %mul3A_94 : i32
      %add3A = arith.addi %mul3A_93, %mul3A_95 : i32
      "tpu.region"() ({
        %run_scoped3A = tpu.sem_alloc : memref<!tpu.dma_semaphore, #tpu.memory_space<semaphore_mem>>
        %dma_start3A_136 = arith.constant 0 : i32
        %dma_start3A_137 = tpu.memref_slice %arg3[%add3A, %dma_start3A_136] : memref<1440x112xi32, #tpu.memory_space<hbm>> -> memref<45x112xi32, #tpu.memory_space<hbm>>
        %dma_start3A_138 = arith.constant 0 : i32
        %dma_start3A_139 = tpu.memref_slice %arg3[%add3A, %dma_start3A_138] : memref<1440x112xi32, #tpu.memory_space<hbm>> -> memref<45x112xi32, #tpu.memory_space<hbm>>
        tpu.enqueue_dma source(%dma_start3A_139 : memref<45x112xi32, #tpu.memory_space<hbm>>) target(%arg6 : memref<45x112xi32, #tpu.memory_space<vmem>>) target_semaphore(%run_scoped3A : memref<!tpu.dma_semaphore, #tpu.memory_space<semaphore_mem>>)
        %dma_wait3A_140 = arith.constant 0 : i32
        %dma_wait3A_141 = tpu.memref_slice %arg3[%add3A, %dma_wait3A_140] : memref<1440x112xi32, #tpu.memory_space<hbm>> -> memref<45x112xi32, #tpu.memory_space<hbm>>
        %dma_wait3A_142 = arith.constant 0 : i32
        %dma_wait3A_143 = tpu.memref_slice %arg3[%add3A, %dma_wait3A_142] : memref<1440x112xi32, #tpu.memory_space<hbm>> -> memref<45x112xi32, #tpu.memory_space<hbm>>
        tpu.wait_dma2 semaphore(%run_scoped3A : memref<!tpu.dma_semaphore, #tpu.memory_space<semaphore_mem>>) src(%dma_wait3A_143 : memref<45x112xi32, #tpu.memory_space<hbm>>) dst(%arg6 : memref<45x112xi32, #tpu.memory_space<vmem>>)
        tpu.yield
      }) : () -> ()
      "tpu.region"() ({
        %run_scoped3A = tpu.sem_alloc : memref<!tpu.dma_semaphore, #tpu.memory_space<semaphore_mem>>
        %dma_start3A_136 = arith.constant 0 : i32
        %dma_start3A_137 = tpu.memref_slice %arg4[%add3A, %dma_start3A_136] : memref<1440x112xi32, #tpu.memory_space<hbm>> -> memref<45x112xi32, #tpu.memory_space<hbm>>
        %dma_start3A_138 = arith.constant 0 : i32
        %dma_start3A_139 = tpu.memref_slice %arg4[%add3A, %dma_start3A_138] : memref<1440x112xi32, #tpu.memory_space<hbm>> -> memref<45x112xi32, #tpu.memory_space<hbm>>
        tpu.enqueue_dma source(%dma_start3A_139 : memref<45x112xi32, #tpu.memory_space<hbm>>) target(%arg7 : memref<45x112xi32, #tpu.memory_space<vmem>>) target_semaphore(%run_scoped3A : memref<!tpu.dma_semaphore, #tpu.memory_space<semaphore_mem>>)
        %dma_wait3A_140 = arith.constant 0 : i32
        %dma_wait3A_141 = tpu.memref_slice %arg4[%add3A, %dma_wait3A_140] : memref<1440x112xi32, #tpu.memory_space<hbm>> -> memref<45x112xi32, #tpu.memory_space<hbm>>
        %dma_wait3A_142 = arith.constant 0 : i32
        %dma_wait3A_143 = tpu.memref_slice %arg4[%add3A, %dma_wait3A_142] : memref<1440x112xi32, #tpu.memory_space<hbm>> -> memref<45x112xi32, #tpu.memory_space<hbm>>
        tpu.wait_dma2 semaphore(%run_scoped3A : memref<!tpu.dma_semaphore, #tpu.memory_space<semaphore_mem>>) src(%dma_wait3A_143 : memref<45x112xi32, #tpu.memory_space<hbm>>) dst(%arg7 : memref<45x112xi32, #tpu.memory_space<vmem>>)
        tpu.yield
      }) : () -> ()
      %dma_start3A_96 = arith.constant 0 : i32
      %dma_start3A_97 = arith.constant 0 : i32
      %dma_start3A_98 = tpu.memref_slice %arg6[%dma_start3A_96, %dma_start3A_97] : memref<45x112xi32, #tpu.memory_space<vmem>> -> memref<1x112xi32, #tpu.memory_space<vmem>>
      %dma_start3A_99 = tpu.memref_squeeze %dma_start3A_98 : memref<1x112xi32, #tpu.memory_space<vmem>> -> memref<112xi32, #tpu.memory_space<vmem>>
      %dma_start3A_100 = arith.constant 0 : i32
      %dma_start3A_101 = arith.constant 0 : i32
      %dma_start3A_102 = tpu.memref_slice %arg13[%dma_start3A_100, %dma_start3A_101] : memref<10240x64xf32, #tpu.memory_space<vmem_shared>> -> memref<10240x64xf32, #tpu.memory_space<vmem_shared>>
      tpu.enqueue_indirect_dma source(%dma_start3A_102 : memref<10240x64xf32, #tpu.memory_space<vmem_shared>>) target(%arg8 : memref<112x64xf32, #tpu.memory_space<vmem>>) offsets(%dma_start3A_99 : memref<112xi32, #tpu.memory_space<vmem>>) semaphore(%arg15 : memref<!tpu.dma_semaphore, #tpu.memory_space<semaphore_mem>>)
      %dma_start3A_103 = arith.constant 1 : i32
      %dma_start3A_104 = arith.constant 0 : i32
      %dma_start3A_105 = tpu.memref_slice %arg6[%dma_start3A_103, %dma_start3A_104] : memref<45x112xi32, #tpu.memory_space<vmem>> -> memref<1x112xi32, #tpu.memory_space<vmem>>
      %dma_start3A_106 = tpu.memref_squeeze %dma_start3A_105 : memref<1x112xi32, #tpu.memory_space<vmem>> -> memref<112xi32, #tpu.memory_space<vmem>>
      %dma_start3A_107 = arith.constant 0 : i32
      %dma_start3A_108 = arith.constant 0 : i32
      %dma_start3A_109 = tpu.memref_slice %arg13[%dma_start3A_107, %dma_start3A_108] : memref<10240x64xf32, #tpu.memory_space<vmem_shared>> -> memref<10240x64xf32, #tpu.memory_space<vmem_shared>>
      tpu.enqueue_indirect_dma source(%dma_start3A_109 : memref<10240x64xf32, #tpu.memory_space<vmem_shared>>) target(%arg9 : memref<112x64xf32, #tpu.memory_space<vmem>>) offsets(%dma_start3A_106 : memref<112xi32, #tpu.memory_space<vmem>>) semaphore(%arg16 : memref<!tpu.dma_semaphore, #tpu.memory_space<semaphore_mem>>)
      %dma_start3A_110 = arith.constant 2 : i32
      %dma_start3A_111 = arith.constant 0 : i32
      %dma_start3A_112 = tpu.memref_slice %arg6[%dma_start3A_110, %dma_start3A_111] : memref<45x112xi32, #tpu.memory_space<vmem>> -> memref<1x112xi32, #tpu.memory_space<vmem>>
      %dma_start3A_113 = tpu.memref_squeeze %dma_start3A_112 : memref<1x112xi32, #tpu.memory_space<vmem>> -> memref<112xi32, #tpu.memory_space<vmem>>
      %dma_start3A_114 = arith.constant 0 : i32
      %dma_start3A_115 = arith.constant 0 : i32
      %dma_start3A_116 = tpu.memref_slice %arg13[%dma_start3A_114, %dma_start3A_115] : memref<10240x64xf32, #tpu.memory_space<vmem_shared>> -> memref<10240x64xf32, #tpu.memory_space<vmem_shared>>
      tpu.enqueue_indirect_dma source(%dma_start3A_116 : memref<10240x64xf32, #tpu.memory_space<vmem_shared>>) target(%arg10 : memref<112x64xf32, #tpu.memory_space<vmem>>) offsets(%dma_start3A_113 : memref<112xi32, #tpu.memory_space<vmem>>) semaphore(%arg17 : memref<!tpu.dma_semaphore, #tpu.memory_space<semaphore_mem>>)
      %scan3A_117 = arith.constant 0 : i32
      %scan3A_118 = arith.constant 9 : i32
      %scan3A_119 = arith.addi %scan3A_117, %scan3A_118 : i32
      %scan3A_120 = arith.constant 1 : i32
      scf.for %scan3A_136 = %scan3A_117 to %scan3A_119 step %scan3A_120  : i32 {
        %mul3A_137 = arith.constant 5 : i32
        %mul3A_138 = arith.muli %mul3A_137, %scan3A_136 : i32
        %add3A_139 = arith.constant 0 : i32
        %add3A_140 = arith.addi %mul3A_138, %add3A_139 : i32
        %dma_wait3A_141 = arith.constant 0 : i32
        %dma_wait3A_142 = tpu.memref_slice %arg6[%add3A_140, %dma_wait3A_141] : memref<45x112xi32, #tpu.memory_space<vmem>> -> memref<1x112xi32, #tpu.memory_space<vmem>>
        %dma_wait3A_143 = tpu.memref_squeeze %dma_wait3A_142 : memref<1x112xi32, #tpu.memory_space<vmem>> -> memref<112xi32, #tpu.memory_space<vmem>>
        %dma_wait3A_144 = arith.constant 0 : i32
        %dma_wait3A_145 = arith.constant 0 : i32
        %dma_wait3A_146 = tpu.memref_slice %arg13[%dma_wait3A_144, %dma_wait3A_145] : memref<10240x64xf32, #tpu.memory_space<vmem_shared>> -> memref<10240x64xf32, #tpu.memory_space<vmem_shared>>
        tpu.wait_indirect_dma semaphore(%arg15 : memref<!tpu.dma_semaphore, #tpu.memory_space<semaphore_mem>>) src(%dma_wait3A_146 : memref<10240x64xf32, #tpu.memory_space<vmem_shared>>) dst(%arg8 : memref<112x64xf32, #tpu.memory_space<vmem>>)
        %dma_start3A_147 = arith.constant 0 : i32
        %dma_start3A_148 = tpu.memref_slice %arg7[%add3A_140, %dma_start3A_147] : memref<45x112xi32, #tpu.memory_space<vmem>> -> memref<1x112xi32, #tpu.memory_space<vmem>>
        %dma_start3A_149 = tpu.memref_squeeze %dma_start3A_148 : memref<1x112xi32, #tpu.memory_space<vmem>> -> memref<112xi32, #tpu.memory_space<vmem>>
        %dma_start3A_150 = arith.constant 0 : i32
        %dma_start3A_151 = arith.constant 0 : i32
        %dma_start3A_152 = tpu.memref_slice %arg14[%dma_start3A_150, %dma_start3A_151] : memref<10240x64xf32, #tpu.memory_space<vmem_shared>> -> memref<10240x64xf32, #tpu.memory_space<vmem_shared>>
        tpu.enqueue_indirect_dma source(%arg8 : memref<112x64xf32, #tpu.memory_space<vmem>>) target(%dma_start3A_152 : memref<10240x64xf32, #tpu.memory_space<vmem_shared>>) offsets(%dma_start3A_149 : memref<112xi32, #tpu.memory_space<vmem>>) semaphore(%arg20 : memref<!tpu.dma_semaphore, #tpu.memory_space<semaphore_mem>>) {add = true}
        %ge3A = arith.constant 2 : i32
        %ge3A_153 = arith.cmpi sge, %add3A_140, %ge3A : i32
        %convert_element_type3A = arith.extui %ge3A_153 : i1 to i32
        %cond3A = arith.constant 0 : i32
        %cond3A_154 = arith.cmpi ne, %convert_element_type3A, %cond3A : i32
        scf.if %cond3A_154 {
          %dma_wait3A_273 = arith.constant 0 : i32
          %dma_wait3A_274 = tpu.memref_slice %arg7[%add3A_140, %dma_wait3A_273] : memref<45x112xi32, #tpu.memory_space<vmem>> -> memref<1x112xi32, #tpu.memory_space<vmem>>
          %dma_wait3A_275 = tpu.memref_squeeze %dma_wait3A_274 : memref<1x112xi32, #tpu.memory_space<vmem>> -> memref<112xi32, #tpu.memory_space<vmem>>
          %dma_wait3A_276 = arith.constant 0 : i32
          %dma_wait3A_277 = arith.constant 0 : i32
          %dma_wait3A_278 = tpu.memref_slice %arg14[%dma_wait3A_276, %dma_wait3A_277] : memref<10240x64xf32, #tpu.memory_space<vmem_shared>> -> memref<10240x64xf32, #tpu.memory_space<vmem_shared>>
          tpu.wait_indirect_dma semaphore(%arg23 : memref<!tpu.dma_semaphore, #tpu.memory_space<semaphore_mem>>) src(%arg11 : memref<112x64xf32, #tpu.memory_space<vmem>>) dst(%dma_wait3A_278 : memref<10240x64xf32, #tpu.memory_space<vmem_shared>>)
        } else {
        }
        %add3A_155 = arith.constant 3 : i32
        %add3A_156 = arith.addi %add3A_140, %add3A_155 : i32
        %lt3A = arith.constant 45 : i32
        %lt3A_157 = arith.cmpi slt, %add3A_156, %lt3A : i32
        %convert_element_type3A_158 = arith.extui %lt3A_157 : i1 to i32
        %cond3A_159 = arith.constant 0 : i32
        %cond3A_160 = arith.cmpi ne, %convert_element_type3A_158, %cond3A_159 : i32
        scf.if %cond3A_160 {
          %add3A_273 = arith.constant 3 : i32
          %add3A_274 = arith.addi %add3A_140, %add3A_273 : i32
          %dma_start3A_275 = arith.constant 0 : i32
          %dma_start3A_276 = tpu.memref_slice %arg6[%add3A_274, %dma_start3A_275] : memref<45x112xi32, #tpu.memory_space<vmem>> -> memref<1x112xi32, #tpu.memory_space<vmem>>
          %dma_start3A_277 = tpu.memref_squeeze %dma_start3A_276 : memref<1x112xi32, #tpu.memory_space<vmem>> -> memref<112xi32, #tpu.memory_space<vmem>>
          %dma_start3A_278 = arith.constant 0 : i32
          %dma_start3A_279 = arith.constant 0 : i32
          %dma_start3A_280 = tpu.memref_slice %arg13[%dma_start3A_278, %dma_start3A_279] : memref<10240x64xf32, #tpu.memory_space<vmem_shared>> -> memref<10240x64xf32, #tpu.memory_space<vmem_shared>>
          tpu.enqueue_indirect_dma source(%dma_start3A_280 : memref<10240x64xf32, #tpu.memory_space<vmem_shared>>) target(%arg11 : memref<112x64xf32, #tpu.memory_space<vmem>>) offsets(%dma_start3A_277 : memref<112xi32, #tpu.memory_space<vmem>>) semaphore(%arg18 : memref<!tpu.dma_semaphore, #tpu.memory_space<semaphore_mem>>)
        } else {
        }
        %mul3A_161 = arith.constant 5 : i32
        %mul3A_162 = arith.muli %mul3A_161, %scan3A_136 : i32
        %add3A_163 = arith.constant 1 : i32
        %add3A_164 = arith.addi %mul3A_162, %add3A_163 : i32
        %dma_wait3A_165 = arith.constant 0 : i32
        %dma_wait3A_166 = tpu.memref_slice %arg6[%add3A_164, %dma_wait3A_165] : memref<45x112xi32, #tpu.memory_space<vmem>> -> memref<1x112xi32, #tpu.memory_space<vmem>>
        %dma_wait3A_167 = tpu.memref_squeeze %dma_wait3A_166 : memref<1x112xi32, #tpu.memory_space<vmem>> -> memref<112xi32, #tpu.memory_space<vmem>>
        %dma_wait3A_168 = arith.constant 0 : i32
        %dma_wait3A_169 = arith.constant 0 : i32
        %dma_wait3A_170 = tpu.memref_slice %arg13[%dma_wait3A_168, %dma_wait3A_169] : memref<10240x64xf32, #tpu.memory_space<vmem_shared>> -> memref<10240x64xf32, #tpu.memory_space<vmem_shared>>
        tpu.wait_indirect_dma semaphore(%arg16 : memref<!tpu.dma_semaphore, #tpu.memory_space<semaphore_mem>>) src(%dma_wait3A_170 : memref<10240x64xf32, #tpu.memory_space<vmem_shared>>) dst(%arg9 : memref<112x64xf32, #tpu.memory_space<vmem>>)
        %dma_start3A_171 = arith.constant 0 : i32
        %dma_start3A_172 = tpu.memref_slice %arg7[%add3A_164, %dma_start3A_171] : memref<45x112xi32, #tpu.memory_space<vmem>> -> memref<1x112xi32, #tpu.memory_space<vmem>>
        %dma_start3A_173 = tpu.memref_squeeze %dma_start3A_172 : memref<1x112xi32, #tpu.memory_space<vmem>> -> memref<112xi32, #tpu.memory_space<vmem>>
        %dma_start3A_174 = arith.constant 0 : i32
        %dma_start3A_175 = arith.constant 0 : i32
        %dma_start3A_176 = tpu.memref_slice %arg14[%dma_start3A_174, %dma_start3A_175] : memref<10240x64xf32, #tpu.memory_space<vmem_shared>> -> memref<10240x64xf32, #tpu.memory_space<vmem_shared>>
        tpu.enqueue_indirect_dma source(%arg9 : memref<112x64xf32, #tpu.memory_space<vmem>>) target(%dma_start3A_176 : memref<10240x64xf32, #tpu.memory_space<vmem_shared>>) offsets(%dma_start3A_173 : memref<112xi32, #tpu.memory_space<vmem>>) semaphore(%arg21 : memref<!tpu.dma_semaphore, #tpu.memory_space<semaphore_mem>>) {add = true}
        %ge3A_177 = arith.constant 2 : i32
        %ge3A_178 = arith.cmpi sge, %add3A_164, %ge3A_177 : i32
        %convert_element_type3A_179 = arith.extui %ge3A_178 : i1 to i32
        %cond3A_180 = arith.constant 0 : i32
        %cond3A_181 = arith.cmpi ne, %convert_element_type3A_179, %cond3A_180 : i32
        scf.if %cond3A_181 {
          %dma_wait3A_273 = arith.constant 0 : i32
          %dma_wait3A_274 = tpu.memref_slice %arg7[%add3A_164, %dma_wait3A_273] : memref<45x112xi32, #tpu.memory_space<vmem>> -> memref<1x112xi32, #tpu.memory_space<vmem>>
          %dma_wait3A_275 = tpu.memref_squeeze %dma_wait3A_274 : memref<1x112xi32, #tpu.memory_space<vmem>> -> memref<112xi32, #tpu.memory_space<vmem>>
          %dma_wait3A_276 = arith.constant 0 : i32
          %dma_wait3A_277 = arith.constant 0 : i32
          %dma_wait3A_278 = tpu.memref_slice %arg14[%dma_wait3A_276, %dma_wait3A_277] : memref<10240x64xf32, #tpu.memory_space<vmem_shared>> -> memref<10240x64xf32, #tpu.memory_space<vmem_shared>>
          tpu.wait_indirect_dma semaphore(%arg24 : memref<!tpu.dma_semaphore, #tpu.memory_space<semaphore_mem>>) src(%arg12 : memref<112x64xf32, #tpu.memory_space<vmem>>) dst(%dma_wait3A_278 : memref<10240x64xf32, #tpu.memory_space<vmem_shared>>)
        } else {
        }
        %add3A_182 = arith.constant 3 : i32
        %add3A_183 = arith.addi %add3A_164, %add3A_182 : i32
        %lt3A_184 = arith.constant 45 : i32
        %lt3A_185 = arith.cmpi slt, %add3A_183, %lt3A_184 : i32
        %convert_element_type3A_186 = arith.extui %lt3A_185 : i1 to i32
        %cond3A_187 = arith.constant 0 : i32
        %cond3A_188 = arith.cmpi ne, %convert_element_type3A_186, %cond3A_187 : i32
        scf.if %cond3A_188 {
          %add3A_273 = arith.constant 3 : i32
          %add3A_274 = arith.addi %add3A_164, %add3A_273 : i32
          %dma_start3A_275 = arith.constant 0 : i32
          %dma_start3A_276 = tpu.memref_slice %arg6[%add3A_274, %dma_start3A_275] : memref<45x112xi32, #tpu.memory_space<vmem>> -> memref<1x112xi32, #tpu.memory_space<vmem>>
          %dma_start3A_277 = tpu.memref_squeeze %dma_start3A_276 : memref<1x112xi32, #tpu.memory_space<vmem>> -> memref<112xi32, #tpu.memory_space<vmem>>
          %dma_start3A_278 = arith.constant 0 : i32
          %dma_start3A_279 = arith.constant 0 : i32
          %dma_start3A_280 = tpu.memref_slice %arg13[%dma_start3A_278, %dma_start3A_279] : memref<10240x64xf32, #tpu.memory_space<vmem_shared>> -> memref<10240x64xf32, #tpu.memory_space<vmem_shared>>
          tpu.enqueue_indirect_dma source(%dma_start3A_280 : memref<10240x64xf32, #tpu.memory_space<vmem_shared>>) target(%arg12 : memref<112x64xf32, #tpu.memory_space<vmem>>) offsets(%dma_start3A_277 : memref<112xi32, #tpu.memory_space<vmem>>) semaphore(%arg19 : memref<!tpu.dma_semaphore, #tpu.memory_space<semaphore_mem>>)
        } else {
        }
        %mul3A_189 = arith.constant 5 : i32
        %mul3A_190 = arith.muli %mul3A_189, %scan3A_136 : i32
        %add3A_191 = arith.constant 2 : i32
        %add3A_192 = arith.addi %mul3A_190, %add3A_191 : i32
        %dma_wait3A_193 = arith.constant 0 : i32
        %dma_wait3A_194 = tpu.memref_slice %arg6[%add3A_192, %dma_wait3A_193] : memref<45x112xi32, #tpu.memory_space<vmem>> -> memref<1x112xi32, #tpu.memory_space<vmem>>
        %dma_wait3A_195 = tpu.memref_squeeze %dma_wait3A_194 : memref<1x112xi32, #tpu.memory_space<vmem>> -> memref<112xi32, #tpu.memory_space<vmem>>
        %dma_wait3A_196 = arith.constant 0 : i32
        %dma_wait3A_197 = arith.constant 0 : i32
        %dma_wait3A_198 = tpu.memref_slice %arg13[%dma_wait3A_196, %dma_wait3A_197] : memref<10240x64xf32, #tpu.memory_space<vmem_shared>> -> memref<10240x64xf32, #tpu.memory_space<vmem_shared>>
        tpu.wait_indirect_dma semaphore(%arg17 : memref<!tpu.dma_semaphore, #tpu.memory_space<semaphore_mem>>) src(%dma_wait3A_198 : memref<10240x64xf32, #tpu.memory_space<vmem_shared>>) dst(%arg10 : memref<112x64xf32, #tpu.memory_space<vmem>>)
        %dma_start3A_199 = arith.constant 0 : i32
        %dma_start3A_200 = tpu.memref_slice %arg7[%add3A_192, %dma_start3A_199] : memref<45x112xi32, #tpu.memory_space<vmem>> -> memref<1x112xi32, #tpu.memory_space<vmem>>
        %dma_start3A_201 = tpu.memref_squeeze %dma_start3A_200 : memref<1x112xi32, #tpu.memory_space<vmem>> -> memref<112xi32, #tpu.memory_space<vmem>>
        %dma_start3A_202 = arith.constant 0 : i32
        %dma_start3A_203 = arith.constant 0 : i32
        %dma_start3A_204 = tpu.memref_slice %arg14[%dma_start3A_202, %dma_start3A_203] : memref<10240x64xf32, #tpu.memory_space<vmem_shared>> -> memref<10240x64xf32, #tpu.memory_space<vmem_shared>>
        tpu.enqueue_indirect_dma source(%arg10 : memref<112x64xf32, #tpu.memory_space<vmem>>) target(%dma_start3A_204 : memref<10240x64xf32, #tpu.memory_space<vmem_shared>>) offsets(%dma_start3A_201 : memref<112xi32, #tpu.memory_space<vmem>>) semaphore(%arg22 : memref<!tpu.dma_semaphore, #tpu.memory_space<semaphore_mem>>) {add = true}
        %ge3A_205 = arith.constant 2 : i32
        %ge3A_206 = arith.cmpi sge, %add3A_192, %ge3A_205 : i32
        %convert_element_type3A_207 = arith.extui %ge3A_206 : i1 to i32
        %cond3A_208 = arith.constant 0 : i32
        %cond3A_209 = arith.cmpi ne, %convert_element_type3A_207, %cond3A_208 : i32
        scf.if %cond3A_209 {
          %dma_wait3A_273 = arith.constant 0 : i32
          %dma_wait3A_274 = tpu.memref_slice %arg7[%add3A_192, %dma_wait3A_273] : memref<45x112xi32, #tpu.memory_space<vmem>> -> memref<1x112xi32, #tpu.memory_space<vmem>>
          %dma_wait3A_275 = tpu.memref_squeeze %dma_wait3A_274 : memref<1x112xi32, #tpu.memory_space<vmem>> -> memref<112xi32, #tpu.memory_space<vmem>>
          %dma_wait3A_276 = arith.constant 0 : i32
          %dma_wait3A_277 = arith.constant 0 : i32
          %dma_wait3A_278 = tpu.memref_slice %arg14[%dma_wait3A_276, %dma_wait3A_277] : memref<10240x64xf32, #tpu.memory_space<vmem_shared>> -> memref<10240x64xf32, #tpu.memory_space<vmem_shared>>
          tpu.wait_indirect_dma semaphore(%arg20 : memref<!tpu.dma_semaphore, #tpu.memory_space<semaphore_mem>>) src(%arg8 : memref<112x64xf32, #tpu.memory_space<vmem>>) dst(%dma_wait3A_278 : memref<10240x64xf32, #tpu.memory_space<vmem_shared>>)
        } else {
        }
        %add3A_210 = arith.constant 3 : i32
        %add3A_211 = arith.addi %add3A_192, %add3A_210 : i32
        %lt3A_212 = arith.constant 45 : i32
        %lt3A_213 = arith.cmpi slt, %add3A_211, %lt3A_212 : i32
        %convert_element_type3A_214 = arith.extui %lt3A_213 : i1 to i32
        %cond3A_215 = arith.constant 0 : i32
        %cond3A_216 = arith.cmpi ne, %convert_element_type3A_214, %cond3A_215 : i32
        scf.if %cond3A_216 {
          %add3A_273 = arith.constant 3 : i32
          %add3A_274 = arith.addi %add3A_192, %add3A_273 : i32
          %dma_start3A_275 = arith.constant 0 : i32
          %dma_start3A_276 = tpu.memref_slice %arg6[%add3A_274, %dma_start3A_275] : memref<45x112xi32, #tpu.memory_space<vmem>> -> memref<1x112xi32, #tpu.memory_space<vmem>>
          %dma_start3A_277 = tpu.memref_squeeze %dma_start3A_276 : memref<1x112xi32, #tpu.memory_space<vmem>> -> memref<112xi32, #tpu.memory_space<vmem>>
          %dma_start3A_278 = arith.constant 0 : i32
          %dma_start3A_279 = arith.constant 0 : i32
          %dma_start3A_280 = tpu.memref_slice %arg13[%dma_start3A_278, %dma_start3A_279] : memref<10240x64xf32, #tpu.memory_space<vmem_shared>> -> memref<10240x64xf32, #tpu.memory_space<vmem_shared>>
          tpu.enqueue_indirect_dma source(%dma_start3A_280 : memref<10240x64xf32, #tpu.memory_space<vmem_shared>>) target(%arg8 : memref<112x64xf32, #tpu.memory_space<vmem>>) offsets(%dma_start3A_277 : memref<112xi32, #tpu.memory_space<vmem>>) semaphore(%arg15 : memref<!tpu.dma_semaphore, #tpu.memory_space<semaphore_mem>>)
        } else {
        }
        %mul3A_217 = arith.constant 5 : i32
        %mul3A_218 = arith.muli %mul3A_217, %scan3A_136 : i32
        %add3A_219 = arith.constant 3 : i32
        %add3A_220 = arith.addi %mul3A_218, %add3A_219 : i32
        %dma_wait3A_221 = arith.constant 0 : i32
        %dma_wait3A_222 = tpu.memref_slice %arg6[%add3A_220, %dma_wait3A_221] : memref<45x112xi32, #tpu.memory_space<vmem>> -> memref<1x112xi32, #tpu.memory_space<vmem>>
        %dma_wait3A_223 = tpu.memref_squeeze %dma_wait3A_222 : memref<1x112xi32, #tpu.memory_space<vmem>> -> memref<112xi32, #tpu.memory_space<vmem>>
        %dma_wait3A_224 = arith.constant 0 : i32
        %dma_wait3A_225 = arith.constant 0 : i32
        %dma_wait3A_226 = tpu.memref_slice %arg13[%dma_wait3A_224, %dma_wait3A_225] : memref<10240x64xf32, #tpu.memory_space<vmem_shared>> -> memref<10240x64xf32, #tpu.memory_space<vmem_shared>>
        tpu.wait_indirect_dma semaphore(%arg18 : memref<!tpu.dma_semaphore, #tpu.memory_space<semaphore_mem>>) src(%dma_wait3A_226 : memref<10240x64xf32, #tpu.memory_space<vmem_shared>>) dst(%arg11 : memref<112x64xf32, #tpu.memory_space<vmem>>)
        %dma_start3A_227 = arith.constant 0 : i32
        %dma_start3A_228 = tpu.memref_slice %arg7[%add3A_220, %dma_start3A_227] : memref<45x112xi32, #tpu.memory_space<vmem>> -> memref<1x112xi32, #tpu.memory_space<vmem>>
        %dma_start3A_229 = tpu.memref_squeeze %dma_start3A_228 : memref<1x112xi32, #tpu.memory_space<vmem>> -> memref<112xi32, #tpu.memory_space<vmem>>
        %dma_start3A_230 = arith.constant 0 : i32
        %dma_start3A_231 = arith.constant 0 : i32
        %dma_start3A_232 = tpu.memref_slice %arg14[%dma_start3A_230, %dma_start3A_231] : memref<10240x64xf32, #tpu.memory_space<vmem_shared>> -> memref<10240x64xf32, #tpu.memory_space<vmem_shared>>
        tpu.enqueue_indirect_dma source(%arg11 : memref<112x64xf32, #tpu.memory_space<vmem>>) target(%dma_start3A_232 : memref<10240x64xf32, #tpu.memory_space<vmem_shared>>) offsets(%dma_start3A_229 : memref<112xi32, #tpu.memory_space<vmem>>) semaphore(%arg23 : memref<!tpu.dma_semaphore, #tpu.memory_space<semaphore_mem>>) {add = true}
        %ge3A_233 = arith.constant 2 : i32
        %ge3A_234 = arith.cmpi sge, %add3A_220, %ge3A_233 : i32
        %convert_element_type3A_235 = arith.extui %ge3A_234 : i1 to i32
        %cond3A_236 = arith.constant 0 : i32
        %cond3A_237 = arith.cmpi ne, %convert_element_type3A_235, %cond3A_236 : i32
        scf.if %cond3A_237 {
          %dma_wait3A_273 = arith.constant 0 : i32
          %dma_wait3A_274 = tpu.memref_slice %arg7[%add3A_220, %dma_wait3A_273] : memref<45x112xi32, #tpu.memory_space<vmem>> -> memref<1x112xi32, #tpu.memory_space<vmem>>
          %dma_wait3A_275 = tpu.memref_squeeze %dma_wait3A_274 : memref<1x112xi32, #tpu.memory_space<vmem>> -> memref<112xi32, #tpu.memory_space<vmem>>
          %dma_wait3A_276 = arith.constant 0 : i32
          %dma_wait3A_277 = arith.constant 0 : i32
          %dma_wait3A_278 = tpu.memref_slice %arg14[%dma_wait3A_276, %dma_wait3A_277] : memref<10240x64xf32, #tpu.memory_space<vmem_shared>> -> memref<10240x64xf32, #tpu.memory_space<vmem_shared>>
          tpu.wait_indirect_dma semaphore(%arg21 : memref<!tpu.dma_semaphore, #tpu.memory_space<semaphore_mem>>) src(%arg9 : memref<112x64xf32, #tpu.memory_space<vmem>>) dst(%dma_wait3A_278 : memref<10240x64xf32, #tpu.memory_space<vmem_shared>>)
        } else {
        }
        %add3A_238 = arith.constant 3 : i32
        %add3A_239 = arith.addi %add3A_220, %add3A_238 : i32
        %lt3A_240 = arith.constant 45 : i32
        %lt3A_241 = arith.cmpi slt, %add3A_239, %lt3A_240 : i32
        %convert_element_type3A_242 = arith.extui %lt3A_241 : i1 to i32
        %cond3A_243 = arith.constant 0 : i32
        %cond3A_244 = arith.cmpi ne, %convert_element_type3A_242, %cond3A_243 : i32
        scf.if %cond3A_244 {
          %add3A_273 = arith.constant 3 : i32
          %add3A_274 = arith.addi %add3A_220, %add3A_273 : i32
          %dma_start3A_275 = arith.constant 0 : i32
          %dma_start3A_276 = tpu.memref_slice %arg6[%add3A_274, %dma_start3A_275] : memref<45x112xi32, #tpu.memory_space<vmem>> -> memref<1x112xi32, #tpu.memory_space<vmem>>
          %dma_start3A_277 = tpu.memref_squeeze %dma_start3A_276 : memref<1x112xi32, #tpu.memory_space<vmem>> -> memref<112xi32, #tpu.memory_space<vmem>>
          %dma_start3A_278 = arith.constant 0 : i32
          %dma_start3A_279 = arith.constant 0 : i32
          %dma_start3A_280 = tpu.memref_slice %arg13[%dma_start3A_278, %dma_start3A_279] : memref<10240x64xf32, #tpu.memory_space<vmem_shared>> -> memref<10240x64xf32, #tpu.memory_space<vmem_shared>>
          tpu.enqueue_indirect_dma source(%dma_start3A_280 : memref<10240x64xf32, #tpu.memory_space<vmem_shared>>) target(%arg9 : memref<112x64xf32, #tpu.memory_space<vmem>>) offsets(%dma_start3A_277 : memref<112xi32, #tpu.memory_space<vmem>>) semaphore(%arg16 : memref<!tpu.dma_semaphore, #tpu.memory_space<semaphore_mem>>)
        } else {
        }
        %mul3A_245 = arith.constant 5 : i32
        %mul3A_246 = arith.muli %mul3A_245, %scan3A_136 : i32
        %add3A_247 = arith.constant 4 : i32
        %add3A_248 = arith.addi %mul3A_246, %add3A_247 : i32
        %dma_wait3A_249 = arith.constant 0 : i32
        %dma_wait3A_250 = tpu.memref_slice %arg6[%add3A_248, %dma_wait3A_249] : memref<45x112xi32, #tpu.memory_space<vmem>> -> memref<1x112xi32, #tpu.memory_space<vmem>>
        %dma_wait3A_251 = tpu.memref_squeeze %dma_wait3A_250 : memref<1x112xi32, #tpu.memory_space<vmem>> -> memref<112xi32, #tpu.memory_space<vmem>>
        %dma_wait3A_252 = arith.constant 0 : i32
        %dma_wait3A_253 = arith.constant 0 : i32
        %dma_wait3A_254 = tpu.memref_slice %arg13[%dma_wait3A_252, %dma_wait3A_253] : memref<10240x64xf32, #tpu.memory_space<vmem_shared>> -> memref<10240x64xf32, #tpu.memory_space<vmem_shared>>
        tpu.wait_indirect_dma semaphore(%arg19 : memref<!tpu.dma_semaphore, #tpu.memory_space<semaphore_mem>>) src(%dma_wait3A_254 : memref<10240x64xf32, #tpu.memory_space<vmem_shared>>) dst(%arg12 : memref<112x64xf32, #tpu.memory_space<vmem>>)
        %dma_start3A_255 = arith.constant 0 : i32
        %dma_start3A_256 = tpu.memref_slice %arg7[%add3A_248, %dma_start3A_255] : memref<45x112xi32, #tpu.memory_space<vmem>> -> memref<1x112xi32, #tpu.memory_space<vmem>>
        %dma_start3A_257 = tpu.memref_squeeze %dma_start3A_256 : memref<1x112xi32, #tpu.memory_space<vmem>> -> memref<112xi32, #tpu.memory_space<vmem>>
        %dma_start3A_258 = arith.constant 0 : i32
        %dma_start3A_259 = arith.constant 0 : i32
        %dma_start3A_260 = tpu.memref_slice %arg14[%dma_start3A_258, %dma_start3A_259] : memref<10240x64xf32, #tpu.memory_space<vmem_shared>> -> memref<10240x64xf32, #tpu.memory_space<vmem_shared>>
        tpu.enqueue_indirect_dma source(%arg12 : memref<112x64xf32, #tpu.memory_space<vmem>>) target(%dma_start3A_260 : memref<10240x64xf32, #tpu.memory_space<vmem_shared>>) offsets(%dma_start3A_257 : memref<112xi32, #tpu.memory_space<vmem>>) semaphore(%arg24 : memref<!tpu.dma_semaphore, #tpu.memory_space<semaphore_mem>>) {add = true}
        %ge3A_261 = arith.constant 2 : i32
        %ge3A_262 = arith.cmpi sge, %add3A_248, %ge3A_261 : i32
        %convert_element_type3A_263 = arith.extui %ge3A_262 : i1 to i32
        %cond3A_264 = arith.constant 0 : i32
        %cond3A_265 = arith.cmpi ne, %convert_element_type3A_263, %cond3A_264 : i32
        scf.if %cond3A_265 {
          %dma_wait3A_273 = arith.constant 0 : i32
          %dma_wait3A_274 = tpu.memref_slice %arg7[%add3A_248, %dma_wait3A_273] : memref<45x112xi32, #tpu.memory_space<vmem>> -> memref<1x112xi32, #tpu.memory_space<vmem>>
          %dma_wait3A_275 = tpu.memref_squeeze %dma_wait3A_274 : memref<1x112xi32, #tpu.memory_space<vmem>> -> memref<112xi32, #tpu.memory_space<vmem>>
          %dma_wait3A_276 = arith.constant 0 : i32
          %dma_wait3A_277 = arith.constant 0 : i32
          %dma_wait3A_278 = tpu.memref_slice %arg14[%dma_wait3A_276, %dma_wait3A_277] : memref<10240x64xf32, #tpu.memory_space<vmem_shared>> -> memref<10240x64xf32, #tpu.memory_space<vmem_shared>>
          tpu.wait_indirect_dma semaphore(%arg22 : memref<!tpu.dma_semaphore, #tpu.memory_space<semaphore_mem>>) src(%arg10 : memref<112x64xf32, #tpu.memory_space<vmem>>) dst(%dma_wait3A_278 : memref<10240x64xf32, #tpu.memory_space<vmem_shared>>)
        } else {
        }
        %add3A_266 = arith.constant 3 : i32
        %add3A_267 = arith.addi %add3A_248, %add3A_266 : i32
        %lt3A_268 = arith.constant 45 : i32
        %lt3A_269 = arith.cmpi slt, %add3A_267, %lt3A_268 : i32
        %convert_element_type3A_270 = arith.extui %lt3A_269 : i1 to i32
        %cond3A_271 = arith.constant 0 : i32
        %cond3A_272 = arith.cmpi ne, %convert_element_type3A_270, %cond3A_271 : i32
        scf.if %cond3A_272 {
          %add3A_273 = arith.constant 3 : i32
          %add3A_274 = arith.addi %add3A_248, %add3A_273 : i32
          %dma_start3A_275 = arith.constant 0 : i32
          %dma_start3A_276 = tpu.memref_slice %arg6[%add3A_274, %dma_start3A_275] : memref<45x112xi32, #tpu.memory_space<vmem>> -> memref<1x112xi32, #tpu.memory_space<vmem>>
          %dma_start3A_277 = tpu.memref_squeeze %dma_start3A_276 : memref<1x112xi32, #tpu.memory_space<vmem>> -> memref<112xi32, #tpu.memory_space<vmem>>
          %dma_start3A_278 = arith.constant 0 : i32
          %dma_start3A_279 = arith.constant 0 : i32
          %dma_start3A_280 = tpu.memref_slice %arg13[%dma_start3A_278, %dma_start3A_279] : memref<10240x64xf32, #tpu.memory_space<vmem_shared>> -> memref<10240x64xf32, #tpu.memory_space<vmem_shared>>
          tpu.enqueue_indirect_dma source(%dma_start3A_280 : memref<10240x64xf32, #tpu.memory_space<vmem_shared>>) target(%arg10 : memref<112x64xf32, #tpu.memory_space<vmem>>) offsets(%dma_start3A_277 : memref<112xi32, #tpu.memory_space<vmem>>) semaphore(%arg17 : memref<!tpu.dma_semaphore, #tpu.memory_space<semaphore_mem>>)
        } else {
        }
      }
      %scan3A_121 = arith.constant 9 : i32
      %dma_wait3A_122 = arith.constant 43 : i32
      %dma_wait3A_123 = arith.constant 0 : i32
      %dma_wait3A_124 = tpu.memref_slice %arg7[%dma_wait3A_122, %dma_wait3A_123] : memref<45x112xi32, #tpu.memory_space<vmem>> -> memref<1x112xi32, #tpu.memory_space<vmem>>
      %dma_wait3A_125 = tpu.memref_squeeze %dma_wait3A_124 : memref<1x112xi32, #tpu.memory_space<vmem>> -> memref<112xi32, #tpu.memory_space<vmem>>
      %dma_wait3A_126 = arith.constant 0 : i32
      %dma_wait3A_127 = arith.constant 0 : i32
      %dma_wait3A_128 = tpu.memref_slice %arg14[%dma_wait3A_126, %dma_wait3A_127] : memref<10240x64xf32, #tpu.memory_space<vmem_shared>> -> memref<10240x64xf32, #tpu.memory_space<vmem_shared>>
      tpu.wait_indirect_dma semaphore(%arg23 : memref<!tpu.dma_semaphore, #tpu.memory_space<semaphore_mem>>) src(%arg11 : memref<112x64xf32, #tpu.memory_space<vmem>>) dst(%dma_wait3A_128 : memref<10240x64xf32, #tpu.memory_space<vmem_shared>>)
      %dma_wait3A_129 = arith.constant 44 : i32
      %dma_wait3A_130 = arith.constant 0 : i32
      %dma_wait3A_131 = tpu.memref_slice %arg7[%dma_wait3A_129, %dma_wait3A_130] : memref<45x112xi32, #tpu.memory_space<vmem>> -> memref<1x112xi32, #tpu.memory_space<vmem>>
      %dma_wait3A_132 = tpu.memref_squeeze %dma_wait3A_131 : memref<1x112xi32, #tpu.memory_space<vmem>> -> memref<112xi32, #tpu.memory_space<vmem>>
      %dma_wait3A_133 = arith.constant 0 : i32
      %dma_wait3A_134 = arith.constant 0 : i32
      %dma_wait3A_135 = tpu.memref_slice %arg14[%dma_wait3A_133, %dma_wait3A_134] : memref<10240x64xf32, #tpu.memory_space<vmem_shared>> -> memref<10240x64xf32, #tpu.memory_space<vmem_shared>>
      tpu.wait_indirect_dma semaphore(%arg24 : memref<!tpu.dma_semaphore, #tpu.memory_space<semaphore_mem>>) src(%arg12 : memref<112x64xf32, #tpu.memory_space<vmem>>) dst(%dma_wait3A_135 : memref<10240x64xf32, #tpu.memory_space<vmem_shared>>)
    }
    %scan3A_36 = arith.constant 2 : i32
    %barrier3A_37 = arith.constant 0 : index
    tpu.barrier barrier_id(%barrier3A_37)
    %scan3A_38 = arith.constant 0 : i32
    %scan3A_39 = arith.constant 5 : i32
    %scan3A_40 = arith.addi %scan3A_38, %scan3A_39 : i32
    %scan3A_41 = arith.constant 1 : i32
    scf.for %scan3A_91 = %scan3A_38 to %scan3A_40 step %scan3A_41  : i32 {
      %mul3A_92 = arith.constant 640 : i32
      %mul3A_93 = arith.muli %arg1, %mul3A_92 : i32
      %mul3A_94 = arith.constant 128 : i32
      %mul3A_95 = arith.muli %scan3A_91, %mul3A_94 : i32
      %add3A = arith.addi %mul3A_93, %mul3A_95 : i32
      "tpu.region"() ({
        %run_scoped3A = tpu.sem_alloc : memref<!tpu.dma_semaphore, #tpu.memory_space<semaphore_mem>>
        %dma_start3A_96 = arith.constant 0 : i32
        %dma_start3A_97 = tpu.memref_slice %arg5[%arg0, %add3A, %dma_start3A_96] : memref<2x10240x128xf32, #tpu.memory_space<hbm>> -> memref<1x128x64xf32, #tpu.memory_space<hbm>>
        %dma_start3A_98 = tpu.memref_squeeze %dma_start3A_97 : memref<1x128x64xf32, #tpu.memory_space<hbm>> -> memref<128x64xf32, #tpu.memory_space<hbm>>
        %dma_start3A_99 = arith.constant 0 : i32
        %dma_start3A_100 = tpu.memref_slice %arg14[%add3A, %dma_start3A_99] : memref<10240x64xf32, #tpu.memory_space<vmem_shared>> -> memref<128x64xf32, #tpu.memory_space<vmem_shared>>
        tpu.enqueue_dma source(%dma_start3A_100 : memref<128x64xf32, #tpu.memory_space<vmem_shared>>) target(%dma_start3A_98 : memref<128x64xf32, #tpu.memory_space<hbm>>) target_semaphore(%run_scoped3A : memref<!tpu.dma_semaphore, #tpu.memory_space<semaphore_mem>>)
        %dma_wait3A_101 = arith.constant 0 : i32
        %dma_wait3A_102 = tpu.memref_slice %arg5[%arg0, %add3A, %dma_wait3A_101] : memref<2x10240x128xf32, #tpu.memory_space<hbm>> -> memref<1x128x64xf32, #tpu.memory_space<hbm>>
        %dma_wait3A_103 = tpu.memref_squeeze %dma_wait3A_102 : memref<1x128x64xf32, #tpu.memory_space<hbm>> -> memref<128x64xf32, #tpu.memory_space<hbm>>
        %dma_wait3A_104 = arith.constant 0 : i32
        %dma_wait3A_105 = tpu.memref_slice %arg14[%add3A, %dma_wait3A_104] : memref<10240x64xf32, #tpu.memory_space<vmem_shared>> -> memref<128x64xf32, #tpu.memory_space<vmem_shared>>
        tpu.wait_dma2 semaphore(%run_scoped3A : memref<!tpu.dma_semaphore, #tpu.memory_space<semaphore_mem>>) src(%dma_wait3A_105 : memref<128x64xf32, #tpu.memory_space<vmem_shared>>) dst(%dma_wait3A_103 : memref<128x64xf32, #tpu.memory_space<hbm>>)
        tpu.yield
      }) : () -> ()
    }
    %scan3A_42 = arith.constant 5 : i32
    %mul3A_43 = arith.constant 640 : i32
    %mul3A_44 = arith.muli %arg1, %mul3A_43 : i32
    %mul3A_45 = arith.constant 640 : i32
    %mul3A_46 = arith.muli %arg1, %mul3A_45 : i32
    %dma_start3A_47 = arith.constant 0 : i32
    %dma_start3A_48 = tpu.memref_slice %arg13[%mul3A_46, %dma_start3A_47] : memref<10240x64xf32, #tpu.memory_space<vmem_shared>> -> memref<640x64xf32, #tpu.memory_space<vmem_shared>>
    %dma_start3A_49 = arith.constant 64 : i32
    %dma_start3A_50 = tpu.memref_slice %arg2[%arg0, %mul3A_44, %dma_start3A_49] : memref<2x10240x128xf32, #tpu.memory_space<hbm>> -> memref<1x640x64xf32, #tpu.memory_space<hbm>>
    %dma_start3A_51 = tpu.memref_squeeze %dma_start3A_50 : memref<1x640x64xf32, #tpu.memory_space<hbm>> -> memref<640x64xf32, #tpu.memory_space<hbm>>
    tpu.enqueue_dma source(%dma_start3A_51 : memref<640x64xf32, #tpu.memory_space<hbm>>) target(%dma_start3A_48 : memref<640x64xf32, #tpu.memory_space<vmem_shared>>) target_semaphore(%arg15 : memref<!tpu.dma_semaphore, #tpu.memory_space<semaphore_mem>>)
    %mul3A_52 = arith.constant 640 : i32
    %mul3A_53 = arith.muli %arg1, %mul3A_52 : i32
    %mul3A_54 = arith.constant 640 : i32
    %mul3A_55 = arith.muli %arg1, %mul3A_54 : i32
    %dma_start3A_56 = arith.constant 0 : i32
    %dma_start3A_57 = tpu.memref_slice %arg14[%mul3A_55, %dma_start3A_56] : memref<10240x64xf32, #tpu.memory_space<vmem_shared>> -> memref<640x64xf32, #tpu.memory_space<vmem_shared>>
    %dma_start3A_58 = arith.constant 64 : i32
    %dma_start3A_59 = tpu.memref_slice %arg2[%arg0, %mul3A_53, %dma_start3A_58] : memref<2x10240x128xf32, #tpu.memory_space<hbm>> -> memref<1x640x64xf32, #tpu.memory_space<hbm>>
    %dma_start3A_60 = tpu.memref_squeeze %dma_start3A_59 : memref<1x640x64xf32, #tpu.memory_space<hbm>> -> memref<640x64xf32, #tpu.memory_space<hbm>>
    tpu.enqueue_dma source(%dma_start3A_60 : memref<640x64xf32, #tpu.memory_space<hbm>>) target(%dma_start3A_57 : memref<640x64xf32, #tpu.memory_space<vmem_shared>>) target_semaphore(%arg16 : memref<!tpu.dma_semaphore, #tpu.memory_space<semaphore_mem>>)
    %mul3A_61 = arith.constant 640 : i32
    %mul3A_62 = arith.muli %arg1, %mul3A_61 : i32
    %mul3A_63 = arith.constant 640 : i32
    %mul3A_64 = arith.muli %arg1, %mul3A_63 : i32
    %dma_wait3A_65 = arith.constant 0 : i32
    %dma_wait3A_66 = tpu.memref_slice %arg13[%mul3A_64, %dma_wait3A_65] : memref<10240x64xf32, #tpu.memory_space<vmem_shared>> -> memref<640x64xf32, #tpu.memory_space<vmem_shared>>
    %dma_wait3A_67 = arith.constant 64 : i32
    %dma_wait3A_68 = tpu.memref_slice %arg2[%arg0, %mul3A_62, %dma_wait3A_67] : memref<2x10240x128xf32, #tpu.memory_space<hbm>> -> memref<1x640x64xf32, #tpu.memory_space<hbm>>
    %dma_wait3A_69 = tpu.memref_squeeze %dma_wait3A_68 : memref<1x640x64xf32, #tpu.memory_space<hbm>> -> memref<640x64xf32, #tpu.memory_space<hbm>>
    tpu.wait_dma2 semaphore(%arg15 : memref<!tpu.dma_semaphore, #tpu.memory_space<semaphore_mem>>) src(%dma_wait3A_69 : memref<640x64xf32, #tpu.memory_space<hbm>>) dst(%dma_wait3A_66 : memref<640x64xf32, #tpu.memory_space<vmem_shared>>)
    %mul3A_70 = arith.constant 640 : i32
    %mul3A_71 = arith.muli %arg1, %mul3A_70 : i32
    %mul3A_72 = arith.constant 640 : i32
    %mul3A_73 = arith.muli %arg1, %mul3A_72 : i32
    %dma_wait3A_74 = arith.constant 0 : i32
    %dma_wait3A_75 = tpu.memref_slice %arg14[%mul3A_73, %dma_wait3A_74] : memref<10240x64xf32, #tpu.memory_space<vmem_shared>> -> memref<640x64xf32, #tpu.memory_space<vmem_shared>>
    %dma_wait3A_76 = arith.constant 64 : i32
    %dma_wait3A_77 = tpu.memref_slice %arg2[%arg0, %mul3A_71, %dma_wait3A_76] : memref<2x10240x128xf32, #tpu.memory_space<hbm>> -> memref<1x640x64xf32, #tpu.memory_space<hbm>>
    %dma_wait3A_78 = tpu.memref_squeeze %dma_wait3A_77 : memref<1x640x64xf32, #tpu.memory_space<hbm>> -> memref<640x64xf32, #tpu.memory_space<hbm>>
    tpu.wait_dma2 semaphore(%arg16 : memref<!tpu.dma_semaphore, #tpu.memory_space<semaphore_mem>>) src(%dma_wait3A_78 : memref<640x64xf32, #tpu.memory_space<hbm>>) dst(%dma_wait3A_75 : memref<640x64xf32, #tpu.memory_space<vmem_shared>>)
    %barrier3A_79 = arith.constant 0 : index
    tpu.barrier barrier_id(%barrier3A_79)
    %scan3A_80 = arith.constant 0 : i32
    %scan3A_81 = arith.constant 2 : i32
    %scan3A_82 = arith.addi %scan3A_80, %scan3A_81 : i32
    %scan3A_83 = arith.constant 1 : i32
    scf.for %scan3A_91 = %scan3A_80 to %scan3A_82 step %scan3A_83  : i32 {
      %mul3A_92 = arith.constant 90 : i32
      %mul3A_93 = arith.muli %arg1, %mul3A_92 : i32
      %mul3A_94 = arith.constant 45 : i32
      %mul3A_95 = arith.muli %scan3A_91, %mul3A_94 : i32
      %add3A = arith.addi %mul3A_93, %mul3A_95 : i32
      "tpu.region"() ({
        %run_scoped3A = tpu.sem_alloc : memref<!tpu.dma_semaphore, #tpu.memory_space<semaphore_mem>>
        %dma_start3A_136 = arith.constant 0 : i32
        %dma_start3A_137 = tpu.memref_slice %arg3[%add3A, %dma_start3A_136] : memref<1440x112xi32, #tpu.memory_space<hbm>> -> memref<45x112xi32, #tpu.memory_space<hbm>>
        %dma_start3A_138 = arith.constant 0 : i32
        %dma_start3A_139 = tpu.memref_slice %arg3[%add3A, %dma_start3A_138] : memref<1440x112xi32, #tpu.memory_space<hbm>> -> memref<45x112xi32, #tpu.memory_space<hbm>>
        tpu.enqueue_dma source(%dma_start3A_139 : memref<45x112xi32, #tpu.memory_space<hbm>>) target(%arg6 : memref<45x112xi32, #tpu.memory_space<vmem>>) target_semaphore(%run_scoped3A : memref<!tpu.dma_semaphore, #tpu.memory_space<semaphore_mem>>)
        %dma_wait3A_140 = arith.constant 0 : i32
        %dma_wait3A_141 = tpu.memref_slice %arg3[%add3A, %dma_wait3A_140] : memref<1440x112xi32, #tpu.memory_space<hbm>> -> memref<45x112xi32, #tpu.memory_space<hbm>>
        %dma_wait3A_142 = arith.constant 0 : i32
        %dma_wait3A_143 = tpu.memref_slice %arg3[%add3A, %dma_wait3A_142] : memref<1440x112xi32, #tpu.memory_space<hbm>> -> memref<45x112xi32, #tpu.memory_space<hbm>>
        tpu.wait_dma2 semaphore(%run_scoped3A : memref<!tpu.dma_semaphore, #tpu.memory_space<semaphore_mem>>) src(%dma_wait3A_143 : memref<45x112xi32, #tpu.memory_space<hbm>>) dst(%arg6 : memref<45x112xi32, #tpu.memory_space<vmem>>)
        tpu.yield
      }) : () -> ()
      "tpu.region"() ({
        %run_scoped3A = tpu.sem_alloc : memref<!tpu.dma_semaphore, #tpu.memory_space<semaphore_mem>>
        %dma_start3A_136 = arith.constant 0 : i32
        %dma_start3A_137 = tpu.memref_slice %arg4[%add3A, %dma_start3A_136] : memref<1440x112xi32, #tpu.memory_space<hbm>> -> memref<45x112xi32, #tpu.memory_space<hbm>>
        %dma_start3A_138 = arith.constant 0 : i32
        %dma_start3A_139 = tpu.memref_slice %arg4[%add3A, %dma_start3A_138] : memref<1440x112xi32, #tpu.memory_space<hbm>> -> memref<45x112xi32, #tpu.memory_space<hbm>>
        tpu.enqueue_dma source(%dma_start3A_139 : memref<45x112xi32, #tpu.memory_space<hbm>>) target(%arg7 : memref<45x112xi32, #tpu.memory_space<vmem>>) target_semaphore(%run_scoped3A : memref<!tpu.dma_semaphore, #tpu.memory_space<semaphore_mem>>)
        %dma_wait3A_140 = arith.constant 0 : i32
        %dma_wait3A_141 = tpu.memref_slice %arg4[%add3A, %dma_wait3A_140] : memref<1440x112xi32, #tpu.memory_space<hbm>> -> memref<45x112xi32, #tpu.memory_space<hbm>>
        %dma_wait3A_142 = arith.constant 0 : i32
        %dma_wait3A_143 = tpu.memref_slice %arg4[%add3A, %dma_wait3A_142] : memref<1440x112xi32, #tpu.memory_space<hbm>> -> memref<45x112xi32, #tpu.memory_space<hbm>>
        tpu.wait_dma2 semaphore(%run_scoped3A : memref<!tpu.dma_semaphore, #tpu.memory_space<semaphore_mem>>) src(%dma_wait3A_143 : memref<45x112xi32, #tpu.memory_space<hbm>>) dst(%arg7 : memref<45x112xi32, #tpu.memory_space<vmem>>)
        tpu.yield
      }) : () -> ()
      %dma_start3A_96 = arith.constant 0 : i32
      %dma_start3A_97 = arith.constant 0 : i32
      %dma_start3A_98 = tpu.memref_slice %arg6[%dma_start3A_96, %dma_start3A_97] : memref<45x112xi32, #tpu.memory_space<vmem>> -> memref<1x112xi32, #tpu.memory_space<vmem>>
      %dma_start3A_99 = tpu.memref_squeeze %dma_start3A_98 : memref<1x112xi32, #tpu.memory_space<vmem>> -> memref<112xi32, #tpu.memory_space<vmem>>
      %dma_start3A_100 = arith.constant 0 : i32
      %dma_start3A_101 = arith.constant 0 : i32
      %dma_start3A_102 = tpu.memref_slice %arg13[%dma_start3A_100, %dma_start3A_101] : memref<10240x64xf32, #tpu.memory_space<vmem_shared>> -> memref<10240x64xf32, #tpu.memory_space<vmem_shared>>
      tpu.enqueue_indirect_dma source(%dma_start3A_102 : memref<10240x64xf32, #tpu.memory_space<vmem_shared>>) target(%arg8 : memref<112x64xf32, #tpu.memory_space<vmem>>) offsets(%dma_start3A_99 : memref<112xi32, #tpu.memory_space<vmem>>) semaphore(%arg15 : memref<!tpu.dma_semaphore, #tpu.memory_space<semaphore_mem>>)
      %dma_start3A_103 = arith.constant 1 : i32
      %dma_start3A_104 = arith.constant 0 : i32
      %dma_start3A_105 = tpu.memref_slice %arg6[%dma_start3A_103, %dma_start3A_104] : memref<45x112xi32, #tpu.memory_space<vmem>> -> memref<1x112xi32, #tpu.memory_space<vmem>>
      %dma_start3A_106 = tpu.memref_squeeze %dma_start3A_105 : memref<1x112xi32, #tpu.memory_space<vmem>> -> memref<112xi32, #tpu.memory_space<vmem>>
      %dma_start3A_107 = arith.constant 0 : i32
      %dma_start3A_108 = arith.constant 0 : i32
      %dma_start3A_109 = tpu.memref_slice %arg13[%dma_start3A_107, %dma_start3A_108] : memref<10240x64xf32, #tpu.memory_space<vmem_shared>> -> memref<10240x64xf32, #tpu.memory_space<vmem_shared>>
      tpu.enqueue_indirect_dma source(%dma_start3A_109 : memref<10240x64xf32, #tpu.memory_space<vmem_shared>>) target(%arg9 : memref<112x64xf32, #tpu.memory_space<vmem>>) offsets(%dma_start3A_106 : memref<112xi32, #tpu.memory_space<vmem>>) semaphore(%arg16 : memref<!tpu.dma_semaphore, #tpu.memory_space<semaphore_mem>>)
      %dma_start3A_110 = arith.constant 2 : i32
      %dma_start3A_111 = arith.constant 0 : i32
      %dma_start3A_112 = tpu.memref_slice %arg6[%dma_start3A_110, %dma_start3A_111] : memref<45x112xi32, #tpu.memory_space<vmem>> -> memref<1x112xi32, #tpu.memory_space<vmem>>
      %dma_start3A_113 = tpu.memref_squeeze %dma_start3A_112 : memref<1x112xi32, #tpu.memory_space<vmem>> -> memref<112xi32, #tpu.memory_space<vmem>>
      %dma_start3A_114 = arith.constant 0 : i32
      %dma_start3A_115 = arith.constant 0 : i32
      %dma_start3A_116 = tpu.memref_slice %arg13[%dma_start3A_114, %dma_start3A_115] : memref<10240x64xf32, #tpu.memory_space<vmem_shared>> -> memref<10240x64xf32, #tpu.memory_space<vmem_shared>>
      tpu.enqueue_indirect_dma source(%dma_start3A_116 : memref<10240x64xf32, #tpu.memory_space<vmem_shared>>) target(%arg10 : memref<112x64xf32, #tpu.memory_space<vmem>>) offsets(%dma_start3A_113 : memref<112xi32, #tpu.memory_space<vmem>>) semaphore(%arg17 : memref<!tpu.dma_semaphore, #tpu.memory_space<semaphore_mem>>)
      %scan3A_117 = arith.constant 0 : i32
      %scan3A_118 = arith.constant 9 : i32
      %scan3A_119 = arith.addi %scan3A_117, %scan3A_118 : i32
      %scan3A_120 = arith.constant 1 : i32
      scf.for %scan3A_136 = %scan3A_117 to %scan3A_119 step %scan3A_120  : i32 {
        %mul3A_137 = arith.constant 5 : i32
        %mul3A_138 = arith.muli %mul3A_137, %scan3A_136 : i32
        %add3A_139 = arith.constant 0 : i32
        %add3A_140 = arith.addi %mul3A_138, %add3A_139 : i32
        %dma_wait3A_141 = arith.constant 0 : i32
        %dma_wait3A_142 = tpu.memref_slice %arg6[%add3A_140, %dma_wait3A_141] : memref<45x112xi32, #tpu.memory_space<vmem>> -> memref<1x112xi32, #tpu.memory_space<vmem>>
        %dma_wait3A_143 = tpu.memref_squeeze %dma_wait3A_142 : memref<1x112xi32, #tpu.memory_space<vmem>> -> memref<112xi32, #tpu.memory_space<vmem>>
        %dma_wait3A_144 = arith.constant 0 : i32
        %dma_wait3A_145 = arith.constant 0 : i32
        %dma_wait3A_146 = tpu.memref_slice %arg13[%dma_wait3A_144, %dma_wait3A_145] : memref<10240x64xf32, #tpu.memory_space<vmem_shared>> -> memref<10240x64xf32, #tpu.memory_space<vmem_shared>>
        tpu.wait_indirect_dma semaphore(%arg15 : memref<!tpu.dma_semaphore, #tpu.memory_space<semaphore_mem>>) src(%dma_wait3A_146 : memref<10240x64xf32, #tpu.memory_space<vmem_shared>>) dst(%arg8 : memref<112x64xf32, #tpu.memory_space<vmem>>)
        %dma_start3A_147 = arith.constant 0 : i32
        %dma_start3A_148 = tpu.memref_slice %arg7[%add3A_140, %dma_start3A_147] : memref<45x112xi32, #tpu.memory_space<vmem>> -> memref<1x112xi32, #tpu.memory_space<vmem>>
        %dma_start3A_149 = tpu.memref_squeeze %dma_start3A_148 : memref<1x112xi32, #tpu.memory_space<vmem>> -> memref<112xi32, #tpu.memory_space<vmem>>
        %dma_start3A_150 = arith.constant 0 : i32
        %dma_start3A_151 = arith.constant 0 : i32
        %dma_start3A_152 = tpu.memref_slice %arg14[%dma_start3A_150, %dma_start3A_151] : memref<10240x64xf32, #tpu.memory_space<vmem_shared>> -> memref<10240x64xf32, #tpu.memory_space<vmem_shared>>
        tpu.enqueue_indirect_dma source(%arg8 : memref<112x64xf32, #tpu.memory_space<vmem>>) target(%dma_start3A_152 : memref<10240x64xf32, #tpu.memory_space<vmem_shared>>) offsets(%dma_start3A_149 : memref<112xi32, #tpu.memory_space<vmem>>) semaphore(%arg20 : memref<!tpu.dma_semaphore, #tpu.memory_space<semaphore_mem>>) {add = true}
        %ge3A = arith.constant 2 : i32
        %ge3A_153 = arith.cmpi sge, %add3A_140, %ge3A : i32
        %convert_element_type3A = arith.extui %ge3A_153 : i1 to i32
        %cond3A = arith.constant 0 : i32
        %cond3A_154 = arith.cmpi ne, %convert_element_type3A, %cond3A : i32
        scf.if %cond3A_154 {
          %dma_wait3A_273 = arith.constant 0 : i32
          %dma_wait3A_274 = tpu.memref_slice %arg7[%add3A_140, %dma_wait3A_273] : memref<45x112xi32, #tpu.memory_space<vmem>> -> memref<1x112xi32, #tpu.memory_space<vmem>>
          %dma_wait3A_275 = tpu.memref_squeeze %dma_wait3A_274 : memref<1x112xi32, #tpu.memory_space<vmem>> -> memref<112xi32, #tpu.memory_space<vmem>>
          %dma_wait3A_276 = arith.constant 0 : i32
          %dma_wait3A_277 = arith.constant 0 : i32
          %dma_wait3A_278 = tpu.memref_slice %arg14[%dma_wait3A_276, %dma_wait3A_277] : memref<10240x64xf32, #tpu.memory_space<vmem_shared>> -> memref<10240x64xf32, #tpu.memory_space<vmem_shared>>
          tpu.wait_indirect_dma semaphore(%arg23 : memref<!tpu.dma_semaphore, #tpu.memory_space<semaphore_mem>>) src(%arg11 : memref<112x64xf32, #tpu.memory_space<vmem>>) dst(%dma_wait3A_278 : memref<10240x64xf32, #tpu.memory_space<vmem_shared>>)
        } else {
        }
        %add3A_155 = arith.constant 3 : i32
        %add3A_156 = arith.addi %add3A_140, %add3A_155 : i32
        %lt3A = arith.constant 45 : i32
        %lt3A_157 = arith.cmpi slt, %add3A_156, %lt3A : i32
        %convert_element_type3A_158 = arith.extui %lt3A_157 : i1 to i32
        %cond3A_159 = arith.constant 0 : i32
        %cond3A_160 = arith.cmpi ne, %convert_element_type3A_158, %cond3A_159 : i32
        scf.if %cond3A_160 {
          %add3A_273 = arith.constant 3 : i32
          %add3A_274 = arith.addi %add3A_140, %add3A_273 : i32
          %dma_start3A_275 = arith.constant 0 : i32
          %dma_start3A_276 = tpu.memref_slice %arg6[%add3A_274, %dma_start3A_275] : memref<45x112xi32, #tpu.memory_space<vmem>> -> memref<1x112xi32, #tpu.memory_space<vmem>>
          %dma_start3A_277 = tpu.memref_squeeze %dma_start3A_276 : memref<1x112xi32, #tpu.memory_space<vmem>> -> memref<112xi32, #tpu.memory_space<vmem>>
          %dma_start3A_278 = arith.constant 0 : i32
          %dma_start3A_279 = arith.constant 0 : i32
          %dma_start3A_280 = tpu.memref_slice %arg13[%dma_start3A_278, %dma_start3A_279] : memref<10240x64xf32, #tpu.memory_space<vmem_shared>> -> memref<10240x64xf32, #tpu.memory_space<vmem_shared>>
          tpu.enqueue_indirect_dma source(%dma_start3A_280 : memref<10240x64xf32, #tpu.memory_space<vmem_shared>>) target(%arg11 : memref<112x64xf32, #tpu.memory_space<vmem>>) offsets(%dma_start3A_277 : memref<112xi32, #tpu.memory_space<vmem>>) semaphore(%arg18 : memref<!tpu.dma_semaphore, #tpu.memory_space<semaphore_mem>>)
        } else {
        }
        %mul3A_161 = arith.constant 5 : i32
        %mul3A_162 = arith.muli %mul3A_161, %scan3A_136 : i32
        %add3A_163 = arith.constant 1 : i32
        %add3A_164 = arith.addi %mul3A_162, %add3A_163 : i32
        %dma_wait3A_165 = arith.constant 0 : i32
        %dma_wait3A_166 = tpu.memref_slice %arg6[%add3A_164, %dma_wait3A_165] : memref<45x112xi32, #tpu.memory_space<vmem>> -> memref<1x112xi32, #tpu.memory_space<vmem>>
        %dma_wait3A_167 = tpu.memref_squeeze %dma_wait3A_166 : memref<1x112xi32, #tpu.memory_space<vmem>> -> memref<112xi32, #tpu.memory_space<vmem>>
        %dma_wait3A_168 = arith.constant 0 : i32
        %dma_wait3A_169 = arith.constant 0 : i32
        %dma_wait3A_170 = tpu.memref_slice %arg13[%dma_wait3A_168, %dma_wait3A_169] : memref<10240x64xf32, #tpu.memory_space<vmem_shared>> -> memref<10240x64xf32, #tpu.memory_space<vmem_shared>>
        tpu.wait_indirect_dma semaphore(%arg16 : memref<!tpu.dma_semaphore, #tpu.memory_space<semaphore_mem>>) src(%dma_wait3A_170 : memref<10240x64xf32, #tpu.memory_space<vmem_shared>>) dst(%arg9 : memref<112x64xf32, #tpu.memory_space<vmem>>)
        %dma_start3A_171 = arith.constant 0 : i32
        %dma_start3A_172 = tpu.memref_slice %arg7[%add3A_164, %dma_start3A_171] : memref<45x112xi32, #tpu.memory_space<vmem>> -> memref<1x112xi32, #tpu.memory_space<vmem>>
        %dma_start3A_173 = tpu.memref_squeeze %dma_start3A_172 : memref<1x112xi32, #tpu.memory_space<vmem>> -> memref<112xi32, #tpu.memory_space<vmem>>
        %dma_start3A_174 = arith.constant 0 : i32
        %dma_start3A_175 = arith.constant 0 : i32
        %dma_start3A_176 = tpu.memref_slice %arg14[%dma_start3A_174, %dma_start3A_175] : memref<10240x64xf32, #tpu.memory_space<vmem_shared>> -> memref<10240x64xf32, #tpu.memory_space<vmem_shared>>
        tpu.enqueue_indirect_dma source(%arg9 : memref<112x64xf32, #tpu.memory_space<vmem>>) target(%dma_start3A_176 : memref<10240x64xf32, #tpu.memory_space<vmem_shared>>) offsets(%dma_start3A_173 : memref<112xi32, #tpu.memory_space<vmem>>) semaphore(%arg21 : memref<!tpu.dma_semaphore, #tpu.memory_space<semaphore_mem>>) {add = true}
        %ge3A_177 = arith.constant 2 : i32
        %ge3A_178 = arith.cmpi sge, %add3A_164, %ge3A_177 : i32
        %convert_element_type3A_179 = arith.extui %ge3A_178 : i1 to i32
        %cond3A_180 = arith.constant 0 : i32
        %cond3A_181 = arith.cmpi ne, %convert_element_type3A_179, %cond3A_180 : i32
        scf.if %cond3A_181 {
          %dma_wait3A_273 = arith.constant 0 : i32
          %dma_wait3A_274 = tpu.memref_slice %arg7[%add3A_164, %dma_wait3A_273] : memref<45x112xi32, #tpu.memory_space<vmem>> -> memref<1x112xi32, #tpu.memory_space<vmem>>
          %dma_wait3A_275 = tpu.memref_squeeze %dma_wait3A_274 : memref<1x112xi32, #tpu.memory_space<vmem>> -> memref<112xi32, #tpu.memory_space<vmem>>
          %dma_wait3A_276 = arith.constant 0 : i32
          %dma_wait3A_277 = arith.constant 0 : i32
          %dma_wait3A_278 = tpu.memref_slice %arg14[%dma_wait3A_276, %dma_wait3A_277] : memref<10240x64xf32, #tpu.memory_space<vmem_shared>> -> memref<10240x64xf32, #tpu.memory_space<vmem_shared>>
          tpu.wait_indirect_dma semaphore(%arg24 : memref<!tpu.dma_semaphore, #tpu.memory_space<semaphore_mem>>) src(%arg12 : memref<112x64xf32, #tpu.memory_space<vmem>>) dst(%dma_wait3A_278 : memref<10240x64xf32, #tpu.memory_space<vmem_shared>>)
        } else {
        }
        %add3A_182 = arith.constant 3 : i32
        %add3A_183 = arith.addi %add3A_164, %add3A_182 : i32
        %lt3A_184 = arith.constant 45 : i32
        %lt3A_185 = arith.cmpi slt, %add3A_183, %lt3A_184 : i32
        %convert_element_type3A_186 = arith.extui %lt3A_185 : i1 to i32
        %cond3A_187 = arith.constant 0 : i32
        %cond3A_188 = arith.cmpi ne, %convert_element_type3A_186, %cond3A_187 : i32
        scf.if %cond3A_188 {
          %add3A_273 = arith.constant 3 : i32
          %add3A_274 = arith.addi %add3A_164, %add3A_273 : i32
          %dma_start3A_275 = arith.constant 0 : i32
          %dma_start3A_276 = tpu.memref_slice %arg6[%add3A_274, %dma_start3A_275] : memref<45x112xi32, #tpu.memory_space<vmem>> -> memref<1x112xi32, #tpu.memory_space<vmem>>
          %dma_start3A_277 = tpu.memref_squeeze %dma_start3A_276 : memref<1x112xi32, #tpu.memory_space<vmem>> -> memref<112xi32, #tpu.memory_space<vmem>>
          %dma_start3A_278 = arith.constant 0 : i32
          %dma_start3A_279 = arith.constant 0 : i32
          %dma_start3A_280 = tpu.memref_slice %arg13[%dma_start3A_278, %dma_start3A_279] : memref<10240x64xf32, #tpu.memory_space<vmem_shared>> -> memref<10240x64xf32, #tpu.memory_space<vmem_shared>>
          tpu.enqueue_indirect_dma source(%dma_start3A_280 : memref<10240x64xf32, #tpu.memory_space<vmem_shared>>) target(%arg12 : memref<112x64xf32, #tpu.memory_space<vmem>>) offsets(%dma_start3A_277 : memref<112xi32, #tpu.memory_space<vmem>>) semaphore(%arg19 : memref<!tpu.dma_semaphore, #tpu.memory_space<semaphore_mem>>)
        } else {
        }
        %mul3A_189 = arith.constant 5 : i32
        %mul3A_190 = arith.muli %mul3A_189, %scan3A_136 : i32
        %add3A_191 = arith.constant 2 : i32
        %add3A_192 = arith.addi %mul3A_190, %add3A_191 : i32
        %dma_wait3A_193 = arith.constant 0 : i32
        %dma_wait3A_194 = tpu.memref_slice %arg6[%add3A_192, %dma_wait3A_193] : memref<45x112xi32, #tpu.memory_space<vmem>> -> memref<1x112xi32, #tpu.memory_space<vmem>>
        %dma_wait3A_195 = tpu.memref_squeeze %dma_wait3A_194 : memref<1x112xi32, #tpu.memory_space<vmem>> -> memref<112xi32, #tpu.memory_space<vmem>>
        %dma_wait3A_196 = arith.constant 0 : i32
        %dma_wait3A_197 = arith.constant 0 : i32
        %dma_wait3A_198 = tpu.memref_slice %arg13[%dma_wait3A_196, %dma_wait3A_197] : memref<10240x64xf32, #tpu.memory_space<vmem_shared>> -> memref<10240x64xf32, #tpu.memory_space<vmem_shared>>
        tpu.wait_indirect_dma semaphore(%arg17 : memref<!tpu.dma_semaphore, #tpu.memory_space<semaphore_mem>>) src(%dma_wait3A_198 : memref<10240x64xf32, #tpu.memory_space<vmem_shared>>) dst(%arg10 : memref<112x64xf32, #tpu.memory_space<vmem>>)
        %dma_start3A_199 = arith.constant 0 : i32
        %dma_start3A_200 = tpu.memref_slice %arg7[%add3A_192, %dma_start3A_199] : memref<45x112xi32, #tpu.memory_space<vmem>> -> memref<1x112xi32, #tpu.memory_space<vmem>>
        %dma_start3A_201 = tpu.memref_squeeze %dma_start3A_200 : memref<1x112xi32, #tpu.memory_space<vmem>> -> memref<112xi32, #tpu.memory_space<vmem>>
        %dma_start3A_202 = arith.constant 0 : i32
        %dma_start3A_203 = arith.constant 0 : i32
        %dma_start3A_204 = tpu.memref_slice %arg14[%dma_start3A_202, %dma_start3A_203] : memref<10240x64xf32, #tpu.memory_space<vmem_shared>> -> memref<10240x64xf32, #tpu.memory_space<vmem_shared>>
        tpu.enqueue_indirect_dma source(%arg10 : memref<112x64xf32, #tpu.memory_space<vmem>>) target(%dma_start3A_204 : memref<10240x64xf32, #tpu.memory_space<vmem_shared>>) offsets(%dma_start3A_201 : memref<112xi32, #tpu.memory_space<vmem>>) semaphore(%arg22 : memref<!tpu.dma_semaphore, #tpu.memory_space<semaphore_mem>>) {add = true}
        %ge3A_205 = arith.constant 2 : i32
        %ge3A_206 = arith.cmpi sge, %add3A_192, %ge3A_205 : i32
        %convert_element_type3A_207 = arith.extui %ge3A_206 : i1 to i32
        %cond3A_208 = arith.constant 0 : i32
        %cond3A_209 = arith.cmpi ne, %convert_element_type3A_207, %cond3A_208 : i32
        scf.if %cond3A_209 {
          %dma_wait3A_273 = arith.constant 0 : i32
          %dma_wait3A_274 = tpu.memref_slice %arg7[%add3A_192, %dma_wait3A_273] : memref<45x112xi32, #tpu.memory_space<vmem>> -> memref<1x112xi32, #tpu.memory_space<vmem>>
          %dma_wait3A_275 = tpu.memref_squeeze %dma_wait3A_274 : memref<1x112xi32, #tpu.memory_space<vmem>> -> memref<112xi32, #tpu.memory_space<vmem>>
          %dma_wait3A_276 = arith.constant 0 : i32
          %dma_wait3A_277 = arith.constant 0 : i32
          %dma_wait3A_278 = tpu.memref_slice %arg14[%dma_wait3A_276, %dma_wait3A_277] : memref<10240x64xf32, #tpu.memory_space<vmem_shared>> -> memref<10240x64xf32, #tpu.memory_space<vmem_shared>>
          tpu.wait_indirect_dma semaphore(%arg20 : memref<!tpu.dma_semaphore, #tpu.memory_space<semaphore_mem>>) src(%arg8 : memref<112x64xf32, #tpu.memory_space<vmem>>) dst(%dma_wait3A_278 : memref<10240x64xf32, #tpu.memory_space<vmem_shared>>)
        } else {
        }
        %add3A_210 = arith.constant 3 : i32
        %add3A_211 = arith.addi %add3A_192, %add3A_210 : i32
        %lt3A_212 = arith.constant 45 : i32
        %lt3A_213 = arith.cmpi slt, %add3A_211, %lt3A_212 : i32
        %convert_element_type3A_214 = arith.extui %lt3A_213 : i1 to i32
        %cond3A_215 = arith.constant 0 : i32
        %cond3A_216 = arith.cmpi ne, %convert_element_type3A_214, %cond3A_215 : i32
        scf.if %cond3A_216 {
          %add3A_273 = arith.constant 3 : i32
          %add3A_274 = arith.addi %add3A_192, %add3A_273 : i32
          %dma_start3A_275 = arith.constant 0 : i32
          %dma_start3A_276 = tpu.memref_slice %arg6[%add3A_274, %dma_start3A_275] : memref<45x112xi32, #tpu.memory_space<vmem>> -> memref<1x112xi32, #tpu.memory_space<vmem>>
          %dma_start3A_277 = tpu.memref_squeeze %dma_start3A_276 : memref<1x112xi32, #tpu.memory_space<vmem>> -> memref<112xi32, #tpu.memory_space<vmem>>
          %dma_start3A_278 = arith.constant 0 : i32
          %dma_start3A_279 = arith.constant 0 : i32
          %dma_start3A_280 = tpu.memref_slice %arg13[%dma_start3A_278, %dma_start3A_279] : memref<10240x64xf32, #tpu.memory_space<vmem_shared>> -> memref<10240x64xf32, #tpu.memory_space<vmem_shared>>
          tpu.enqueue_indirect_dma source(%dma_start3A_280 : memref<10240x64xf32, #tpu.memory_space<vmem_shared>>) target(%arg8 : memref<112x64xf32, #tpu.memory_space<vmem>>) offsets(%dma_start3A_277 : memref<112xi32, #tpu.memory_space<vmem>>) semaphore(%arg15 : memref<!tpu.dma_semaphore, #tpu.memory_space<semaphore_mem>>)
        } else {
        }
        %mul3A_217 = arith.constant 5 : i32
        %mul3A_218 = arith.muli %mul3A_217, %scan3A_136 : i32
        %add3A_219 = arith.constant 3 : i32
        %add3A_220 = arith.addi %mul3A_218, %add3A_219 : i32
        %dma_wait3A_221 = arith.constant 0 : i32
        %dma_wait3A_222 = tpu.memref_slice %arg6[%add3A_220, %dma_wait3A_221] : memref<45x112xi32, #tpu.memory_space<vmem>> -> memref<1x112xi32, #tpu.memory_space<vmem>>
        %dma_wait3A_223 = tpu.memref_squeeze %dma_wait3A_222 : memref<1x112xi32, #tpu.memory_space<vmem>> -> memref<112xi32, #tpu.memory_space<vmem>>
        %dma_wait3A_224 = arith.constant 0 : i32
        %dma_wait3A_225 = arith.constant 0 : i32
        %dma_wait3A_226 = tpu.memref_slice %arg13[%dma_wait3A_224, %dma_wait3A_225] : memref<10240x64xf32, #tpu.memory_space<vmem_shared>> -> memref<10240x64xf32, #tpu.memory_space<vmem_shared>>
        tpu.wait_indirect_dma semaphore(%arg18 : memref<!tpu.dma_semaphore, #tpu.memory_space<semaphore_mem>>) src(%dma_wait3A_226 : memref<10240x64xf32, #tpu.memory_space<vmem_shared>>) dst(%arg11 : memref<112x64xf32, #tpu.memory_space<vmem>>)
        %dma_start3A_227 = arith.constant 0 : i32
        %dma_start3A_228 = tpu.memref_slice %arg7[%add3A_220, %dma_start3A_227] : memref<45x112xi32, #tpu.memory_space<vmem>> -> memref<1x112xi32, #tpu.memory_space<vmem>>
        %dma_start3A_229 = tpu.memref_squeeze %dma_start3A_228 : memref<1x112xi32, #tpu.memory_space<vmem>> -> memref<112xi32, #tpu.memory_space<vmem>>
        %dma_start3A_230 = arith.constant 0 : i32
        %dma_start3A_231 = arith.constant 0 : i32
        %dma_start3A_232 = tpu.memref_slice %arg14[%dma_start3A_230, %dma_start3A_231] : memref<10240x64xf32, #tpu.memory_space<vmem_shared>> -> memref<10240x64xf32, #tpu.memory_space<vmem_shared>>
        tpu.enqueue_indirect_dma source(%arg11 : memref<112x64xf32, #tpu.memory_space<vmem>>) target(%dma_start3A_232 : memref<10240x64xf32, #tpu.memory_space<vmem_shared>>) offsets(%dma_start3A_229 : memref<112xi32, #tpu.memory_space<vmem>>) semaphore(%arg23 : memref<!tpu.dma_semaphore, #tpu.memory_space<semaphore_mem>>) {add = true}
        %ge3A_233 = arith.constant 2 : i32
        %ge3A_234 = arith.cmpi sge, %add3A_220, %ge3A_233 : i32
        %convert_element_type3A_235 = arith.extui %ge3A_234 : i1 to i32
        %cond3A_236 = arith.constant 0 : i32
        %cond3A_237 = arith.cmpi ne, %convert_element_type3A_235, %cond3A_236 : i32
        scf.if %cond3A_237 {
          %dma_wait3A_273 = arith.constant 0 : i32
          %dma_wait3A_274 = tpu.memref_slice %arg7[%add3A_220, %dma_wait3A_273] : memref<45x112xi32, #tpu.memory_space<vmem>> -> memref<1x112xi32, #tpu.memory_space<vmem>>
          %dma_wait3A_275 = tpu.memref_squeeze %dma_wait3A_274 : memref<1x112xi32, #tpu.memory_space<vmem>> -> memref<112xi32, #tpu.memory_space<vmem>>
          %dma_wait3A_276 = arith.constant 0 : i32
          %dma_wait3A_277 = arith.constant 0 : i32
          %dma_wait3A_278 = tpu.memref_slice %arg14[%dma_wait3A_276, %dma_wait3A_277] : memref<10240x64xf32, #tpu.memory_space<vmem_shared>> -> memref<10240x64xf32, #tpu.memory_space<vmem_shared>>
          tpu.wait_indirect_dma semaphore(%arg21 : memref<!tpu.dma_semaphore, #tpu.memory_space<semaphore_mem>>) src(%arg9 : memref<112x64xf32, #tpu.memory_space<vmem>>) dst(%dma_wait3A_278 : memref<10240x64xf32, #tpu.memory_space<vmem_shared>>)
        } else {
        }
        %add3A_238 = arith.constant 3 : i32
        %add3A_239 = arith.addi %add3A_220, %add3A_238 : i32
        %lt3A_240 = arith.constant 45 : i32
        %lt3A_241 = arith.cmpi slt, %add3A_239, %lt3A_240 : i32
        %convert_element_type3A_242 = arith.extui %lt3A_241 : i1 to i32
        %cond3A_243 = arith.constant 0 : i32
        %cond3A_244 = arith.cmpi ne, %convert_element_type3A_242, %cond3A_243 : i32
        scf.if %cond3A_244 {
          %add3A_273 = arith.constant 3 : i32
          %add3A_274 = arith.addi %add3A_220, %add3A_273 : i32
          %dma_start3A_275 = arith.constant 0 : i32
          %dma_start3A_276 = tpu.memref_slice %arg6[%add3A_274, %dma_start3A_275] : memref<45x112xi32, #tpu.memory_space<vmem>> -> memref<1x112xi32, #tpu.memory_space<vmem>>
          %dma_start3A_277 = tpu.memref_squeeze %dma_start3A_276 : memref<1x112xi32, #tpu.memory_space<vmem>> -> memref<112xi32, #tpu.memory_space<vmem>>
          %dma_start3A_278 = arith.constant 0 : i32
          %dma_start3A_279 = arith.constant 0 : i32
          %dma_start3A_280 = tpu.memref_slice %arg13[%dma_start3A_278, %dma_start3A_279] : memref<10240x64xf32, #tpu.memory_space<vmem_shared>> -> memref<10240x64xf32, #tpu.memory_space<vmem_shared>>
          tpu.enqueue_indirect_dma source(%dma_start3A_280 : memref<10240x64xf32, #tpu.memory_space<vmem_shared>>) target(%arg9 : memref<112x64xf32, #tpu.memory_space<vmem>>) offsets(%dma_start3A_277 : memref<112xi32, #tpu.memory_space<vmem>>) semaphore(%arg16 : memref<!tpu.dma_semaphore, #tpu.memory_space<semaphore_mem>>)
        } else {
        }
        %mul3A_245 = arith.constant 5 : i32
        %mul3A_246 = arith.muli %mul3A_245, %scan3A_136 : i32
        %add3A_247 = arith.constant 4 : i32
        %add3A_248 = arith.addi %mul3A_246, %add3A_247 : i32
        %dma_wait3A_249 = arith.constant 0 : i32
        %dma_wait3A_250 = tpu.memref_slice %arg6[%add3A_248, %dma_wait3A_249] : memref<45x112xi32, #tpu.memory_space<vmem>> -> memref<1x112xi32, #tpu.memory_space<vmem>>
        %dma_wait3A_251 = tpu.memref_squeeze %dma_wait3A_250 : memref<1x112xi32, #tpu.memory_space<vmem>> -> memref<112xi32, #tpu.memory_space<vmem>>
        %dma_wait3A_252 = arith.constant 0 : i32
        %dma_wait3A_253 = arith.constant 0 : i32
        %dma_wait3A_254 = tpu.memref_slice %arg13[%dma_wait3A_252, %dma_wait3A_253] : memref<10240x64xf32, #tpu.memory_space<vmem_shared>> -> memref<10240x64xf32, #tpu.memory_space<vmem_shared>>
        tpu.wait_indirect_dma semaphore(%arg19 : memref<!tpu.dma_semaphore, #tpu.memory_space<semaphore_mem>>) src(%dma_wait3A_254 : memref<10240x64xf32, #tpu.memory_space<vmem_shared>>) dst(%arg12 : memref<112x64xf32, #tpu.memory_space<vmem>>)
        %dma_start3A_255 = arith.constant 0 : i32
        %dma_start3A_256 = tpu.memref_slice %arg7[%add3A_248, %dma_start3A_255] : memref<45x112xi32, #tpu.memory_space<vmem>> -> memref<1x112xi32, #tpu.memory_space<vmem>>
        %dma_start3A_257 = tpu.memref_squeeze %dma_start3A_256 : memref<1x112xi32, #tpu.memory_space<vmem>> -> memref<112xi32, #tpu.memory_space<vmem>>
        %dma_start3A_258 = arith.constant 0 : i32
        %dma_start3A_259 = arith.constant 0 : i32
        %dma_start3A_260 = tpu.memref_slice %arg14[%dma_start3A_258, %dma_start3A_259] : memref<10240x64xf32, #tpu.memory_space<vmem_shared>> -> memref<10240x64xf32, #tpu.memory_space<vmem_shared>>
        tpu.enqueue_indirect_dma source(%arg12 : memref<112x64xf32, #tpu.memory_space<vmem>>) target(%dma_start3A_260 : memref<10240x64xf32, #tpu.memory_space<vmem_shared>>) offsets(%dma_start3A_257 : memref<112xi32, #tpu.memory_space<vmem>>) semaphore(%arg24 : memref<!tpu.dma_semaphore, #tpu.memory_space<semaphore_mem>>) {add = true}
        %ge3A_261 = arith.constant 2 : i32
        %ge3A_262 = arith.cmpi sge, %add3A_248, %ge3A_261 : i32
        %convert_element_type3A_263 = arith.extui %ge3A_262 : i1 to i32
        %cond3A_264 = arith.constant 0 : i32
        %cond3A_265 = arith.cmpi ne, %convert_element_type3A_263, %cond3A_264 : i32
        scf.if %cond3A_265 {
          %dma_wait3A_273 = arith.constant 0 : i32
          %dma_wait3A_274 = tpu.memref_slice %arg7[%add3A_248, %dma_wait3A_273] : memref<45x112xi32, #tpu.memory_space<vmem>> -> memref<1x112xi32, #tpu.memory_space<vmem>>
          %dma_wait3A_275 = tpu.memref_squeeze %dma_wait3A_274 : memref<1x112xi32, #tpu.memory_space<vmem>> -> memref<112xi32, #tpu.memory_space<vmem>>
          %dma_wait3A_276 = arith.constant 0 : i32
          %dma_wait3A_277 = arith.constant 0 : i32
          %dma_wait3A_278 = tpu.memref_slice %arg14[%dma_wait3A_276, %dma_wait3A_277] : memref<10240x64xf32, #tpu.memory_space<vmem_shared>> -> memref<10240x64xf32, #tpu.memory_space<vmem_shared>>
          tpu.wait_indirect_dma semaphore(%arg22 : memref<!tpu.dma_semaphore, #tpu.memory_space<semaphore_mem>>) src(%arg10 : memref<112x64xf32, #tpu.memory_space<vmem>>) dst(%dma_wait3A_278 : memref<10240x64xf32, #tpu.memory_space<vmem_shared>>)
        } else {
        }
        %add3A_266 = arith.constant 3 : i32
        %add3A_267 = arith.addi %add3A_248, %add3A_266 : i32
        %lt3A_268 = arith.constant 45 : i32
        %lt3A_269 = arith.cmpi slt, %add3A_267, %lt3A_268 : i32
        %convert_element_type3A_270 = arith.extui %lt3A_269 : i1 to i32
        %cond3A_271 = arith.constant 0 : i32
        %cond3A_272 = arith.cmpi ne, %convert_element_type3A_270, %cond3A_271 : i32
        scf.if %cond3A_272 {
          %add3A_273 = arith.constant 3 : i32
          %add3A_274 = arith.addi %add3A_248, %add3A_273 : i32
          %dma_start3A_275 = arith.constant 0 : i32
          %dma_start3A_276 = tpu.memref_slice %arg6[%add3A_274, %dma_start3A_275] : memref<45x112xi32, #tpu.memory_space<vmem>> -> memref<1x112xi32, #tpu.memory_space<vmem>>
          %dma_start3A_277 = tpu.memref_squeeze %dma_start3A_276 : memref<1x112xi32, #tpu.memory_space<vmem>> -> memref<112xi32, #tpu.memory_space<vmem>>
          %dma_start3A_278 = arith.constant 0 : i32
          %dma_start3A_279 = arith.constant 0 : i32
          %dma_start3A_280 = tpu.memref_slice %arg13[%dma_start3A_278, %dma_start3A_279] : memref<10240x64xf32, #tpu.memory_space<vmem_shared>> -> memref<10240x64xf32, #tpu.memory_space<vmem_shared>>
          tpu.enqueue_indirect_dma source(%dma_start3A_280 : memref<10240x64xf32, #tpu.memory_space<vmem_shared>>) target(%arg10 : memref<112x64xf32, #tpu.memory_space<vmem>>) offsets(%dma_start3A_277 : memref<112xi32, #tpu.memory_space<vmem>>) semaphore(%arg17 : memref<!tpu.dma_semaphore, #tpu.memory_space<semaphore_mem>>)
        } else {
        }
      }
      %scan3A_121 = arith.constant 9 : i32
      %dma_wait3A_122 = arith.constant 43 : i32
      %dma_wait3A_123 = arith.constant 0 : i32
      %dma_wait3A_124 = tpu.memref_slice %arg7[%dma_wait3A_122, %dma_wait3A_123] : memref<45x112xi32, #tpu.memory_space<vmem>> -> memref<1x112xi32, #tpu.memory_space<vmem>>
      %dma_wait3A_125 = tpu.memref_squeeze %dma_wait3A_124 : memref<1x112xi32, #tpu.memory_space<vmem>> -> memref<112xi32, #tpu.memory_space<vmem>>
      %dma_wait3A_126 = arith.constant 0 : i32
      %dma_wait3A_127 = arith.constant 0 : i32
      %dma_wait3A_128 = tpu.memref_slice %arg14[%dma_wait3A_126, %dma_wait3A_127] : memref<10240x64xf32, #tpu.memory_space<vmem_shared>> -> memref<10240x64xf32, #tpu.memory_space<vmem_shared>>
      tpu.wait_indirect_dma semaphore(%arg23 : memref<!tpu.dma_semaphore, #tpu.memory_space<semaphore_mem>>) src(%arg11 : memref<112x64xf32, #tpu.memory_space<vmem>>) dst(%dma_wait3A_128 : memref<10240x64xf32, #tpu.memory_space<vmem_shared>>)
      %dma_wait3A_129 = arith.constant 44 : i32
      %dma_wait3A_130 = arith.constant 0 : i32
      %dma_wait3A_131 = tpu.memref_slice %arg7[%dma_wait3A_129, %dma_wait3A_130] : memref<45x112xi32, #tpu.memory_space<vmem>> -> memref<1x112xi32, #tpu.memory_space<vmem>>
      %dma_wait3A_132 = tpu.memref_squeeze %dma_wait3A_131 : memref<1x112xi32, #tpu.memory_space<vmem>> -> memref<112xi32, #tpu.memory_space<vmem>>
      %dma_wait3A_133 = arith.constant 0 : i32
      %dma_wait3A_134 = arith.constant 0 : i32
      %dma_wait3A_135 = tpu.memref_slice %arg14[%dma_wait3A_133, %dma_wait3A_134] : memref<10240x64xf32, #tpu.memory_space<vmem_shared>> -> memref<10240x64xf32, #tpu.memory_space<vmem_shared>>
      tpu.wait_indirect_dma semaphore(%arg24 : memref<!tpu.dma_semaphore, #tpu.memory_space<semaphore_mem>>) src(%arg12 : memref<112x64xf32, #tpu.memory_space<vmem>>) dst(%dma_wait3A_135 : memref<10240x64xf32, #tpu.memory_space<vmem_shared>>)
    }
    %scan3A_84 = arith.constant 2 : i32
    %barrier3A_85 = arith.constant 0 : index
    tpu.barrier barrier_id(%barrier3A_85)
    %scan3A_86 = arith.constant 0 : i32
    %scan3A_87 = arith.constant 5 : i32
    %scan3A_88 = arith.addi %scan3A_86, %scan3A_87 : i32
    %scan3A_89 = arith.constant 1 : i32
    scf.for %scan3A_91 = %scan3A_86 to %scan3A_88 step %scan3A_89  : i32 {
      %mul3A_92 = arith.constant 640 : i32
      %mul3A_93 = arith.muli %arg1, %mul3A_92 : i32
      %mul3A_94 = arith.constant 128 : i32
      %mul3A_95 = arith.muli %scan3A_91, %mul3A_94 : i32
      %add3A = arith.addi %mul3A_93, %mul3A_95 : i32
      "tpu.region"() ({
        %run_scoped3A = tpu.sem_alloc : memref<!tpu.dma_semaphore, #tpu.memory_space<semaphore_mem>>
        %dma_start3A_96 = arith.constant 64 : i32
        %dma_start3A_97 = tpu.memref_slice %arg5[%arg0, %add3A, %dma_start3A_96] : memref<2x10240x128xf32, #tpu.memory_space<hbm>> -> memref<1x128x64xf32, #tpu.memory_space<hbm>>
        %dma_start3A_98 = tpu.memref_squeeze %dma_start3A_97 : memref<1x128x64xf32, #tpu.memory_space<hbm>> -> memref<128x64xf32, #tpu.memory_space<hbm>>
        %dma_start3A_99 = arith.constant 0 : i32
        %dma_start3A_100 = tpu.memref_slice %arg14[%add3A, %dma_start3A_99] : memref<10240x64xf32, #tpu.memory_space<vmem_shared>> -> memref<128x64xf32, #tpu.memory_space<vmem_shared>>
        tpu.enqueue_dma source(%dma_start3A_100 : memref<128x64xf32, #tpu.memory_space<vmem_shared>>) target(%dma_start3A_98 : memref<128x64xf32, #tpu.memory_space<hbm>>) target_semaphore(%run_scoped3A : memref<!tpu.dma_semaphore, #tpu.memory_space<semaphore_mem>>)
        %dma_wait3A_101 = arith.constant 64 : i32
        %dma_wait3A_102 = tpu.memref_slice %arg5[%arg0, %add3A, %dma_wait3A_101] : memref<2x10240x128xf32, #tpu.memory_space<hbm>> -> memref<1x128x64xf32, #tpu.memory_space<hbm>>
        %dma_wait3A_103 = tpu.memref_squeeze %dma_wait3A_102 : memref<1x128x64xf32, #tpu.memory_space<hbm>> -> memref<128x64xf32, #tpu.memory_space<hbm>>
        %dma_wait3A_104 = arith.constant 0 : i32
        %dma_wait3A_105 = tpu.memref_slice %arg14[%add3A, %dma_wait3A_104] : memref<10240x64xf32, #tpu.memory_space<vmem_shared>> -> memref<128x64xf32, #tpu.memory_space<vmem_shared>>
        tpu.wait_dma2 semaphore(%run_scoped3A : memref<!tpu.dma_semaphore, #tpu.memory_space<semaphore_mem>>) src(%dma_wait3A_105 : memref<128x64xf32, #tpu.memory_space<vmem_shared>>) dst(%dma_wait3A_103 : memref<128x64xf32, #tpu.memory_space<hbm>>)
        tpu.yield
      }) : () -> ()
    }
    %scan3A_90 = arith.constant 5 : i32
    return
  }
}

#map = affine_map<(d0, d1) -> (0, 0, 0)>
#map1 = affine_map<(d0, d1) -> (0, 0)>
module attributes {stable_mosaic.version = 14 : i64} {
  func.func @agg_kernel(%arg0: i32, %arg1: i32, %arg2: memref<2x10240x128xf32, #tpu.memory_space<hbm>>, %arg3: memref<1440x112xi32, #tpu.memory_space<hbm>>, %arg4: memref<1440x112xi32, #tpu.memory_space<hbm>>, %arg5: memref<2x10240x128xf32, #tpu.memory_space<hbm>>, %arg6: memref<45x112xi32, #tpu.memory_space<vmem>>, %arg7: memref<45x112xi32, #tpu.memory_space<vmem>>, %arg8: memref<112x64xf32, #tpu.memory_space<vmem>>, %arg9: memref<112x64xf32, #tpu.memory_space<vmem>>, %arg10: memref<112x64xf32, #tpu.memory_space<vmem>>, %arg11: memref<112x64xf32, #tpu.memory_space<vmem>>, %arg12: memref<112x64xf32, #tpu.memory_space<vmem>>, %arg13: memref<10240x64xf32, #tpu.memory_space<vmem_shared>>, %arg14: memref<10240x64xf32, #tpu.memory_space<vmem_shared>>, %arg15: memref<!tpu.dma_semaphore, #tpu.memory_space<semaphore_mem>>, %arg16: memref<!tpu.dma_semaphore, #tpu.memory_space<semaphore_mem>>, %arg17: memref<!tpu.dma_semaphore, #tpu.memory_space<semaphore_mem>>, %arg18: memref<!tpu.dma_semaphore, #tpu.memory_space<semaphore_mem>>, %arg19: memref<!tpu.dma_semaphore, #tpu.memory_space<semaphore_mem>>, %arg20: memref<!tpu.dma_semaphore, #tpu.memory_space<semaphore_mem>>, %arg21: memref<!tpu.dma_semaphore, #tpu.memory_space<semaphore_mem>>, %arg22: memref<!tpu.dma_semaphore, #tpu.memory_space<semaphore_mem>>, %arg23: memref<!tpu.dma_semaphore, #tpu.memory_space<semaphore_mem>>, %arg24: memref<!tpu.dma_semaphore, #tpu.memory_space<semaphore_mem>>) attributes {dimension_semantics = [#tpu.dimension_semantics<core_parallel>, #tpu.dimension_semantics<subcore_parallel>], iteration_bounds = array<i64: 2, 16>, scalar_prefetch = 0 : i64, scratch_operands = 19 : i64, tpu.core_type = #tpu.core_type<sc_vector_subcore>, window_params = [{transform_indices = #map}, {transform_indices = #map1}, {transform_indices = #map1}, {transform_indices = #map}]} {
    %mul3A = arith.constant 640 : i32
    %mul3A_0 = arith.muli %arg1, %mul3A : i32
    %mul3A_1 = arith.constant 640 : i32
    %mul3A_2 = arith.muli %arg1, %mul3A_1 : i32
    %dma_start3A = arith.constant 0 : i32
    %dma_start3A_3 = tpu.memref_slice %arg13[%mul3A_2, %dma_start3A] : memref<10240x64xf32, #tpu.memory_space<vmem_shared>> -> memref<640x64xf32, #tpu.memory_space<vmem_shared>>
    %dma_start3A_4 = arith.constant 0 : i32
    %dma_start3A_5 = tpu.memref_slice %arg2[%arg0, %mul3A_0, %dma_start3A_4] : memref<2x10240x128xf32, #tpu.memory_space<hbm>> -> memref<1x640x64xf32, #tpu.memory_space<hbm>>
    %dma_start3A_6 = tpu.memref_squeeze %dma_start3A_5 : memref<1x640x64xf32, #tpu.memory_space<hbm>> -> memref<640x64xf32, #tpu.memory_space<hbm>>
    tpu.enqueue_dma source(%dma_start3A_6 : memref<640x64xf32, #tpu.memory_space<hbm>>) target(%dma_start3A_3 : memref<640x64xf32, #tpu.memory_space<vmem_shared>>) target_semaphore(%arg15 : memref<!tpu.dma_semaphore, #tpu.memory_space<semaphore_mem>>)
    %mul3A_7 = arith.constant 640 : i32
    %mul3A_8 = arith.muli %arg1, %mul3A_7 : i32
    %mul3A_9 = arith.constant 640 : i32
    %mul3A_10 = arith.muli %arg1, %mul3A_9 : i32
    %dma_start3A_11 = arith.constant 0 : i32
    %dma_start3A_12 = tpu.memref_slice %arg14[%mul3A_10, %dma_start3A_11] : memref<10240x64xf32, #tpu.memory_space<vmem_shared>> -> memref<640x64xf32, #tpu.memory_space<vmem_shared>>
    %dma_start3A_13 = arith.constant 0 : i32
    %dma_start3A_14 = tpu.memref_slice %arg2[%arg0, %mul3A_8, %dma_start3A_13] : memref<2x10240x128xf32, #tpu.memory_space<hbm>> -> memref<1x640x64xf32, #tpu.memory_space<hbm>>
    %dma_start3A_15 = tpu.memref_squeeze %dma_start3A_14 : memref<1x640x64xf32, #tpu.memory_space<hbm>> -> memref<640x64xf32, #tpu.memory_space<hbm>>
    tpu.enqueue_dma source(%dma_start3A_15 : memref<640x64xf32, #tpu.memory_space<hbm>>) target(%dma_start3A_12 : memref<640x64xf32, #tpu.memory_space<vmem_shared>>) target_semaphore(%arg16 : memref<!tpu.dma_semaphore, #tpu.memory_space<semaphore_mem>>)
    %mul3A_16 = arith.constant 640 : i32
    %mul3A_17 = arith.muli %arg1, %mul3A_16 : i32
    %mul3A_18 = arith.constant 640 : i32
    %mul3A_19 = arith.muli %arg1, %mul3A_18 : i32
    %dma_wait3A = arith.constant 0 : i32
    %dma_wait3A_20 = tpu.memref_slice %arg13[%mul3A_19, %dma_wait3A] : memref<10240x64xf32, #tpu.memory_space<vmem_shared>> -> memref<640x64xf32, #tpu.memory_space<vmem_shared>>
    %dma_wait3A_21 = arith.constant 0 : i32
    %dma_wait3A_22 = tpu.memref_slice %arg2[%arg0, %mul3A_17, %dma_wait3A_21] : memref<2x10240x128xf32, #tpu.memory_space<hbm>> -> memref<1x640x64xf32, #tpu.memory_space<hbm>>
    %dma_wait3A_23 = tpu.memref_squeeze %dma_wait3A_22 : memref<1x640x64xf32, #tpu.memory_space<hbm>> -> memref<640x64xf32, #tpu.memory_space<hbm>>
    tpu.wait_dma2 semaphore(%arg15 : memref<!tpu.dma_semaphore, #tpu.memory_space<semaphore_mem>>) src(%dma_wait3A_23 : memref<640x64xf32, #tpu.memory_space<hbm>>) dst(%dma_wait3A_20 : memref<640x64xf32, #tpu.memory_space<vmem_shared>>)
    %mul3A_24 = arith.constant 640 : i32
    %mul3A_25 = arith.muli %arg1, %mul3A_24 : i32
    %mul3A_26 = arith.constant 640 : i32
    %mul3A_27 = arith.muli %arg1, %mul3A_26 : i32
    %dma_wait3A_28 = arith.constant 0 : i32
    %dma_wait3A_29 = tpu.memref_slice %arg14[%mul3A_27, %dma_wait3A_28] : memref<10240x64xf32, #tpu.memory_space<vmem_shared>> -> memref<640x64xf32, #tpu.memory_space<vmem_shared>>
    %dma_wait3A_30 = arith.constant 0 : i32
    %dma_wait3A_31 = tpu.memref_slice %arg2[%arg0, %mul3A_25, %dma_wait3A_30] : memref<2x10240x128xf32, #tpu.memory_space<hbm>> -> memref<1x640x64xf32, #tpu.memory_space<hbm>>
    %dma_wait3A_32 = tpu.memref_squeeze %dma_wait3A_31 : memref<1x640x64xf32, #tpu.memory_space<hbm>> -> memref<640x64xf32, #tpu.memory_space<hbm>>
    tpu.wait_dma2 semaphore(%arg16 : memref<!tpu.dma_semaphore, #tpu.memory_space<semaphore_mem>>) src(%dma_wait3A_32 : memref<640x64xf32, #tpu.memory_space<hbm>>) dst(%dma_wait3A_29 : memref<640x64xf32, #tpu.memory_space<vmem_shared>>)
    %barrier3A = arith.constant 0 : index
    tpu.barrier barrier_id(%barrier3A)
    %scan3A = arith.constant 0 : i32
    %scan3A_33 = arith.constant 2 : i32
    %scan3A_34 = arith.addi %scan3A, %scan3A_33 : i32
    %scan3A_35 = arith.constant 1 : i32
    scf.for %scan3A_91 = %scan3A to %scan3A_34 step %scan3A_35  : i32 {
      %mul3A_92 = arith.constant 90 : i32
      %mul3A_93 = arith.muli %arg1, %mul3A_92 : i32
      %mul3A_94 = arith.constant 45 : i32
      %mul3A_95 = arith.muli %scan3A_91, %mul3A_94 : i32
      %add3A = arith.addi %mul3A_93, %mul3A_95 : i32
      "tpu.region"() ({
        %run_scoped3A = tpu.sem_alloc : memref<!tpu.dma_semaphore, #tpu.memory_space<semaphore_mem>>
        %dma_start3A_136 = arith.constant 0 : i32
        %dma_start3A_137 = tpu.memref_slice %arg3[%add3A, %dma_start3A_136] : memref<1440x112xi32, #tpu.memory_space<hbm>> -> memref<45x112xi32, #tpu.memory_space<hbm>>
        %dma_start3A_138 = arith.constant 0 : i32
        %dma_start3A_139 = tpu.memref_slice %arg3[%add3A, %dma_start3A_138] : memref<1440x112xi32, #tpu.memory_space<hbm>> -> memref<45x112xi32, #tpu.memory_space<hbm>>
        tpu.enqueue_dma source(%dma_start3A_139 : memref<45x112xi32, #tpu.memory_space<hbm>>) target(%arg6 : memref<45x112xi32, #tpu.memory_space<vmem>>) target_semaphore(%run_scoped3A : memref<!tpu.dma_semaphore, #tpu.memory_space<semaphore_mem>>)
        %dma_wait3A_140 = arith.constant 0 : i32
        %dma_wait3A_141 = tpu.memref_slice %arg3[%add3A, %dma_wait3A_140] : memref<1440x112xi32, #tpu.memory_space<hbm>> -> memref<45x112xi32, #tpu.memory_space<hbm>>
        %dma_wait3A_142 = arith.constant 0 : i32
        %dma_wait3A_143 = tpu.memref_slice %arg3[%add3A, %dma_wait3A_142] : memref<1440x112xi32, #tpu.memory_space<hbm>> -> memref<45x112xi32, #tpu.memory_space<hbm>>
        tpu.wait_dma2 semaphore(%run_scoped3A : memref<!tpu.dma_semaphore, #tpu.memory_space<semaphore_mem>>) src(%dma_wait3A_143 : memref<45x112xi32, #tpu.memory_space<hbm>>) dst(%arg6 : memref<45x112xi32, #tpu.memory_space<vmem>>)
        tpu.yield
      }) : () -> ()
      "tpu.region"() ({
        %run_scoped3A = tpu.sem_alloc : memref<!tpu.dma_semaphore, #tpu.memory_space<semaphore_mem>>
        %dma_start3A_136 = arith.constant 0 : i32
        %dma_start3A_137 = tpu.memref_slice %arg4[%add3A, %dma_start3A_136] : memref<1440x112xi32, #tpu.memory_space<hbm>> -> memref<45x112xi32, #tpu.memory_space<hbm>>
        %dma_start3A_138 = arith.constant 0 : i32
        %dma_start3A_139 = tpu.memref_slice %arg4[%add3A, %dma_start3A_138] : memref<1440x112xi32, #tpu.memory_space<hbm>> -> memref<45x112xi32, #tpu.memory_space<hbm>>
        tpu.enqueue_dma source(%dma_start3A_139 : memref<45x112xi32, #tpu.memory_space<hbm>>) target(%arg7 : memref<45x112xi32, #tpu.memory_space<vmem>>) target_semaphore(%run_scoped3A : memref<!tpu.dma_semaphore, #tpu.memory_space<semaphore_mem>>)
        %dma_wait3A_140 = arith.constant 0 : i32
        %dma_wait3A_141 = tpu.memref_slice %arg4[%add3A, %dma_wait3A_140] : memref<1440x112xi32, #tpu.memory_space<hbm>> -> memref<45x112xi32, #tpu.memory_space<hbm>>
        %dma_wait3A_142 = arith.constant 0 : i32
        %dma_wait3A_143 = tpu.memref_slice %arg4[%add3A, %dma_wait3A_142] : memref<1440x112xi32, #tpu.memory_space<hbm>> -> memref<45x112xi32, #tpu.memory_space<hbm>>
        tpu.wait_dma2 semaphore(%run_scoped3A : memref<!tpu.dma_semaphore, #tpu.memory_space<semaphore_mem>>) src(%dma_wait3A_143 : memref<45x112xi32, #tpu.memory_space<hbm>>) dst(%arg7 : memref<45x112xi32, #tpu.memory_space<vmem>>)
        tpu.yield
      }) : () -> ()
      %dma_start3A_96 = arith.constant 0 : i32
      %dma_start3A_97 = arith.constant 0 : i32
      %dma_start3A_98 = tpu.memref_slice %arg6[%dma_start3A_96, %dma_start3A_97] : memref<45x112xi32, #tpu.memory_space<vmem>> -> memref<1x112xi32, #tpu.memory_space<vmem>>
      %dma_start3A_99 = tpu.memref_squeeze %dma_start3A_98 : memref<1x112xi32, #tpu.memory_space<vmem>> -> memref<112xi32, #tpu.memory_space<vmem>>
      %dma_start3A_100 = arith.constant 0 : i32
      %dma_start3A_101 = arith.constant 0 : i32
      %dma_start3A_102 = tpu.memref_slice %arg13[%dma_start3A_100, %dma_start3A_101] : memref<10240x64xf32, #tpu.memory_space<vmem_shared>> -> memref<10240x64xf32, #tpu.memory_space<vmem_shared>>
      tpu.enqueue_indirect_dma source(%dma_start3A_102 : memref<10240x64xf32, #tpu.memory_space<vmem_shared>>) target(%arg8 : memref<112x64xf32, #tpu.memory_space<vmem>>) offsets(%dma_start3A_99 : memref<112xi32, #tpu.memory_space<vmem>>) semaphore(%arg15 : memref<!tpu.dma_semaphore, #tpu.memory_space<semaphore_mem>>)
      %dma_start3A_103 = arith.constant 1 : i32
      %dma_start3A_104 = arith.constant 0 : i32
      %dma_start3A_105 = tpu.memref_slice %arg6[%dma_start3A_103, %dma_start3A_104] : memref<45x112xi32, #tpu.memory_space<vmem>> -> memref<1x112xi32, #tpu.memory_space<vmem>>
      %dma_start3A_106 = tpu.memref_squeeze %dma_start3A_105 : memref<1x112xi32, #tpu.memory_space<vmem>> -> memref<112xi32, #tpu.memory_space<vmem>>
      %dma_start3A_107 = arith.constant 0 : i32
      %dma_start3A_108 = arith.constant 0 : i32
      %dma_start3A_109 = tpu.memref_slice %arg13[%dma_start3A_107, %dma_start3A_108] : memref<10240x64xf32, #tpu.memory_space<vmem_shared>> -> memref<10240x64xf32, #tpu.memory_space<vmem_shared>>
      tpu.enqueue_indirect_dma source(%dma_start3A_109 : memref<10240x64xf32, #tpu.memory_space<vmem_shared>>) target(%arg9 : memref<112x64xf32, #tpu.memory_space<vmem>>) offsets(%dma_start3A_106 : memref<112xi32, #tpu.memory_space<vmem>>) semaphore(%arg16 : memref<!tpu.dma_semaphore, #tpu.memory_space<semaphore_mem>>)
      %dma_start3A_110 = arith.constant 2 : i32
      %dma_start3A_111 = arith.constant 0 : i32
      %dma_start3A_112 = tpu.memref_slice %arg6[%dma_start3A_110, %dma_start3A_111] : memref<45x112xi32, #tpu.memory_space<vmem>> -> memref<1x112xi32, #tpu.memory_space<vmem>>
      %dma_start3A_113 = tpu.memref_squeeze %dma_start3A_112 : memref<1x112xi32, #tpu.memory_space<vmem>> -> memref<112xi32, #tpu.memory_space<vmem>>
      %dma_start3A_114 = arith.constant 0 : i32
      %dma_start3A_115 = arith.constant 0 : i32
      %dma_start3A_116 = tpu.memref_slice %arg13[%dma_start3A_114, %dma_start3A_115] : memref<10240x64xf32, #tpu.memory_space<vmem_shared>> -> memref<10240x64xf32, #tpu.memory_space<vmem_shared>>
      tpu.enqueue_indirect_dma source(%dma_start3A_116 : memref<10240x64xf32, #tpu.memory_space<vmem_shared>>) target(%arg10 : memref<112x64xf32, #tpu.memory_space<vmem>>) offsets(%dma_start3A_113 : memref<112xi32, #tpu.memory_space<vmem>>) semaphore(%arg17 : memref<!tpu.dma_semaphore, #tpu.memory_space<semaphore_mem>>)
      %scan3A_117 = arith.constant 0 : i32
      %scan3A_118 = arith.constant 9 : i32
      %scan3A_119 = arith.addi %scan3A_117, %scan3A_118 : i32
      %scan3A_120 = arith.constant 1 : i32
      scf.for %scan3A_136 = %scan3A_117 to %scan3A_119 step %scan3A_120  : i32 {
        %mul3A_137 = arith.constant 5 : i32
        %mul3A_138 = arith.muli %mul3A_137, %scan3A_136 : i32
        %add3A_139 = arith.constant 0 : i32
        %add3A_140 = arith.addi %mul3A_138, %add3A_139 : i32
        %dma_wait3A_141 = arith.constant 0 : i32
        %dma_wait3A_142 = tpu.memref_slice %arg6[%add3A_140, %dma_wait3A_141] : memref<45x112xi32, #tpu.memory_space<vmem>> -> memref<1x112xi32, #tpu.memory_space<vmem>>
        %dma_wait3A_143 = tpu.memref_squeeze %dma_wait3A_142 : memref<1x112xi32, #tpu.memory_space<vmem>> -> memref<112xi32, #tpu.memory_space<vmem>>
        %dma_wait3A_144 = arith.constant 0 : i32
        %dma_wait3A_145 = arith.constant 0 : i32
        %dma_wait3A_146 = tpu.memref_slice %arg13[%dma_wait3A_144, %dma_wait3A_145] : memref<10240x64xf32, #tpu.memory_space<vmem_shared>> -> memref<10240x64xf32, #tpu.memory_space<vmem_shared>>
        tpu.wait_indirect_dma semaphore(%arg15 : memref<!tpu.dma_semaphore, #tpu.memory_space<semaphore_mem>>) src(%dma_wait3A_146 : memref<10240x64xf32, #tpu.memory_space<vmem_shared>>) dst(%arg8 : memref<112x64xf32, #tpu.memory_space<vmem>>)
        %dma_start3A_147 = arith.constant 0 : i32
        %dma_start3A_148 = tpu.memref_slice %arg7[%add3A_140, %dma_start3A_147] : memref<45x112xi32, #tpu.memory_space<vmem>> -> memref<1x112xi32, #tpu.memory_space<vmem>>
        %dma_start3A_149 = tpu.memref_squeeze %dma_start3A_148 : memref<1x112xi32, #tpu.memory_space<vmem>> -> memref<112xi32, #tpu.memory_space<vmem>>
        %dma_start3A_150 = arith.constant 0 : i32
        %dma_start3A_151 = arith.constant 0 : i32
        %dma_start3A_152 = tpu.memref_slice %arg14[%dma_start3A_150, %dma_start3A_151] : memref<10240x64xf32, #tpu.memory_space<vmem_shared>> -> memref<10240x64xf32, #tpu.memory_space<vmem_shared>>
        tpu.enqueue_indirect_dma source(%arg8 : memref<112x64xf32, #tpu.memory_space<vmem>>) target(%dma_start3A_152 : memref<10240x64xf32, #tpu.memory_space<vmem_shared>>) offsets(%dma_start3A_149 : memref<112xi32, #tpu.memory_space<vmem>>) semaphore(%arg20 : memref<!tpu.dma_semaphore, #tpu.memory_space<semaphore_mem>>) {add = true}
        %ge3A = arith.constant 2 : i32
        %ge3A_153 = arith.cmpi sge, %add3A_140, %ge3A : i32
        %convert_element_type3A = arith.extui %ge3A_153 : i1 to i32
        %cond3A = arith.constant 0 : i32
        %cond3A_154 = arith.cmpi ne, %convert_element_type3A, %cond3A : i32
        scf.if %cond3A_154 {
          %dma_wait3A_273 = arith.constant 0 : i32
          %dma_wait3A_274 = tpu.memref_slice %arg7[%add3A_140, %dma_wait3A_273] : memref<45x112xi32, #tpu.memory_space<vmem>> -> memref<1x112xi32, #tpu.memory_space<vmem>>
          %dma_wait3A_275 = tpu.memref_squeeze %dma_wait3A_274 : memref<1x112xi32, #tpu.memory_space<vmem>> -> memref<112xi32, #tpu.memory_space<vmem>>
          %dma_wait3A_276 = arith.constant 0 : i32
          %dma_wait3A_277 = arith.constant 0 : i32
          %dma_wait3A_278 = tpu.memref_slice %arg14[%dma_wait3A_276, %dma_wait3A_277] : memref<10240x64xf32, #tpu.memory_space<vmem_shared>> -> memref<10240x64xf32, #tpu.memory_space<vmem_shared>>
          tpu.wait_indirect_dma semaphore(%arg23 : memref<!tpu.dma_semaphore, #tpu.memory_space<semaphore_mem>>) src(%arg11 : memref<112x64xf32, #tpu.memory_space<vmem>>) dst(%dma_wait3A_278 : memref<10240x64xf32, #tpu.memory_space<vmem_shared>>)
        } else {
        }
        %add3A_155 = arith.constant 3 : i32
        %add3A_156 = arith.addi %add3A_140, %add3A_155 : i32
        %lt3A = arith.constant 45 : i32
        %lt3A_157 = arith.cmpi slt, %add3A_156, %lt3A : i32
        %convert_element_type3A_158 = arith.extui %lt3A_157 : i1 to i32
        %cond3A_159 = arith.constant 0 : i32
        %cond3A_160 = arith.cmpi ne, %convert_element_type3A_158, %cond3A_159 : i32
        scf.if %cond3A_160 {
          %add3A_273 = arith.constant 3 : i32
          %add3A_274 = arith.addi %add3A_140, %add3A_273 : i32
          %dma_start3A_275 = arith.constant 0 : i32
          %dma_start3A_276 = tpu.memref_slice %arg6[%add3A_274, %dma_start3A_275] : memref<45x112xi32, #tpu.memory_space<vmem>> -> memref<1x112xi32, #tpu.memory_space<vmem>>
          %dma_start3A_277 = tpu.memref_squeeze %dma_start3A_276 : memref<1x112xi32, #tpu.memory_space<vmem>> -> memref<112xi32, #tpu.memory_space<vmem>>
          %dma_start3A_278 = arith.constant 0 : i32
          %dma_start3A_279 = arith.constant 0 : i32
          %dma_start3A_280 = tpu.memref_slice %arg13[%dma_start3A_278, %dma_start3A_279] : memref<10240x64xf32, #tpu.memory_space<vmem_shared>> -> memref<10240x64xf32, #tpu.memory_space<vmem_shared>>
          tpu.enqueue_indirect_dma source(%dma_start3A_280 : memref<10240x64xf32, #tpu.memory_space<vmem_shared>>) target(%arg11 : memref<112x64xf32, #tpu.memory_space<vmem>>) offsets(%dma_start3A_277 : memref<112xi32, #tpu.memory_space<vmem>>) semaphore(%arg18 : memref<!tpu.dma_semaphore, #tpu.memory_space<semaphore_mem>>)
        } else {
        }
        %mul3A_161 = arith.constant 5 : i32
        %mul3A_162 = arith.muli %mul3A_161, %scan3A_136 : i32
        %add3A_163 = arith.constant 1 : i32
        %add3A_164 = arith.addi %mul3A_162, %add3A_163 : i32
        %dma_wait3A_165 = arith.constant 0 : i32
        %dma_wait3A_166 = tpu.memref_slice %arg6[%add3A_164, %dma_wait3A_165] : memref<45x112xi32, #tpu.memory_space<vmem>> -> memref<1x112xi32, #tpu.memory_space<vmem>>
        %dma_wait3A_167 = tpu.memref_squeeze %dma_wait3A_166 : memref<1x112xi32, #tpu.memory_space<vmem>> -> memref<112xi32, #tpu.memory_space<vmem>>
        %dma_wait3A_168 = arith.constant 0 : i32
        %dma_wait3A_169 = arith.constant 0 : i32
        %dma_wait3A_170 = tpu.memref_slice %arg13[%dma_wait3A_168, %dma_wait3A_169] : memref<10240x64xf32, #tpu.memory_space<vmem_shared>> -> memref<10240x64xf32, #tpu.memory_space<vmem_shared>>
        tpu.wait_indirect_dma semaphore(%arg16 : memref<!tpu.dma_semaphore, #tpu.memory_space<semaphore_mem>>) src(%dma_wait3A_170 : memref<10240x64xf32, #tpu.memory_space<vmem_shared>>) dst(%arg9 : memref<112x64xf32, #tpu.memory_space<vmem>>)
        %dma_start3A_171 = arith.constant 0 : i32
        %dma_start3A_172 = tpu.memref_slice %arg7[%add3A_164, %dma_start3A_171] : memref<45x112xi32, #tpu.memory_space<vmem>> -> memref<1x112xi32, #tpu.memory_space<vmem>>
        %dma_start3A_173 = tpu.memref_squeeze %dma_start3A_172 : memref<1x112xi32, #tpu.memory_space<vmem>> -> memref<112xi32, #tpu.memory_space<vmem>>
        %dma_start3A_174 = arith.constant 0 : i32
        %dma_start3A_175 = arith.constant 0 : i32
        %dma_start3A_176 = tpu.memref_slice %arg14[%dma_start3A_174, %dma_start3A_175] : memref<10240x64xf32, #tpu.memory_space<vmem_shared>> -> memref<10240x64xf32, #tpu.memory_space<vmem_shared>>
        tpu.enqueue_indirect_dma source(%arg9 : memref<112x64xf32, #tpu.memory_space<vmem>>) target(%dma_start3A_176 : memref<10240x64xf32, #tpu.memory_space<vmem_shared>>) offsets(%dma_start3A_173 : memref<112xi32, #tpu.memory_space<vmem>>) semaphore(%arg21 : memref<!tpu.dma_semaphore, #tpu.memory_space<semaphore_mem>>) {add = true}
        %ge3A_177 = arith.constant 2 : i32
        %ge3A_178 = arith.cmpi sge, %add3A_164, %ge3A_177 : i32
        %convert_element_type3A_179 = arith.extui %ge3A_178 : i1 to i32
        %cond3A_180 = arith.constant 0 : i32
        %cond3A_181 = arith.cmpi ne, %convert_element_type3A_179, %cond3A_180 : i32
        scf.if %cond3A_181 {
          %dma_wait3A_273 = arith.constant 0 : i32
          %dma_wait3A_274 = tpu.memref_slice %arg7[%add3A_164, %dma_wait3A_273] : memref<45x112xi32, #tpu.memory_space<vmem>> -> memref<1x112xi32, #tpu.memory_space<vmem>>
          %dma_wait3A_275 = tpu.memref_squeeze %dma_wait3A_274 : memref<1x112xi32, #tpu.memory_space<vmem>> -> memref<112xi32, #tpu.memory_space<vmem>>
          %dma_wait3A_276 = arith.constant 0 : i32
          %dma_wait3A_277 = arith.constant 0 : i32
          %dma_wait3A_278 = tpu.memref_slice %arg14[%dma_wait3A_276, %dma_wait3A_277] : memref<10240x64xf32, #tpu.memory_space<vmem_shared>> -> memref<10240x64xf32, #tpu.memory_space<vmem_shared>>
          tpu.wait_indirect_dma semaphore(%arg24 : memref<!tpu.dma_semaphore, #tpu.memory_space<semaphore_mem>>) src(%arg12 : memref<112x64xf32, #tpu.memory_space<vmem>>) dst(%dma_wait3A_278 : memref<10240x64xf32, #tpu.memory_space<vmem_shared>>)
        } else {
        }
        %add3A_182 = arith.constant 3 : i32
        %add3A_183 = arith.addi %add3A_164, %add3A_182 : i32
        %lt3A_184 = arith.constant 45 : i32
        %lt3A_185 = arith.cmpi slt, %add3A_183, %lt3A_184 : i32
        %convert_element_type3A_186 = arith.extui %lt3A_185 : i1 to i32
        %cond3A_187 = arith.constant 0 : i32
        %cond3A_188 = arith.cmpi ne, %convert_element_type3A_186, %cond3A_187 : i32
        scf.if %cond3A_188 {
          %add3A_273 = arith.constant 3 : i32
          %add3A_274 = arith.addi %add3A_164, %add3A_273 : i32
          %dma_start3A_275 = arith.constant 0 : i32
          %dma_start3A_276 = tpu.memref_slice %arg6[%add3A_274, %dma_start3A_275] : memref<45x112xi32, #tpu.memory_space<vmem>> -> memref<1x112xi32, #tpu.memory_space<vmem>>
          %dma_start3A_277 = tpu.memref_squeeze %dma_start3A_276 : memref<1x112xi32, #tpu.memory_space<vmem>> -> memref<112xi32, #tpu.memory_space<vmem>>
          %dma_start3A_278 = arith.constant 0 : i32
          %dma_start3A_279 = arith.constant 0 : i32
          %dma_start3A_280 = tpu.memref_slice %arg13[%dma_start3A_278, %dma_start3A_279] : memref<10240x64xf32, #tpu.memory_space<vmem_shared>> -> memref<10240x64xf32, #tpu.memory_space<vmem_shared>>
          tpu.enqueue_indirect_dma source(%dma_start3A_280 : memref<10240x64xf32, #tpu.memory_space<vmem_shared>>) target(%arg12 : memref<112x64xf32, #tpu.memory_space<vmem>>) offsets(%dma_start3A_277 : memref<112xi32, #tpu.memory_space<vmem>>) semaphore(%arg19 : memref<!tpu.dma_semaphore, #tpu.memory_space<semaphore_mem>>)
        } else {
        }
        %mul3A_189 = arith.constant 5 : i32
        %mul3A_190 = arith.muli %mul3A_189, %scan3A_136 : i32
        %add3A_191 = arith.constant 2 : i32
        %add3A_192 = arith.addi %mul3A_190, %add3A_191 : i32
        %dma_wait3A_193 = arith.constant 0 : i32
        %dma_wait3A_194 = tpu.memref_slice %arg6[%add3A_192, %dma_wait3A_193] : memref<45x112xi32, #tpu.memory_space<vmem>> -> memref<1x112xi32, #tpu.memory_space<vmem>>
        %dma_wait3A_195 = tpu.memref_squeeze %dma_wait3A_194 : memref<1x112xi32, #tpu.memory_space<vmem>> -> memref<112xi32, #tpu.memory_space<vmem>>
        %dma_wait3A_196 = arith.constant 0 : i32
        %dma_wait3A_197 = arith.constant 0 : i32
        %dma_wait3A_198 = tpu.memref_slice %arg13[%dma_wait3A_196, %dma_wait3A_197] : memref<10240x64xf32, #tpu.memory_space<vmem_shared>> -> memref<10240x64xf32, #tpu.memory_space<vmem_shared>>
        tpu.wait_indirect_dma semaphore(%arg17 : memref<!tpu.dma_semaphore, #tpu.memory_space<semaphore_mem>>) src(%dma_wait3A_198 : memref<10240x64xf32, #tpu.memory_space<vmem_shared>>) dst(%arg10 : memref<112x64xf32, #tpu.memory_space<vmem>>)
        %dma_start3A_199 = arith.constant 0 : i32
        %dma_start3A_200 = tpu.memref_slice %arg7[%add3A_192, %dma_start3A_199] : memref<45x112xi32, #tpu.memory_space<vmem>> -> memref<1x112xi32, #tpu.memory_space<vmem>>
        %dma_start3A_201 = tpu.memref_squeeze %dma_start3A_200 : memref<1x112xi32, #tpu.memory_space<vmem>> -> memref<112xi32, #tpu.memory_space<vmem>>
        %dma_start3A_202 = arith.constant 0 : i32
        %dma_start3A_203 = arith.constant 0 : i32
        %dma_start3A_204 = tpu.memref_slice %arg14[%dma_start3A_202, %dma_start3A_203] : memref<10240x64xf32, #tpu.memory_space<vmem_shared>> -> memref<10240x64xf32, #tpu.memory_space<vmem_shared>>
        tpu.enqueue_indirect_dma source(%arg10 : memref<112x64xf32, #tpu.memory_space<vmem>>) target(%dma_start3A_204 : memref<10240x64xf32, #tpu.memory_space<vmem_shared>>) offsets(%dma_start3A_201 : memref<112xi32, #tpu.memory_space<vmem>>) semaphore(%arg22 : memref<!tpu.dma_semaphore, #tpu.memory_space<semaphore_mem>>) {add = true}
        %ge3A_205 = arith.constant 2 : i32
        %ge3A_206 = arith.cmpi sge, %add3A_192, %ge3A_205 : i32
        %convert_element_type3A_207 = arith.extui %ge3A_206 : i1 to i32
        %cond3A_208 = arith.constant 0 : i32
        %cond3A_209 = arith.cmpi ne, %convert_element_type3A_207, %cond3A_208 : i32
        scf.if %cond3A_209 {
          %dma_wait3A_273 = arith.constant 0 : i32
          %dma_wait3A_274 = tpu.memref_slice %arg7[%add3A_192, %dma_wait3A_273] : memref<45x112xi32, #tpu.memory_space<vmem>> -> memref<1x112xi32, #tpu.memory_space<vmem>>
          %dma_wait3A_275 = tpu.memref_squeeze %dma_wait3A_274 : memref<1x112xi32, #tpu.memory_space<vmem>> -> memref<112xi32, #tpu.memory_space<vmem>>
          %dma_wait3A_276 = arith.constant 0 : i32
          %dma_wait3A_277 = arith.constant 0 : i32
          %dma_wait3A_278 = tpu.memref_slice %arg14[%dma_wait3A_276, %dma_wait3A_277] : memref<10240x64xf32, #tpu.memory_space<vmem_shared>> -> memref<10240x64xf32, #tpu.memory_space<vmem_shared>>
          tpu.wait_indirect_dma semaphore(%arg20 : memref<!tpu.dma_semaphore, #tpu.memory_space<semaphore_mem>>) src(%arg8 : memref<112x64xf32, #tpu.memory_space<vmem>>) dst(%dma_wait3A_278 : memref<10240x64xf32, #tpu.memory_space<vmem_shared>>)
        } else {
        }
        %add3A_210 = arith.constant 3 : i32
        %add3A_211 = arith.addi %add3A_192, %add3A_210 : i32
        %lt3A_212 = arith.constant 45 : i32
        %lt3A_213 = arith.cmpi slt, %add3A_211, %lt3A_212 : i32
        %convert_element_type3A_214 = arith.extui %lt3A_213 : i1 to i32
        %cond3A_215 = arith.constant 0 : i32
        %cond3A_216 = arith.cmpi ne, %convert_element_type3A_214, %cond3A_215 : i32
        scf.if %cond3A_216 {
          %add3A_273 = arith.constant 3 : i32
          %add3A_274 = arith.addi %add3A_192, %add3A_273 : i32
          %dma_start3A_275 = arith.constant 0 : i32
          %dma_start3A_276 = tpu.memref_slice %arg6[%add3A_274, %dma_start3A_275] : memref<45x112xi32, #tpu.memory_space<vmem>> -> memref<1x112xi32, #tpu.memory_space<vmem>>
          %dma_start3A_277 = tpu.memref_squeeze %dma_start3A_276 : memref<1x112xi32, #tpu.memory_space<vmem>> -> memref<112xi32, #tpu.memory_space<vmem>>
          %dma_start3A_278 = arith.constant 0 : i32
          %dma_start3A_279 = arith.constant 0 : i32
          %dma_start3A_280 = tpu.memref_slice %arg13[%dma_start3A_278, %dma_start3A_279] : memref<10240x64xf32, #tpu.memory_space<vmem_shared>> -> memref<10240x64xf32, #tpu.memory_space<vmem_shared>>
          tpu.enqueue_indirect_dma source(%dma_start3A_280 : memref<10240x64xf32, #tpu.memory_space<vmem_shared>>) target(%arg8 : memref<112x64xf32, #tpu.memory_space<vmem>>) offsets(%dma_start3A_277 : memref<112xi32, #tpu.memory_space<vmem>>) semaphore(%arg15 : memref<!tpu.dma_semaphore, #tpu.memory_space<semaphore_mem>>)
        } else {
        }
        %mul3A_217 = arith.constant 5 : i32
        %mul3A_218 = arith.muli %mul3A_217, %scan3A_136 : i32
        %add3A_219 = arith.constant 3 : i32
        %add3A_220 = arith.addi %mul3A_218, %add3A_219 : i32
        %dma_wait3A_221 = arith.constant 0 : i32
        %dma_wait3A_222 = tpu.memref_slice %arg6[%add3A_220, %dma_wait3A_221] : memref<45x112xi32, #tpu.memory_space<vmem>> -> memref<1x112xi32, #tpu.memory_space<vmem>>
        %dma_wait3A_223 = tpu.memref_squeeze %dma_wait3A_222 : memref<1x112xi32, #tpu.memory_space<vmem>> -> memref<112xi32, #tpu.memory_space<vmem>>
        %dma_wait3A_224 = arith.constant 0 : i32
        %dma_wait3A_225 = arith.constant 0 : i32
        %dma_wait3A_226 = tpu.memref_slice %arg13[%dma_wait3A_224, %dma_wait3A_225] : memref<10240x64xf32, #tpu.memory_space<vmem_shared>> -> memref<10240x64xf32, #tpu.memory_space<vmem_shared>>
        tpu.wait_indirect_dma semaphore(%arg18 : memref<!tpu.dma_semaphore, #tpu.memory_space<semaphore_mem>>) src(%dma_wait3A_226 : memref<10240x64xf32, #tpu.memory_space<vmem_shared>>) dst(%arg11 : memref<112x64xf32, #tpu.memory_space<vmem>>)
        %dma_start3A_227 = arith.constant 0 : i32
        %dma_start3A_228 = tpu.memref_slice %arg7[%add3A_220, %dma_start3A_227] : memref<45x112xi32, #tpu.memory_space<vmem>> -> memref<1x112xi32, #tpu.memory_space<vmem>>
        %dma_start3A_229 = tpu.memref_squeeze %dma_start3A_228 : memref<1x112xi32, #tpu.memory_space<vmem>> -> memref<112xi32, #tpu.memory_space<vmem>>
        %dma_start3A_230 = arith.constant 0 : i32
        %dma_start3A_231 = arith.constant 0 : i32
        %dma_start3A_232 = tpu.memref_slice %arg14[%dma_start3A_230, %dma_start3A_231] : memref<10240x64xf32, #tpu.memory_space<vmem_shared>> -> memref<10240x64xf32, #tpu.memory_space<vmem_shared>>
        tpu.enqueue_indirect_dma source(%arg11 : memref<112x64xf32, #tpu.memory_space<vmem>>) target(%dma_start3A_232 : memref<10240x64xf32, #tpu.memory_space<vmem_shared>>) offsets(%dma_start3A_229 : memref<112xi32, #tpu.memory_space<vmem>>) semaphore(%arg23 : memref<!tpu.dma_semaphore, #tpu.memory_space<semaphore_mem>>) {add = true}
        %ge3A_233 = arith.constant 2 : i32
        %ge3A_234 = arith.cmpi sge, %add3A_220, %ge3A_233 : i32
        %convert_element_type3A_235 = arith.extui %ge3A_234 : i1 to i32
        %cond3A_236 = arith.constant 0 : i32
        %cond3A_237 = arith.cmpi ne, %convert_element_type3A_235, %cond3A_236 : i32
        scf.if %cond3A_237 {
          %dma_wait3A_273 = arith.constant 0 : i32
          %dma_wait3A_274 = tpu.memref_slice %arg7[%add3A_220, %dma_wait3A_273] : memref<45x112xi32, #tpu.memory_space<vmem>> -> memref<1x112xi32, #tpu.memory_space<vmem>>
          %dma_wait3A_275 = tpu.memref_squeeze %dma_wait3A_274 : memref<1x112xi32, #tpu.memory_space<vmem>> -> memref<112xi32, #tpu.memory_space<vmem>>
          %dma_wait3A_276 = arith.constant 0 : i32
          %dma_wait3A_277 = arith.constant 0 : i32
          %dma_wait3A_278 = tpu.memref_slice %arg14[%dma_wait3A_276, %dma_wait3A_277] : memref<10240x64xf32, #tpu.memory_space<vmem_shared>> -> memref<10240x64xf32, #tpu.memory_space<vmem_shared>>
          tpu.wait_indirect_dma semaphore(%arg21 : memref<!tpu.dma_semaphore, #tpu.memory_space<semaphore_mem>>) src(%arg9 : memref<112x64xf32, #tpu.memory_space<vmem>>) dst(%dma_wait3A_278 : memref<10240x64xf32, #tpu.memory_space<vmem_shared>>)
        } else {
        }
        %add3A_238 = arith.constant 3 : i32
        %add3A_239 = arith.addi %add3A_220, %add3A_238 : i32
        %lt3A_240 = arith.constant 45 : i32
        %lt3A_241 = arith.cmpi slt, %add3A_239, %lt3A_240 : i32
        %convert_element_type3A_242 = arith.extui %lt3A_241 : i1 to i32
        %cond3A_243 = arith.constant 0 : i32
        %cond3A_244 = arith.cmpi ne, %convert_element_type3A_242, %cond3A_243 : i32
        scf.if %cond3A_244 {
          %add3A_273 = arith.constant 3 : i32
          %add3A_274 = arith.addi %add3A_220, %add3A_273 : i32
          %dma_start3A_275 = arith.constant 0 : i32
          %dma_start3A_276 = tpu.memref_slice %arg6[%add3A_274, %dma_start3A_275] : memref<45x112xi32, #tpu.memory_space<vmem>> -> memref<1x112xi32, #tpu.memory_space<vmem>>
          %dma_start3A_277 = tpu.memref_squeeze %dma_start3A_276 : memref<1x112xi32, #tpu.memory_space<vmem>> -> memref<112xi32, #tpu.memory_space<vmem>>
          %dma_start3A_278 = arith.constant 0 : i32
          %dma_start3A_279 = arith.constant 0 : i32
          %dma_start3A_280 = tpu.memref_slice %arg13[%dma_start3A_278, %dma_start3A_279] : memref<10240x64xf32, #tpu.memory_space<vmem_shared>> -> memref<10240x64xf32, #tpu.memory_space<vmem_shared>>
          tpu.enqueue_indirect_dma source(%dma_start3A_280 : memref<10240x64xf32, #tpu.memory_space<vmem_shared>>) target(%arg9 : memref<112x64xf32, #tpu.memory_space<vmem>>) offsets(%dma_start3A_277 : memref<112xi32, #tpu.memory_space<vmem>>) semaphore(%arg16 : memref<!tpu.dma_semaphore, #tpu.memory_space<semaphore_mem>>)
        } else {
        }
        %mul3A_245 = arith.constant 5 : i32
        %mul3A_246 = arith.muli %mul3A_245, %scan3A_136 : i32
        %add3A_247 = arith.constant 4 : i32
        %add3A_248 = arith.addi %mul3A_246, %add3A_247 : i32
        %dma_wait3A_249 = arith.constant 0 : i32
        %dma_wait3A_250 = tpu.memref_slice %arg6[%add3A_248, %dma_wait3A_249] : memref<45x112xi32, #tpu.memory_space<vmem>> -> memref<1x112xi32, #tpu.memory_space<vmem>>
        %dma_wait3A_251 = tpu.memref_squeeze %dma_wait3A_250 : memref<1x112xi32, #tpu.memory_space<vmem>> -> memref<112xi32, #tpu.memory_space<vmem>>
        %dma_wait3A_252 = arith.constant 0 : i32
        %dma_wait3A_253 = arith.constant 0 : i32
        %dma_wait3A_254 = tpu.memref_slice %arg13[%dma_wait3A_252, %dma_wait3A_253] : memref<10240x64xf32, #tpu.memory_space<vmem_shared>> -> memref<10240x64xf32, #tpu.memory_space<vmem_shared>>
        tpu.wait_indirect_dma semaphore(%arg19 : memref<!tpu.dma_semaphore, #tpu.memory_space<semaphore_mem>>) src(%dma_wait3A_254 : memref<10240x64xf32, #tpu.memory_space<vmem_shared>>) dst(%arg12 : memref<112x64xf32, #tpu.memory_space<vmem>>)
        %dma_start3A_255 = arith.constant 0 : i32
        %dma_start3A_256 = tpu.memref_slice %arg7[%add3A_248, %dma_start3A_255] : memref<45x112xi32, #tpu.memory_space<vmem>> -> memref<1x112xi32, #tpu.memory_space<vmem>>
        %dma_start3A_257 = tpu.memref_squeeze %dma_start3A_256 : memref<1x112xi32, #tpu.memory_space<vmem>> -> memref<112xi32, #tpu.memory_space<vmem>>
        %dma_start3A_258 = arith.constant 0 : i32
        %dma_start3A_259 = arith.constant 0 : i32
        %dma_start3A_260 = tpu.memref_slice %arg14[%dma_start3A_258, %dma_start3A_259] : memref<10240x64xf32, #tpu.memory_space<vmem_shared>> -> memref<10240x64xf32, #tpu.memory_space<vmem_shared>>
        tpu.enqueue_indirect_dma source(%arg12 : memref<112x64xf32, #tpu.memory_space<vmem>>) target(%dma_start3A_260 : memref<10240x64xf32, #tpu.memory_space<vmem_shared>>) offsets(%dma_start3A_257 : memref<112xi32, #tpu.memory_space<vmem>>) semaphore(%arg24 : memref<!tpu.dma_semaphore, #tpu.memory_space<semaphore_mem>>) {add = true}
        %ge3A_261 = arith.constant 2 : i32
        %ge3A_262 = arith.cmpi sge, %add3A_248, %ge3A_261 : i32
        %convert_element_type3A_263 = arith.extui %ge3A_262 : i1 to i32
        %cond3A_264 = arith.constant 0 : i32
        %cond3A_265 = arith.cmpi ne, %convert_element_type3A_263, %cond3A_264 : i32
        scf.if %cond3A_265 {
          %dma_wait3A_273 = arith.constant 0 : i32
          %dma_wait3A_274 = tpu.memref_slice %arg7[%add3A_248, %dma_wait3A_273] : memref<45x112xi32, #tpu.memory_space<vmem>> -> memref<1x112xi32, #tpu.memory_space<vmem>>
          %dma_wait3A_275 = tpu.memref_squeeze %dma_wait3A_274 : memref<1x112xi32, #tpu.memory_space<vmem>> -> memref<112xi32, #tpu.memory_space<vmem>>
          %dma_wait3A_276 = arith.constant 0 : i32
          %dma_wait3A_277 = arith.constant 0 : i32
          %dma_wait3A_278 = tpu.memref_slice %arg14[%dma_wait3A_276, %dma_wait3A_277] : memref<10240x64xf32, #tpu.memory_space<vmem_shared>> -> memref<10240x64xf32, #tpu.memory_space<vmem_shared>>
          tpu.wait_indirect_dma semaphore(%arg22 : memref<!tpu.dma_semaphore, #tpu.memory_space<semaphore_mem>>) src(%arg10 : memref<112x64xf32, #tpu.memory_space<vmem>>) dst(%dma_wait3A_278 : memref<10240x64xf32, #tpu.memory_space<vmem_shared>>)
        } else {
        }
        %add3A_266 = arith.constant 3 : i32
        %add3A_267 = arith.addi %add3A_248, %add3A_266 : i32
        %lt3A_268 = arith.constant 45 : i32
        %lt3A_269 = arith.cmpi slt, %add3A_267, %lt3A_268 : i32
        %convert_element_type3A_270 = arith.extui %lt3A_269 : i1 to i32
        %cond3A_271 = arith.constant 0 : i32
        %cond3A_272 = arith.cmpi ne, %convert_element_type3A_270, %cond3A_271 : i32
        scf.if %cond3A_272 {
          %add3A_273 = arith.constant 3 : i32
          %add3A_274 = arith.addi %add3A_248, %add3A_273 : i32
          %dma_start3A_275 = arith.constant 0 : i32
          %dma_start3A_276 = tpu.memref_slice %arg6[%add3A_274, %dma_start3A_275] : memref<45x112xi32, #tpu.memory_space<vmem>> -> memref<1x112xi32, #tpu.memory_space<vmem>>
          %dma_start3A_277 = tpu.memref_squeeze %dma_start3A_276 : memref<1x112xi32, #tpu.memory_space<vmem>> -> memref<112xi32, #tpu.memory_space<vmem>>
          %dma_start3A_278 = arith.constant 0 : i32
          %dma_start3A_279 = arith.constant 0 : i32
          %dma_start3A_280 = tpu.memref_slice %arg13[%dma_start3A_278, %dma_start3A_279] : memref<10240x64xf32, #tpu.memory_space<vmem_shared>> -> memref<10240x64xf32, #tpu.memory_space<vmem_shared>>
          tpu.enqueue_indirect_dma source(%dma_start3A_280 : memref<10240x64xf32, #tpu.memory_space<vmem_shared>>) target(%arg10 : memref<112x64xf32, #tpu.memory_space<vmem>>) offsets(%dma_start3A_277 : memref<112xi32, #tpu.memory_space<vmem>>) semaphore(%arg17 : memref<!tpu.dma_semaphore, #tpu.memory_space<semaphore_mem>>)
        } else {
        }
      }
      %scan3A_121 = arith.constant 9 : i32
      %dma_wait3A_122 = arith.constant 43 : i32
      %dma_wait3A_123 = arith.constant 0 : i32
      %dma_wait3A_124 = tpu.memref_slice %arg7[%dma_wait3A_122, %dma_wait3A_123] : memref<45x112xi32, #tpu.memory_space<vmem>> -> memref<1x112xi32, #tpu.memory_space<vmem>>
      %dma_wait3A_125 = tpu.memref_squeeze %dma_wait3A_124 : memref<1x112xi32, #tpu.memory_space<vmem>> -> memref<112xi32, #tpu.memory_space<vmem>>
      %dma_wait3A_126 = arith.constant 0 : i32
      %dma_wait3A_127 = arith.constant 0 : i32
      %dma_wait3A_128 = tpu.memref_slice %arg14[%dma_wait3A_126, %dma_wait3A_127] : memref<10240x64xf32, #tpu.memory_space<vmem_shared>> -> memref<10240x64xf32, #tpu.memory_space<vmem_shared>>
      tpu.wait_indirect_dma semaphore(%arg23 : memref<!tpu.dma_semaphore, #tpu.memory_space<semaphore_mem>>) src(%arg11 : memref<112x64xf32, #tpu.memory_space<vmem>>) dst(%dma_wait3A_128 : memref<10240x64xf32, #tpu.memory_space<vmem_shared>>)
      %dma_wait3A_129 = arith.constant 44 : i32
      %dma_wait3A_130 = arith.constant 0 : i32
      %dma_wait3A_131 = tpu.memref_slice %arg7[%dma_wait3A_129, %dma_wait3A_130] : memref<45x112xi32, #tpu.memory_space<vmem>> -> memref<1x112xi32, #tpu.memory_space<vmem>>
      %dma_wait3A_132 = tpu.memref_squeeze %dma_wait3A_131 : memref<1x112xi32, #tpu.memory_space<vmem>> -> memref<112xi32, #tpu.memory_space<vmem>>
      %dma_wait3A_133 = arith.constant 0 : i32
      %dma_wait3A_134 = arith.constant 0 : i32
      %dma_wait3A_135 = tpu.memref_slice %arg14[%dma_wait3A_133, %dma_wait3A_134] : memref<10240x64xf32, #tpu.memory_space<vmem_shared>> -> memref<10240x64xf32, #tpu.memory_space<vmem_shared>>
      tpu.wait_indirect_dma semaphore(%arg24 : memref<!tpu.dma_semaphore, #tpu.memory_space<semaphore_mem>>) src(%arg12 : memref<112x64xf32, #tpu.memory_space<vmem>>) dst(%dma_wait3A_135 : memref<10240x64xf32, #tpu.memory_space<vmem_shared>>)
    }
    %scan3A_36 = arith.constant 2 : i32
    %barrier3A_37 = arith.constant 0 : index
    tpu.barrier barrier_id(%barrier3A_37)
    %scan3A_38 = arith.constant 0 : i32
    %scan3A_39 = arith.constant 5 : i32
    %scan3A_40 = arith.addi %scan3A_38, %scan3A_39 : i32
    %scan3A_41 = arith.constant 1 : i32
    scf.for %scan3A_91 = %scan3A_38 to %scan3A_40 step %scan3A_41  : i32 {
      %mul3A_92 = arith.constant 640 : i32
      %mul3A_93 = arith.muli %arg1, %mul3A_92 : i32
      %mul3A_94 = arith.constant 128 : i32
      %mul3A_95 = arith.muli %scan3A_91, %mul3A_94 : i32
      %add3A = arith.addi %mul3A_93, %mul3A_95 : i32
      "tpu.region"() ({
        %run_scoped3A = tpu.sem_alloc : memref<!tpu.dma_semaphore, #tpu.memory_space<semaphore_mem>>
        %dma_start3A_96 = arith.constant 0 : i32
        %dma_start3A_97 = tpu.memref_slice %arg5[%arg0, %add3A, %dma_start3A_96] : memref<2x10240x128xf32, #tpu.memory_space<hbm>> -> memref<1x128x64xf32, #tpu.memory_space<hbm>>
        %dma_start3A_98 = tpu.memref_squeeze %dma_start3A_97 : memref<1x128x64xf32, #tpu.memory_space<hbm>> -> memref<128x64xf32, #tpu.memory_space<hbm>>
        %dma_start3A_99 = arith.constant 0 : i32
        %dma_start3A_100 = tpu.memref_slice %arg14[%add3A, %dma_start3A_99] : memref<10240x64xf32, #tpu.memory_space<vmem_shared>> -> memref<128x64xf32, #tpu.memory_space<vmem_shared>>
        tpu.enqueue_dma source(%dma_start3A_100 : memref<128x64xf32, #tpu.memory_space<vmem_shared>>) target(%dma_start3A_98 : memref<128x64xf32, #tpu.memory_space<hbm>>) target_semaphore(%run_scoped3A : memref<!tpu.dma_semaphore, #tpu.memory_space<semaphore_mem>>)
        %dma_wait3A_101 = arith.constant 0 : i32
        %dma_wait3A_102 = tpu.memref_slice %arg5[%arg0, %add3A, %dma_wait3A_101] : memref<2x10240x128xf32, #tpu.memory_space<hbm>> -> memref<1x128x64xf32, #tpu.memory_space<hbm>>
        %dma_wait3A_103 = tpu.memref_squeeze %dma_wait3A_102 : memref<1x128x64xf32, #tpu.memory_space<hbm>> -> memref<128x64xf32, #tpu.memory_space<hbm>>
        %dma_wait3A_104 = arith.constant 0 : i32
        %dma_wait3A_105 = tpu.memref_slice %arg14[%add3A, %dma_wait3A_104] : memref<10240x64xf32, #tpu.memory_space<vmem_shared>> -> memref<128x64xf32, #tpu.memory_space<vmem_shared>>
        tpu.wait_dma2 semaphore(%run_scoped3A : memref<!tpu.dma_semaphore, #tpu.memory_space<semaphore_mem>>) src(%dma_wait3A_105 : memref<128x64xf32, #tpu.memory_space<vmem_shared>>) dst(%dma_wait3A_103 : memref<128x64xf32, #tpu.memory_space<hbm>>)
        tpu.yield
      }) : () -> ()
    }
    %scan3A_42 = arith.constant 5 : i32
    %mul3A_43 = arith.constant 640 : i32
    %mul3A_44 = arith.muli %arg1, %mul3A_43 : i32
    %mul3A_45 = arith.constant 640 : i32
    %mul3A_46 = arith.muli %arg1, %mul3A_45 : i32
    %dma_start3A_47 = arith.constant 0 : i32
    %dma_start3A_48 = tpu.memref_slice %arg13[%mul3A_46, %dma_start3A_47] : memref<10240x64xf32, #tpu.memory_space<vmem_shared>> -> memref<640x64xf32, #tpu.memory_space<vmem_shared>>
    %dma_start3A_49 = arith.constant 64 : i32
    %dma_start3A_50 = tpu.memref_slice %arg2[%arg0, %mul3A_44, %dma_start3A_49] : memref<2x10240x128xf32, #tpu.memory_space<hbm>> -> memref<1x640x64xf32, #tpu.memory_space<hbm>>
    %dma_start3A_51 = tpu.memref_squeeze %dma_start3A_50 : memref<1x640x64xf32, #tpu.memory_space<hbm>> -> memref<640x64xf32, #tpu.memory_space<hbm>>
    tpu.enqueue_dma source(%dma_start3A_51 : memref<640x64xf32, #tpu.memory_space<hbm>>) target(%dma_start3A_48 : memref<640x64xf32, #tpu.memory_space<vmem_shared>>) target_semaphore(%arg15 : memref<!tpu.dma_semaphore, #tpu.memory_space<semaphore_mem>>)
    %mul3A_52 = arith.constant 640 : i32
    %mul3A_53 = arith.muli %arg1, %mul3A_52 : i32
    %mul3A_54 = arith.constant 640 : i32
    %mul3A_55 = arith.muli %arg1, %mul3A_54 : i32
    %dma_start3A_56 = arith.constant 0 : i32
    %dma_start3A_57 = tpu.memref_slice %arg14[%mul3A_55, %dma_start3A_56] : memref<10240x64xf32, #tpu.memory_space<vmem_shared>> -> memref<640x64xf32, #tpu.memory_space<vmem_shared>>
    %dma_start3A_58 = arith.constant 64 : i32
    %dma_start3A_59 = tpu.memref_slice %arg2[%arg0, %mul3A_53, %dma_start3A_58] : memref<2x10240x128xf32, #tpu.memory_space<hbm>> -> memref<1x640x64xf32, #tpu.memory_space<hbm>>
    %dma_start3A_60 = tpu.memref_squeeze %dma_start3A_59 : memref<1x640x64xf32, #tpu.memory_space<hbm>> -> memref<640x64xf32, #tpu.memory_space<hbm>>
    tpu.enqueue_dma source(%dma_start3A_60 : memref<640x64xf32, #tpu.memory_space<hbm>>) target(%dma_start3A_57 : memref<640x64xf32, #tpu.memory_space<vmem_shared>>) target_semaphore(%arg16 : memref<!tpu.dma_semaphore, #tpu.memory_space<semaphore_mem>>)
    %mul3A_61 = arith.constant 640 : i32
    %mul3A_62 = arith.muli %arg1, %mul3A_61 : i32
    %mul3A_63 = arith.constant 640 : i32
    %mul3A_64 = arith.muli %arg1, %mul3A_63 : i32
    %dma_wait3A_65 = arith.constant 0 : i32
    %dma_wait3A_66 = tpu.memref_slice %arg13[%mul3A_64, %dma_wait3A_65] : memref<10240x64xf32, #tpu.memory_space<vmem_shared>> -> memref<640x64xf32, #tpu.memory_space<vmem_shared>>
    %dma_wait3A_67 = arith.constant 64 : i32
    %dma_wait3A_68 = tpu.memref_slice %arg2[%arg0, %mul3A_62, %dma_wait3A_67] : memref<2x10240x128xf32, #tpu.memory_space<hbm>> -> memref<1x640x64xf32, #tpu.memory_space<hbm>>
    %dma_wait3A_69 = tpu.memref_squeeze %dma_wait3A_68 : memref<1x640x64xf32, #tpu.memory_space<hbm>> -> memref<640x64xf32, #tpu.memory_space<hbm>>
    tpu.wait_dma2 semaphore(%arg15 : memref<!tpu.dma_semaphore, #tpu.memory_space<semaphore_mem>>) src(%dma_wait3A_69 : memref<640x64xf32, #tpu.memory_space<hbm>>) dst(%dma_wait3A_66 : memref<640x64xf32, #tpu.memory_space<vmem_shared>>)
    %mul3A_70 = arith.constant 640 : i32
    %mul3A_71 = arith.muli %arg1, %mul3A_70 : i32
    %mul3A_72 = arith.constant 640 : i32
    %mul3A_73 = arith.muli %arg1, %mul3A_72 : i32
    %dma_wait3A_74 = arith.constant 0 : i32
    %dma_wait3A_75 = tpu.memref_slice %arg14[%mul3A_73, %dma_wait3A_74] : memref<10240x64xf32, #tpu.memory_space<vmem_shared>> -> memref<640x64xf32, #tpu.memory_space<vmem_shared>>
    %dma_wait3A_76 = arith.constant 64 : i32
    %dma_wait3A_77 = tpu.memref_slice %arg2[%arg0, %mul3A_71, %dma_wait3A_76] : memref<2x10240x128xf32, #tpu.memory_space<hbm>> -> memref<1x640x64xf32, #tpu.memory_space<hbm>>
    %dma_wait3A_78 = tpu.memref_squeeze %dma_wait3A_77 : memref<1x640x64xf32, #tpu.memory_space<hbm>> -> memref<640x64xf32, #tpu.memory_space<hbm>>
    tpu.wait_dma2 semaphore(%arg16 : memref<!tpu.dma_semaphore, #tpu.memory_space<semaphore_mem>>) src(%dma_wait3A_78 : memref<640x64xf32, #tpu.memory_space<hbm>>) dst(%dma_wait3A_75 : memref<640x64xf32, #tpu.memory_space<vmem_shared>>)
    %barrier3A_79 = arith.constant 0 : index
    tpu.barrier barrier_id(%barrier3A_79)
    %scan3A_80 = arith.constant 0 : i32
    %scan3A_81 = arith.constant 2 : i32
    %scan3A_82 = arith.addi %scan3A_80, %scan3A_81 : i32
    %scan3A_83 = arith.constant 1 : i32
    scf.for %scan3A_91 = %scan3A_80 to %scan3A_82 step %scan3A_83  : i32 {
      %mul3A_92 = arith.constant 90 : i32
      %mul3A_93 = arith.muli %arg1, %mul3A_92 : i32
      %mul3A_94 = arith.constant 45 : i32
      %mul3A_95 = arith.muli %scan3A_91, %mul3A_94 : i32
      %add3A = arith.addi %mul3A_93, %mul3A_95 : i32
      "tpu.region"() ({
        %run_scoped3A = tpu.sem_alloc : memref<!tpu.dma_semaphore, #tpu.memory_space<semaphore_mem>>
        %dma_start3A_136 = arith.constant 0 : i32
        %dma_start3A_137 = tpu.memref_slice %arg3[%add3A, %dma_start3A_136] : memref<1440x112xi32, #tpu.memory_space<hbm>> -> memref<45x112xi32, #tpu.memory_space<hbm>>
        %dma_start3A_138 = arith.constant 0 : i32
        %dma_start3A_139 = tpu.memref_slice %arg3[%add3A, %dma_start3A_138] : memref<1440x112xi32, #tpu.memory_space<hbm>> -> memref<45x112xi32, #tpu.memory_space<hbm>>
        tpu.enqueue_dma source(%dma_start3A_139 : memref<45x112xi32, #tpu.memory_space<hbm>>) target(%arg6 : memref<45x112xi32, #tpu.memory_space<vmem>>) target_semaphore(%run_scoped3A : memref<!tpu.dma_semaphore, #tpu.memory_space<semaphore_mem>>)
        %dma_wait3A_140 = arith.constant 0 : i32
        %dma_wait3A_141 = tpu.memref_slice %arg3[%add3A, %dma_wait3A_140] : memref<1440x112xi32, #tpu.memory_space<hbm>> -> memref<45x112xi32, #tpu.memory_space<hbm>>
        %dma_wait3A_142 = arith.constant 0 : i32
        %dma_wait3A_143 = tpu.memref_slice %arg3[%add3A, %dma_wait3A_142] : memref<1440x112xi32, #tpu.memory_space<hbm>> -> memref<45x112xi32, #tpu.memory_space<hbm>>
        tpu.wait_dma2 semaphore(%run_scoped3A : memref<!tpu.dma_semaphore, #tpu.memory_space<semaphore_mem>>) src(%dma_wait3A_143 : memref<45x112xi32, #tpu.memory_space<hbm>>) dst(%arg6 : memref<45x112xi32, #tpu.memory_space<vmem>>)
        tpu.yield
      }) : () -> ()
      "tpu.region"() ({
        %run_scoped3A = tpu.sem_alloc : memref<!tpu.dma_semaphore, #tpu.memory_space<semaphore_mem>>
        %dma_start3A_136 = arith.constant 0 : i32
        %dma_start3A_137 = tpu.memref_slice %arg4[%add3A, %dma_start3A_136] : memref<1440x112xi32, #tpu.memory_space<hbm>> -> memref<45x112xi32, #tpu.memory_space<hbm>>
        %dma_start3A_138 = arith.constant 0 : i32
        %dma_start3A_139 = tpu.memref_slice %arg4[%add3A, %dma_start3A_138] : memref<1440x112xi32, #tpu.memory_space<hbm>> -> memref<45x112xi32, #tpu.memory_space<hbm>>
        tpu.enqueue_dma source(%dma_start3A_139 : memref<45x112xi32, #tpu.memory_space<hbm>>) target(%arg7 : memref<45x112xi32, #tpu.memory_space<vmem>>) target_semaphore(%run_scoped3A : memref<!tpu.dma_semaphore, #tpu.memory_space<semaphore_mem>>)
        %dma_wait3A_140 = arith.constant 0 : i32
        %dma_wait3A_141 = tpu.memref_slice %arg4[%add3A, %dma_wait3A_140] : memref<1440x112xi32, #tpu.memory_space<hbm>> -> memref<45x112xi32, #tpu.memory_space<hbm>>
        %dma_wait3A_142 = arith.constant 0 : i32
        %dma_wait3A_143 = tpu.memref_slice %arg4[%add3A, %dma_wait3A_142] : memref<1440x112xi32, #tpu.memory_space<hbm>> -> memref<45x112xi32, #tpu.memory_space<hbm>>
        tpu.wait_dma2 semaphore(%run_scoped3A : memref<!tpu.dma_semaphore, #tpu.memory_space<semaphore_mem>>) src(%dma_wait3A_143 : memref<45x112xi32, #tpu.memory_space<hbm>>) dst(%arg7 : memref<45x112xi32, #tpu.memory_space<vmem>>)
        tpu.yield
      }) : () -> ()
      %dma_start3A_96 = arith.constant 0 : i32
      %dma_start3A_97 = arith.constant 0 : i32
      %dma_start3A_98 = tpu.memref_slice %arg6[%dma_start3A_96, %dma_start3A_97] : memref<45x112xi32, #tpu.memory_space<vmem>> -> memref<1x112xi32, #tpu.memory_space<vmem>>
      %dma_start3A_99 = tpu.memref_squeeze %dma_start3A_98 : memref<1x112xi32, #tpu.memory_space<vmem>> -> memref<112xi32, #tpu.memory_space<vmem>>
      %dma_start3A_100 = arith.constant 0 : i32
      %dma_start3A_101 = arith.constant 0 : i32
      %dma_start3A_102 = tpu.memref_slice %arg13[%dma_start3A_100, %dma_start3A_101] : memref<10240x64xf32, #tpu.memory_space<vmem_shared>> -> memref<10240x64xf32, #tpu.memory_space<vmem_shared>>
      tpu.enqueue_indirect_dma source(%dma_start3A_102 : memref<10240x64xf32, #tpu.memory_space<vmem_shared>>) target(%arg8 : memref<112x64xf32, #tpu.memory_space<vmem>>) offsets(%dma_start3A_99 : memref<112xi32, #tpu.memory_space<vmem>>) semaphore(%arg15 : memref<!tpu.dma_semaphore, #tpu.memory_space<semaphore_mem>>)
      %dma_start3A_103 = arith.constant 1 : i32
      %dma_start3A_104 = arith.constant 0 : i32
      %dma_start3A_105 = tpu.memref_slice %arg6[%dma_start3A_103, %dma_start3A_104] : memref<45x112xi32, #tpu.memory_space<vmem>> -> memref<1x112xi32, #tpu.memory_space<vmem>>
      %dma_start3A_106 = tpu.memref_squeeze %dma_start3A_105 : memref<1x112xi32, #tpu.memory_space<vmem>> -> memref<112xi32, #tpu.memory_space<vmem>>
      %dma_start3A_107 = arith.constant 0 : i32
      %dma_start3A_108 = arith.constant 0 : i32
      %dma_start3A_109 = tpu.memref_slice %arg13[%dma_start3A_107, %dma_start3A_108] : memref<10240x64xf32, #tpu.memory_space<vmem_shared>> -> memref<10240x64xf32, #tpu.memory_space<vmem_shared>>
      tpu.enqueue_indirect_dma source(%dma_start3A_109 : memref<10240x64xf32, #tpu.memory_space<vmem_shared>>) target(%arg9 : memref<112x64xf32, #tpu.memory_space<vmem>>) offsets(%dma_start3A_106 : memref<112xi32, #tpu.memory_space<vmem>>) semaphore(%arg16 : memref<!tpu.dma_semaphore, #tpu.memory_space<semaphore_mem>>)
      %dma_start3A_110 = arith.constant 2 : i32
      %dma_start3A_111 = arith.constant 0 : i32
      %dma_start3A_112 = tpu.memref_slice %arg6[%dma_start3A_110, %dma_start3A_111] : memref<45x112xi32, #tpu.memory_space<vmem>> -> memref<1x112xi32, #tpu.memory_space<vmem>>
      %dma_start3A_113 = tpu.memref_squeeze %dma_start3A_112 : memref<1x112xi32, #tpu.memory_space<vmem>> -> memref<112xi32, #tpu.memory_space<vmem>>
      %dma_start3A_114 = arith.constant 0 : i32
      %dma_start3A_115 = arith.constant 0 : i32
      %dma_start3A_116 = tpu.memref_slice %arg13[%dma_start3A_114, %dma_start3A_115] : memref<10240x64xf32, #tpu.memory_space<vmem_shared>> -> memref<10240x64xf32, #tpu.memory_space<vmem_shared>>
      tpu.enqueue_indirect_dma source(%dma_start3A_116 : memref<10240x64xf32, #tpu.memory_space<vmem_shared>>) target(%arg10 : memref<112x64xf32, #tpu.memory_space<vmem>>) offsets(%dma_start3A_113 : memref<112xi32, #tpu.memory_space<vmem>>) semaphore(%arg17 : memref<!tpu.dma_semaphore, #tpu.memory_space<semaphore_mem>>)
      %scan3A_117 = arith.constant 0 : i32
      %scan3A_118 = arith.constant 9 : i32
      %scan3A_119 = arith.addi %scan3A_117, %scan3A_118 : i32
      %scan3A_120 = arith.constant 1 : i32
      scf.for %scan3A_136 = %scan3A_117 to %scan3A_119 step %scan3A_120  : i32 {
        %mul3A_137 = arith.constant 5 : i32
        %mul3A_138 = arith.muli %mul3A_137, %scan3A_136 : i32
        %add3A_139 = arith.constant 0 : i32
        %add3A_140 = arith.addi %mul3A_138, %add3A_139 : i32
        %dma_wait3A_141 = arith.constant 0 : i32
        %dma_wait3A_142 = tpu.memref_slice %arg6[%add3A_140, %dma_wait3A_141] : memref<45x112xi32, #tpu.memory_space<vmem>> -> memref<1x112xi32, #tpu.memory_space<vmem>>
        %dma_wait3A_143 = tpu.memref_squeeze %dma_wait3A_142 : memref<1x112xi32, #tpu.memory_space<vmem>> -> memref<112xi32, #tpu.memory_space<vmem>>
        %dma_wait3A_144 = arith.constant 0 : i32
        %dma_wait3A_145 = arith.constant 0 : i32
        %dma_wait3A_146 = tpu.memref_slice %arg13[%dma_wait3A_144, %dma_wait3A_145] : memref<10240x64xf32, #tpu.memory_space<vmem_shared>> -> memref<10240x64xf32, #tpu.memory_space<vmem_shared>>
        tpu.wait_indirect_dma semaphore(%arg15 : memref<!tpu.dma_semaphore, #tpu.memory_space<semaphore_mem>>) src(%dma_wait3A_146 : memref<10240x64xf32, #tpu.memory_space<vmem_shared>>) dst(%arg8 : memref<112x64xf32, #tpu.memory_space<vmem>>)
        %dma_start3A_147 = arith.constant 0 : i32
        %dma_start3A_148 = tpu.memref_slice %arg7[%add3A_140, %dma_start3A_147] : memref<45x112xi32, #tpu.memory_space<vmem>> -> memref<1x112xi32, #tpu.memory_space<vmem>>
        %dma_start3A_149 = tpu.memref_squeeze %dma_start3A_148 : memref<1x112xi32, #tpu.memory_space<vmem>> -> memref<112xi32, #tpu.memory_space<vmem>>
        %dma_start3A_150 = arith.constant 0 : i32
        %dma_start3A_151 = arith.constant 0 : i32
        %dma_start3A_152 = tpu.memref_slice %arg14[%dma_start3A_150, %dma_start3A_151] : memref<10240x64xf32, #tpu.memory_space<vmem_shared>> -> memref<10240x64xf32, #tpu.memory_space<vmem_shared>>
        tpu.enqueue_indirect_dma source(%arg8 : memref<112x64xf32, #tpu.memory_space<vmem>>) target(%dma_start3A_152 : memref<10240x64xf32, #tpu.memory_space<vmem_shared>>) offsets(%dma_start3A_149 : memref<112xi32, #tpu.memory_space<vmem>>) semaphore(%arg20 : memref<!tpu.dma_semaphore, #tpu.memory_space<semaphore_mem>>) {add = true}
        %ge3A = arith.constant 2 : i32
        %ge3A_153 = arith.cmpi sge, %add3A_140, %ge3A : i32
        %convert_element_type3A = arith.extui %ge3A_153 : i1 to i32
        %cond3A = arith.constant 0 : i32
        %cond3A_154 = arith.cmpi ne, %convert_element_type3A, %cond3A : i32
        scf.if %cond3A_154 {
          %dma_wait3A_273 = arith.constant 0 : i32
          %dma_wait3A_274 = tpu.memref_slice %arg7[%add3A_140, %dma_wait3A_273] : memref<45x112xi32, #tpu.memory_space<vmem>> -> memref<1x112xi32, #tpu.memory_space<vmem>>
          %dma_wait3A_275 = tpu.memref_squeeze %dma_wait3A_274 : memref<1x112xi32, #tpu.memory_space<vmem>> -> memref<112xi32, #tpu.memory_space<vmem>>
          %dma_wait3A_276 = arith.constant 0 : i32
          %dma_wait3A_277 = arith.constant 0 : i32
          %dma_wait3A_278 = tpu.memref_slice %arg14[%dma_wait3A_276, %dma_wait3A_277] : memref<10240x64xf32, #tpu.memory_space<vmem_shared>> -> memref<10240x64xf32, #tpu.memory_space<vmem_shared>>
          tpu.wait_indirect_dma semaphore(%arg23 : memref<!tpu.dma_semaphore, #tpu.memory_space<semaphore_mem>>) src(%arg11 : memref<112x64xf32, #tpu.memory_space<vmem>>) dst(%dma_wait3A_278 : memref<10240x64xf32, #tpu.memory_space<vmem_shared>>)
        } else {
        }
        %add3A_155 = arith.constant 3 : i32
        %add3A_156 = arith.addi %add3A_140, %add3A_155 : i32
        %lt3A = arith.constant 45 : i32
        %lt3A_157 = arith.cmpi slt, %add3A_156, %lt3A : i32
        %convert_element_type3A_158 = arith.extui %lt3A_157 : i1 to i32
        %cond3A_159 = arith.constant 0 : i32
        %cond3A_160 = arith.cmpi ne, %convert_element_type3A_158, %cond3A_159 : i32
        scf.if %cond3A_160 {
          %add3A_273 = arith.constant 3 : i32
          %add3A_274 = arith.addi %add3A_140, %add3A_273 : i32
          %dma_start3A_275 = arith.constant 0 : i32
          %dma_start3A_276 = tpu.memref_slice %arg6[%add3A_274, %dma_start3A_275] : memref<45x112xi32, #tpu.memory_space<vmem>> -> memref<1x112xi32, #tpu.memory_space<vmem>>
          %dma_start3A_277 = tpu.memref_squeeze %dma_start3A_276 : memref<1x112xi32, #tpu.memory_space<vmem>> -> memref<112xi32, #tpu.memory_space<vmem>>
          %dma_start3A_278 = arith.constant 0 : i32
          %dma_start3A_279 = arith.constant 0 : i32
          %dma_start3A_280 = tpu.memref_slice %arg13[%dma_start3A_278, %dma_start3A_279] : memref<10240x64xf32, #tpu.memory_space<vmem_shared>> -> memref<10240x64xf32, #tpu.memory_space<vmem_shared>>
          tpu.enqueue_indirect_dma source(%dma_start3A_280 : memref<10240x64xf32, #tpu.memory_space<vmem_shared>>) target(%arg11 : memref<112x64xf32, #tpu.memory_space<vmem>>) offsets(%dma_start3A_277 : memref<112xi32, #tpu.memory_space<vmem>>) semaphore(%arg18 : memref<!tpu.dma_semaphore, #tpu.memory_space<semaphore_mem>>)
        } else {
        }
        %mul3A_161 = arith.constant 5 : i32
        %mul3A_162 = arith.muli %mul3A_161, %scan3A_136 : i32
        %add3A_163 = arith.constant 1 : i32
        %add3A_164 = arith.addi %mul3A_162, %add3A_163 : i32
        %dma_wait3A_165 = arith.constant 0 : i32
        %dma_wait3A_166 = tpu.memref_slice %arg6[%add3A_164, %dma_wait3A_165] : memref<45x112xi32, #tpu.memory_space<vmem>> -> memref<1x112xi32, #tpu.memory_space<vmem>>
        %dma_wait3A_167 = tpu.memref_squeeze %dma_wait3A_166 : memref<1x112xi32, #tpu.memory_space<vmem>> -> memref<112xi32, #tpu.memory_space<vmem>>
        %dma_wait3A_168 = arith.constant 0 : i32
        %dma_wait3A_169 = arith.constant 0 : i32
        %dma_wait3A_170 = tpu.memref_slice %arg13[%dma_wait3A_168, %dma_wait3A_169] : memref<10240x64xf32, #tpu.memory_space<vmem_shared>> -> memref<10240x64xf32, #tpu.memory_space<vmem_shared>>
        tpu.wait_indirect_dma semaphore(%arg16 : memref<!tpu.dma_semaphore, #tpu.memory_space<semaphore_mem>>) src(%dma_wait3A_170 : memref<10240x64xf32, #tpu.memory_space<vmem_shared>>) dst(%arg9 : memref<112x64xf32, #tpu.memory_space<vmem>>)
        %dma_start3A_171 = arith.constant 0 : i32
        %dma_start3A_172 = tpu.memref_slice %arg7[%add3A_164, %dma_start3A_171] : memref<45x112xi32, #tpu.memory_space<vmem>> -> memref<1x112xi32, #tpu.memory_space<vmem>>
        %dma_start3A_173 = tpu.memref_squeeze %dma_start3A_172 : memref<1x112xi32, #tpu.memory_space<vmem>> -> memref<112xi32, #tpu.memory_space<vmem>>
        %dma_start3A_174 = arith.constant 0 : i32
        %dma_start3A_175 = arith.constant 0 : i32
        %dma_start3A_176 = tpu.memref_slice %arg14[%dma_start3A_174, %dma_start3A_175] : memref<10240x64xf32, #tpu.memory_space<vmem_shared>> -> memref<10240x64xf32, #tpu.memory_space<vmem_shared>>
        tpu.enqueue_indirect_dma source(%arg9 : memref<112x64xf32, #tpu.memory_space<vmem>>) target(%dma_start3A_176 : memref<10240x64xf32, #tpu.memory_space<vmem_shared>>) offsets(%dma_start3A_173 : memref<112xi32, #tpu.memory_space<vmem>>) semaphore(%arg21 : memref<!tpu.dma_semaphore, #tpu.memory_space<semaphore_mem>>) {add = true}
        %ge3A_177 = arith.constant 2 : i32
        %ge3A_178 = arith.cmpi sge, %add3A_164, %ge3A_177 : i32
        %convert_element_type3A_179 = arith.extui %ge3A_178 : i1 to i32
        %cond3A_180 = arith.constant 0 : i32
        %cond3A_181 = arith.cmpi ne, %convert_element_type3A_179, %cond3A_180 : i32
        scf.if %cond3A_181 {
          %dma_wait3A_273 = arith.constant 0 : i32
          %dma_wait3A_274 = tpu.memref_slice %arg7[%add3A_164, %dma_wait3A_273] : memref<45x112xi32, #tpu.memory_space<vmem>> -> memref<1x112xi32, #tpu.memory_space<vmem>>
          %dma_wait3A_275 = tpu.memref_squeeze %dma_wait3A_274 : memref<1x112xi32, #tpu.memory_space<vmem>> -> memref<112xi32, #tpu.memory_space<vmem>>
          %dma_wait3A_276 = arith.constant 0 : i32
          %dma_wait3A_277 = arith.constant 0 : i32
          %dma_wait3A_278 = tpu.memref_slice %arg14[%dma_wait3A_276, %dma_wait3A_277] : memref<10240x64xf32, #tpu.memory_space<vmem_shared>> -> memref<10240x64xf32, #tpu.memory_space<vmem_shared>>
          tpu.wait_indirect_dma semaphore(%arg24 : memref<!tpu.dma_semaphore, #tpu.memory_space<semaphore_mem>>) src(%arg12 : memref<112x64xf32, #tpu.memory_space<vmem>>) dst(%dma_wait3A_278 : memref<10240x64xf32, #tpu.memory_space<vmem_shared>>)
        } else {
        }
        %add3A_182 = arith.constant 3 : i32
        %add3A_183 = arith.addi %add3A_164, %add3A_182 : i32
        %lt3A_184 = arith.constant 45 : i32
        %lt3A_185 = arith.cmpi slt, %add3A_183, %lt3A_184 : i32
        %convert_element_type3A_186 = arith.extui %lt3A_185 : i1 to i32
        %cond3A_187 = arith.constant 0 : i32
        %cond3A_188 = arith.cmpi ne, %convert_element_type3A_186, %cond3A_187 : i32
        scf.if %cond3A_188 {
          %add3A_273 = arith.constant 3 : i32
          %add3A_274 = arith.addi %add3A_164, %add3A_273 : i32
          %dma_start3A_275 = arith.constant 0 : i32
          %dma_start3A_276 = tpu.memref_slice %arg6[%add3A_274, %dma_start3A_275] : memref<45x112xi32, #tpu.memory_space<vmem>> -> memref<1x112xi32, #tpu.memory_space<vmem>>
          %dma_start3A_277 = tpu.memref_squeeze %dma_start3A_276 : memref<1x112xi32, #tpu.memory_space<vmem>> -> memref<112xi32, #tpu.memory_space<vmem>>
          %dma_start3A_278 = arith.constant 0 : i32
          %dma_start3A_279 = arith.constant 0 : i32
          %dma_start3A_280 = tpu.memref_slice %arg13[%dma_start3A_278, %dma_start3A_279] : memref<10240x64xf32, #tpu.memory_space<vmem_shared>> -> memref<10240x64xf32, #tpu.memory_space<vmem_shared>>
          tpu.enqueue_indirect_dma source(%dma_start3A_280 : memref<10240x64xf32, #tpu.memory_space<vmem_shared>>) target(%arg12 : memref<112x64xf32, #tpu.memory_space<vmem>>) offsets(%dma_start3A_277 : memref<112xi32, #tpu.memory_space<vmem>>) semaphore(%arg19 : memref<!tpu.dma_semaphore, #tpu.memory_space<semaphore_mem>>)
        } else {
        }
        %mul3A_189 = arith.constant 5 : i32
        %mul3A_190 = arith.muli %mul3A_189, %scan3A_136 : i32
        %add3A_191 = arith.constant 2 : i32
        %add3A_192 = arith.addi %mul3A_190, %add3A_191 : i32
        %dma_wait3A_193 = arith.constant 0 : i32
        %dma_wait3A_194 = tpu.memref_slice %arg6[%add3A_192, %dma_wait3A_193] : memref<45x112xi32, #tpu.memory_space<vmem>> -> memref<1x112xi32, #tpu.memory_space<vmem>>
        %dma_wait3A_195 = tpu.memref_squeeze %dma_wait3A_194 : memref<1x112xi32, #tpu.memory_space<vmem>> -> memref<112xi32, #tpu.memory_space<vmem>>
        %dma_wait3A_196 = arith.constant 0 : i32
        %dma_wait3A_197 = arith.constant 0 : i32
        %dma_wait3A_198 = tpu.memref_slice %arg13[%dma_wait3A_196, %dma_wait3A_197] : memref<10240x64xf32, #tpu.memory_space<vmem_shared>> -> memref<10240x64xf32, #tpu.memory_space<vmem_shared>>
        tpu.wait_indirect_dma semaphore(%arg17 : memref<!tpu.dma_semaphore, #tpu.memory_space<semaphore_mem>>) src(%dma_wait3A_198 : memref<10240x64xf32, #tpu.memory_space<vmem_shared>>) dst(%arg10 : memref<112x64xf32, #tpu.memory_space<vmem>>)
        %dma_start3A_199 = arith.constant 0 : i32
        %dma_start3A_200 = tpu.memref_slice %arg7[%add3A_192, %dma_start3A_199] : memref<45x112xi32, #tpu.memory_space<vmem>> -> memref<1x112xi32, #tpu.memory_space<vmem>>
        %dma_start3A_201 = tpu.memref_squeeze %dma_start3A_200 : memref<1x112xi32, #tpu.memory_space<vmem>> -> memref<112xi32, #tpu.memory_space<vmem>>
        %dma_start3A_202 = arith.constant 0 : i32
        %dma_start3A_203 = arith.constant 0 : i32
        %dma_start3A_204 = tpu.memref_slice %arg14[%dma_start3A_202, %dma_start3A_203] : memref<10240x64xf32, #tpu.memory_space<vmem_shared>> -> memref<10240x64xf32, #tpu.memory_space<vmem_shared>>
        tpu.enqueue_indirect_dma source(%arg10 : memref<112x64xf32, #tpu.memory_space<vmem>>) target(%dma_start3A_204 : memref<10240x64xf32, #tpu.memory_space<vmem_shared>>) offsets(%dma_start3A_201 : memref<112xi32, #tpu.memory_space<vmem>>) semaphore(%arg22 : memref<!tpu.dma_semaphore, #tpu.memory_space<semaphore_mem>>) {add = true}
        %ge3A_205 = arith.constant 2 : i32
        %ge3A_206 = arith.cmpi sge, %add3A_192, %ge3A_205 : i32
        %convert_element_type3A_207 = arith.extui %ge3A_206 : i1 to i32
        %cond3A_208 = arith.constant 0 : i32
        %cond3A_209 = arith.cmpi ne, %convert_element_type3A_207, %cond3A_208 : i32
        scf.if %cond3A_209 {
          %dma_wait3A_273 = arith.constant 0 : i32
          %dma_wait3A_274 = tpu.memref_slice %arg7[%add3A_192, %dma_wait3A_273] : memref<45x112xi32, #tpu.memory_space<vmem>> -> memref<1x112xi32, #tpu.memory_space<vmem>>
          %dma_wait3A_275 = tpu.memref_squeeze %dma_wait3A_274 : memref<1x112xi32, #tpu.memory_space<vmem>> -> memref<112xi32, #tpu.memory_space<vmem>>
          %dma_wait3A_276 = arith.constant 0 : i32
          %dma_wait3A_277 = arith.constant 0 : i32
          %dma_wait3A_278 = tpu.memref_slice %arg14[%dma_wait3A_276, %dma_wait3A_277] : memref<10240x64xf32, #tpu.memory_space<vmem_shared>> -> memref<10240x64xf32, #tpu.memory_space<vmem_shared>>
          tpu.wait_indirect_dma semaphore(%arg20 : memref<!tpu.dma_semaphore, #tpu.memory_space<semaphore_mem>>) src(%arg8 : memref<112x64xf32, #tpu.memory_space<vmem>>) dst(%dma_wait3A_278 : memref<10240x64xf32, #tpu.memory_space<vmem_shared>>)
        } else {
        }
        %add3A_210 = arith.constant 3 : i32
        %add3A_211 = arith.addi %add3A_192, %add3A_210 : i32
        %lt3A_212 = arith.constant 45 : i32
        %lt3A_213 = arith.cmpi slt, %add3A_211, %lt3A_212 : i32
        %convert_element_type3A_214 = arith.extui %lt3A_213 : i1 to i32
        %cond3A_215 = arith.constant 0 : i32
        %cond3A_216 = arith.cmpi ne, %convert_element_type3A_214, %cond3A_215 : i32
        scf.if %cond3A_216 {
          %add3A_273 = arith.constant 3 : i32
          %add3A_274 = arith.addi %add3A_192, %add3A_273 : i32
          %dma_start3A_275 = arith.constant 0 : i32
          %dma_start3A_276 = tpu.memref_slice %arg6[%add3A_274, %dma_start3A_275] : memref<45x112xi32, #tpu.memory_space<vmem>> -> memref<1x112xi32, #tpu.memory_space<vmem>>
          %dma_start3A_277 = tpu.memref_squeeze %dma_start3A_276 : memref<1x112xi32, #tpu.memory_space<vmem>> -> memref<112xi32, #tpu.memory_space<vmem>>
          %dma_start3A_278 = arith.constant 0 : i32
          %dma_start3A_279 = arith.constant 0 : i32
          %dma_start3A_280 = tpu.memref_slice %arg13[%dma_start3A_278, %dma_start3A_279] : memref<10240x64xf32, #tpu.memory_space<vmem_shared>> -> memref<10240x64xf32, #tpu.memory_space<vmem_shared>>
          tpu.enqueue_indirect_dma source(%dma_start3A_280 : memref<10240x64xf32, #tpu.memory_space<vmem_shared>>) target(%arg8 : memref<112x64xf32, #tpu.memory_space<vmem>>) offsets(%dma_start3A_277 : memref<112xi32, #tpu.memory_space<vmem>>) semaphore(%arg15 : memref<!tpu.dma_semaphore, #tpu.memory_space<semaphore_mem>>)
        } else {
        }
        %mul3A_217 = arith.constant 5 : i32
        %mul3A_218 = arith.muli %mul3A_217, %scan3A_136 : i32
        %add3A_219 = arith.constant 3 : i32
        %add3A_220 = arith.addi %mul3A_218, %add3A_219 : i32
        %dma_wait3A_221 = arith.constant 0 : i32
        %dma_wait3A_222 = tpu.memref_slice %arg6[%add3A_220, %dma_wait3A_221] : memref<45x112xi32, #tpu.memory_space<vmem>> -> memref<1x112xi32, #tpu.memory_space<vmem>>
        %dma_wait3A_223 = tpu.memref_squeeze %dma_wait3A_222 : memref<1x112xi32, #tpu.memory_space<vmem>> -> memref<112xi32, #tpu.memory_space<vmem>>
        %dma_wait3A_224 = arith.constant 0 : i32
        %dma_wait3A_225 = arith.constant 0 : i32
        %dma_wait3A_226 = tpu.memref_slice %arg13[%dma_wait3A_224, %dma_wait3A_225] : memref<10240x64xf32, #tpu.memory_space<vmem_shared>> -> memref<10240x64xf32, #tpu.memory_space<vmem_shared>>
        tpu.wait_indirect_dma semaphore(%arg18 : memref<!tpu.dma_semaphore, #tpu.memory_space<semaphore_mem>>) src(%dma_wait3A_226 : memref<10240x64xf32, #tpu.memory_space<vmem_shared>>) dst(%arg11 : memref<112x64xf32, #tpu.memory_space<vmem>>)
        %dma_start3A_227 = arith.constant 0 : i32
        %dma_start3A_228 = tpu.memref_slice %arg7[%add3A_220, %dma_start3A_227] : memref<45x112xi32, #tpu.memory_space<vmem>> -> memref<1x112xi32, #tpu.memory_space<vmem>>
        %dma_start3A_229 = tpu.memref_squeeze %dma_start3A_228 : memref<1x112xi32, #tpu.memory_space<vmem>> -> memref<112xi32, #tpu.memory_space<vmem>>
        %dma_start3A_230 = arith.constant 0 : i32
        %dma_start3A_231 = arith.constant 0 : i32
        %dma_start3A_232 = tpu.memref_slice %arg14[%dma_start3A_230, %dma_start3A_231] : memref<10240x64xf32, #tpu.memory_space<vmem_shared>> -> memref<10240x64xf32, #tpu.memory_space<vmem_shared>>
        tpu.enqueue_indirect_dma source(%arg11 : memref<112x64xf32, #tpu.memory_space<vmem>>) target(%dma_start3A_232 : memref<10240x64xf32, #tpu.memory_space<vmem_shared>>) offsets(%dma_start3A_229 : memref<112xi32, #tpu.memory_space<vmem>>) semaphore(%arg23 : memref<!tpu.dma_semaphore, #tpu.memory_space<semaphore_mem>>) {add = true}
        %ge3A_233 = arith.constant 2 : i32
        %ge3A_234 = arith.cmpi sge, %add3A_220, %ge3A_233 : i32
        %convert_element_type3A_235 = arith.extui %ge3A_234 : i1 to i32
        %cond3A_236 = arith.constant 0 : i32
        %cond3A_237 = arith.cmpi ne, %convert_element_type3A_235, %cond3A_236 : i32
        scf.if %cond3A_237 {
          %dma_wait3A_273 = arith.constant 0 : i32
          %dma_wait3A_274 = tpu.memref_slice %arg7[%add3A_220, %dma_wait3A_273] : memref<45x112xi32, #tpu.memory_space<vmem>> -> memref<1x112xi32, #tpu.memory_space<vmem>>
          %dma_wait3A_275 = tpu.memref_squeeze %dma_wait3A_274 : memref<1x112xi32, #tpu.memory_space<vmem>> -> memref<112xi32, #tpu.memory_space<vmem>>
          %dma_wait3A_276 = arith.constant 0 : i32
          %dma_wait3A_277 = arith.constant 0 : i32
          %dma_wait3A_278 = tpu.memref_slice %arg14[%dma_wait3A_276, %dma_wait3A_277] : memref<10240x64xf32, #tpu.memory_space<vmem_shared>> -> memref<10240x64xf32, #tpu.memory_space<vmem_shared>>
          tpu.wait_indirect_dma semaphore(%arg21 : memref<!tpu.dma_semaphore, #tpu.memory_space<semaphore_mem>>) src(%arg9 : memref<112x64xf32, #tpu.memory_space<vmem>>) dst(%dma_wait3A_278 : memref<10240x64xf32, #tpu.memory_space<vmem_shared>>)
        } else {
        }
        %add3A_238 = arith.constant 3 : i32
        %add3A_239 = arith.addi %add3A_220, %add3A_238 : i32
        %lt3A_240 = arith.constant 45 : i32
        %lt3A_241 = arith.cmpi slt, %add3A_239, %lt3A_240 : i32
        %convert_element_type3A_242 = arith.extui %lt3A_241 : i1 to i32
        %cond3A_243 = arith.constant 0 : i32
        %cond3A_244 = arith.cmpi ne, %convert_element_type3A_242, %cond3A_243 : i32
        scf.if %cond3A_244 {
          %add3A_273 = arith.constant 3 : i32
          %add3A_274 = arith.addi %add3A_220, %add3A_273 : i32
          %dma_start3A_275 = arith.constant 0 : i32
          %dma_start3A_276 = tpu.memref_slice %arg6[%add3A_274, %dma_start3A_275] : memref<45x112xi32, #tpu.memory_space<vmem>> -> memref<1x112xi32, #tpu.memory_space<vmem>>
          %dma_start3A_277 = tpu.memref_squeeze %dma_start3A_276 : memref<1x112xi32, #tpu.memory_space<vmem>> -> memref<112xi32, #tpu.memory_space<vmem>>
          %dma_start3A_278 = arith.constant 0 : i32
          %dma_start3A_279 = arith.constant 0 : i32
          %dma_start3A_280 = tpu.memref_slice %arg13[%dma_start3A_278, %dma_start3A_279] : memref<10240x64xf32, #tpu.memory_space<vmem_shared>> -> memref<10240x64xf32, #tpu.memory_space<vmem_shared>>
          tpu.enqueue_indirect_dma source(%dma_start3A_280 : memref<10240x64xf32, #tpu.memory_space<vmem_shared>>) target(%arg9 : memref<112x64xf32, #tpu.memory_space<vmem>>) offsets(%dma_start3A_277 : memref<112xi32, #tpu.memory_space<vmem>>) semaphore(%arg16 : memref<!tpu.dma_semaphore, #tpu.memory_space<semaphore_mem>>)
        } else {
        }
        %mul3A_245 = arith.constant 5 : i32
        %mul3A_246 = arith.muli %mul3A_245, %scan3A_136 : i32
        %add3A_247 = arith.constant 4 : i32
        %add3A_248 = arith.addi %mul3A_246, %add3A_247 : i32
        %dma_wait3A_249 = arith.constant 0 : i32
        %dma_wait3A_250 = tpu.memref_slice %arg6[%add3A_248, %dma_wait3A_249] : memref<45x112xi32, #tpu.memory_space<vmem>> -> memref<1x112xi32, #tpu.memory_space<vmem>>
        %dma_wait3A_251 = tpu.memref_squeeze %dma_wait3A_250 : memref<1x112xi32, #tpu.memory_space<vmem>> -> memref<112xi32, #tpu.memory_space<vmem>>
        %dma_wait3A_252 = arith.constant 0 : i32
        %dma_wait3A_253 = arith.constant 0 : i32
        %dma_wait3A_254 = tpu.memref_slice %arg13[%dma_wait3A_252, %dma_wait3A_253] : memref<10240x64xf32, #tpu.memory_space<vmem_shared>> -> memref<10240x64xf32, #tpu.memory_space<vmem_shared>>
        tpu.wait_indirect_dma semaphore(%arg19 : memref<!tpu.dma_semaphore, #tpu.memory_space<semaphore_mem>>) src(%dma_wait3A_254 : memref<10240x64xf32, #tpu.memory_space<vmem_shared>>) dst(%arg12 : memref<112x64xf32, #tpu.memory_space<vmem>>)
        %dma_start3A_255 = arith.constant 0 : i32
        %dma_start3A_256 = tpu.memref_slice %arg7[%add3A_248, %dma_start3A_255] : memref<45x112xi32, #tpu.memory_space<vmem>> -> memref<1x112xi32, #tpu.memory_space<vmem>>
        %dma_start3A_257 = tpu.memref_squeeze %dma_start3A_256 : memref<1x112xi32, #tpu.memory_space<vmem>> -> memref<112xi32, #tpu.memory_space<vmem>>
        %dma_start3A_258 = arith.constant 0 : i32
        %dma_start3A_259 = arith.constant 0 : i32
        %dma_start3A_260 = tpu.memref_slice %arg14[%dma_start3A_258, %dma_start3A_259] : memref<10240x64xf32, #tpu.memory_space<vmem_shared>> -> memref<10240x64xf32, #tpu.memory_space<vmem_shared>>
        tpu.enqueue_indirect_dma source(%arg12 : memref<112x64xf32, #tpu.memory_space<vmem>>) target(%dma_start3A_260 : memref<10240x64xf32, #tpu.memory_space<vmem_shared>>) offsets(%dma_start3A_257 : memref<112xi32, #tpu.memory_space<vmem>>) semaphore(%arg24 : memref<!tpu.dma_semaphore, #tpu.memory_space<semaphore_mem>>) {add = true}
        %ge3A_261 = arith.constant 2 : i32
        %ge3A_262 = arith.cmpi sge, %add3A_248, %ge3A_261 : i32
        %convert_element_type3A_263 = arith.extui %ge3A_262 : i1 to i32
        %cond3A_264 = arith.constant 0 : i32
        %cond3A_265 = arith.cmpi ne, %convert_element_type3A_263, %cond3A_264 : i32
        scf.if %cond3A_265 {
          %dma_wait3A_273 = arith.constant 0 : i32
          %dma_wait3A_274 = tpu.memref_slice %arg7[%add3A_248, %dma_wait3A_273] : memref<45x112xi32, #tpu.memory_space<vmem>> -> memref<1x112xi32, #tpu.memory_space<vmem>>
          %dma_wait3A_275 = tpu.memref_squeeze %dma_wait3A_274 : memref<1x112xi32, #tpu.memory_space<vmem>> -> memref<112xi32, #tpu.memory_space<vmem>>
          %dma_wait3A_276 = arith.constant 0 : i32
          %dma_wait3A_277 = arith.constant 0 : i32
          %dma_wait3A_278 = tpu.memref_slice %arg14[%dma_wait3A_276, %dma_wait3A_277] : memref<10240x64xf32, #tpu.memory_space<vmem_shared>> -> memref<10240x64xf32, #tpu.memory_space<vmem_shared>>
          tpu.wait_indirect_dma semaphore(%arg22 : memref<!tpu.dma_semaphore, #tpu.memory_space<semaphore_mem>>) src(%arg10 : memref<112x64xf32, #tpu.memory_space<vmem>>) dst(%dma_wait3A_278 : memref<10240x64xf32, #tpu.memory_space<vmem_shared>>)
        } else {
        }
        %add3A_266 = arith.constant 3 : i32
        %add3A_267 = arith.addi %add3A_248, %add3A_266 : i32
        %lt3A_268 = arith.constant 45 : i32
        %lt3A_269 = arith.cmpi slt, %add3A_267, %lt3A_268 : i32
        %convert_element_type3A_270 = arith.extui %lt3A_269 : i1 to i32
        %cond3A_271 = arith.constant 0 : i32
        %cond3A_272 = arith.cmpi ne, %convert_element_type3A_270, %cond3A_271 : i32
        scf.if %cond3A_272 {
          %add3A_273 = arith.constant 3 : i32
          %add3A_274 = arith.addi %add3A_248, %add3A_273 : i32
          %dma_start3A_275 = arith.constant 0 : i32
          %dma_start3A_276 = tpu.memref_slice %arg6[%add3A_274, %dma_start3A_275] : memref<45x112xi32, #tpu.memory_space<vmem>> -> memref<1x112xi32, #tpu.memory_space<vmem>>
          %dma_start3A_277 = tpu.memref_squeeze %dma_start3A_276 : memref<1x112xi32, #tpu.memory_space<vmem>> -> memref<112xi32, #tpu.memory_space<vmem>>
          %dma_start3A_278 = arith.constant 0 : i32
          %dma_start3A_279 = arith.constant 0 : i32
          %dma_start3A_280 = tpu.memref_slice %arg13[%dma_start3A_278, %dma_start3A_279] : memref<10240x64xf32, #tpu.memory_space<vmem_shared>> -> memref<10240x64xf32, #tpu.memory_space<vmem_shared>>
          tpu.enqueue_indirect_dma source(%dma_start3A_280 : memref<10240x64xf32, #tpu.memory_space<vmem_shared>>) target(%arg10 : memref<112x64xf32, #tpu.memory_space<vmem>>) offsets(%dma_start3A_277 : memref<112xi32, #tpu.memory_space<vmem>>) semaphore(%arg17 : memref<!tpu.dma_semaphore, #tpu.memory_space<semaphore_mem>>)
        } else {
        }
      }
      %scan3A_121 = arith.constant 9 : i32
      %dma_wait3A_122 = arith.constant 43 : i32
      %dma_wait3A_123 = arith.constant 0 : i32
      %dma_wait3A_124 = tpu.memref_slice %arg7[%dma_wait3A_122, %dma_wait3A_123] : memref<45x112xi32, #tpu.memory_space<vmem>> -> memref<1x112xi32, #tpu.memory_space<vmem>>
      %dma_wait3A_125 = tpu.memref_squeeze %dma_wait3A_124 : memref<1x112xi32, #tpu.memory_space<vmem>> -> memref<112xi32, #tpu.memory_space<vmem>>
      %dma_wait3A_126 = arith.constant 0 : i32
      %dma_wait3A_127 = arith.constant 0 : i32
      %dma_wait3A_128 = tpu.memref_slice %arg14[%dma_wait3A_126, %dma_wait3A_127] : memref<10240x64xf32, #tpu.memory_space<vmem_shared>> -> memref<10240x64xf32, #tpu.memory_space<vmem_shared>>
      tpu.wait_indirect_dma semaphore(%arg23 : memref<!tpu.dma_semaphore, #tpu.memory_space<semaphore_mem>>) src(%arg11 : memref<112x64xf32, #tpu.memory_space<vmem>>) dst(%dma_wait3A_128 : memref<10240x64xf32, #tpu.memory_space<vmem_shared>>)
      %dma_wait3A_129 = arith.constant 44 : i32
      %dma_wait3A_130 = arith.constant 0 : i32
      %dma_wait3A_131 = tpu.memref_slice %arg7[%dma_wait3A_129, %dma_wait3A_130] : memref<45x112xi32, #tpu.memory_space<vmem>> -> memref<1x112xi32, #tpu.memory_space<vmem>>
      %dma_wait3A_132 = tpu.memref_squeeze %dma_wait3A_131 : memref<1x112xi32, #tpu.memory_space<vmem>> -> memref<112xi32, #tpu.memory_space<vmem>>
      %dma_wait3A_133 = arith.constant 0 : i32
      %dma_wait3A_134 = arith.constant 0 : i32
      %dma_wait3A_135 = tpu.memref_slice %arg14[%dma_wait3A_133, %dma_wait3A_134] : memref<10240x64xf32, #tpu.memory_space<vmem_shared>> -> memref<10240x64xf32, #tpu.memory_space<vmem_shared>>
      tpu.wait_indirect_dma semaphore(%arg24 : memref<!tpu.dma_semaphore, #tpu.memory_space<semaphore_mem>>) src(%arg12 : memref<112x64xf32, #tpu.memory_space<vmem>>) dst(%dma_wait3A_135 : memref<10240x64xf32, #tpu.memory_space<vmem_shared>>)
    }
    %scan3A_84 = arith.constant 2 : i32
    %barrier3A_85 = arith.constant 0 : index
    tpu.barrier barrier_id(%barrier3A_85)
    %scan3A_86 = arith.constant 0 : i32
    %scan3A_87 = arith.constant 5 : i32
    %scan3A_88 = arith.addi %scan3A_86, %scan3A_87 : i32
    %scan3A_89 = arith.constant 1 : i32
    scf.for %scan3A_91 = %scan3A_86 to %scan3A_88 step %scan3A_89  : i32 {
      %mul3A_92 = arith.constant 640 : i32
      %mul3A_93 = arith.muli %arg1, %mul3A_92 : i32
      %mul3A_94 = arith.constant 128 : i32
      %mul3A_95 = arith.muli %scan3A_91, %mul3A_94 : i32
      %add3A = arith.addi %mul3A_93, %mul3A_95 : i32
      "tpu.region"() ({
        %run_scoped3A = tpu.sem_alloc : memref<!tpu.dma_semaphore, #tpu.memory_space<semaphore_mem>>
        %dma_start3A_96 = arith.constant 64 : i32
        %dma_start3A_97 = tpu.memref_slice %arg5[%arg0, %add3A, %dma_start3A_96] : memref<2x10240x128xf32, #tpu.memory_space<hbm>> -> memref<1x128x64xf32, #tpu.memory_space<hbm>>
        %dma_start3A_98 = tpu.memref_squeeze %dma_start3A_97 : memref<1x128x64xf32, #tpu.memory_space<hbm>> -> memref<128x64xf32, #tpu.memory_space<hbm>>
        %dma_start3A_99 = arith.constant 0 : i32
        %dma_start3A_100 = tpu.memref_slice %arg14[%add3A, %dma_start3A_99] : memref<10240x64xf32, #tpu.memory_space<vmem_shared>> -> memref<128x64xf32, #tpu.memory_space<vmem_shared>>
        tpu.enqueue_dma source(%dma_start3A_100 : memref<128x64xf32, #tpu.memory_space<vmem_shared>>) target(%dma_start3A_98 : memref<128x64xf32, #tpu.memory_space<hbm>>) target_semaphore(%run_scoped3A : memref<!tpu.dma_semaphore, #tpu.memory_space<semaphore_mem>>)
        %dma_wait3A_101 = arith.constant 64 : i32
        %dma_wait3A_102 = tpu.memref_slice %arg5[%arg0, %add3A, %dma_wait3A_101] : memref<2x10240x128xf32, #tpu.memory_space<hbm>> -> memref<1x128x64xf32, #tpu.memory_space<hbm>>
        %dma_wait3A_103 = tpu.memref_squeeze %dma_wait3A_102 : memref<1x128x64xf32, #tpu.memory_space<hbm>> -> memref<128x64xf32, #tpu.memory_space<hbm>>
        %dma_wait3A_104 = arith.constant 0 : i32
        %dma_wait3A_105 = tpu.memref_slice %arg14[%add3A, %dma_wait3A_104] : memref<10240x64xf32, #tpu.memory_space<vmem_shared>> -> memref<128x64xf32, #tpu.memory_space<vmem_shared>>
        tpu.wait_dma2 semaphore(%run_scoped3A : memref<!tpu.dma_semaphore, #tpu.memory_space<semaphore_mem>>) src(%dma_wait3A_105 : memref<128x64xf32, #tpu.memory_space<vmem_shared>>) dst(%dma_wait3A_103 : memref<128x64xf32, #tpu.memory_space<hbm>>)
        tpu.yield
      }) : () -> ()
    }
    %scan3A_90 = arith.constant 5 : i32
    return
  }
}

module attributes {stable_mosaic.version = 14 : i64} {
  func.func @_mm1_body(%arg0: i32, %arg1: memref<2000x256xf32, #tpu.memory_space<vmem>>, %arg2: memref<256x256xf32, #tpu.memory_space<vmem>>, %arg3: memref<2000x1xf32, #tpu.memory_space<vmem>>, %arg4: memref<2x2000x128xf32, #tpu.memory_space<vmem>>, %arg5: memref<2000x1xf32, #tpu.memory_space<vmem>>) attributes {dimension_semantics = [#tpu.dimension_semantics<arbitrary>], iteration_bounds = array<i64: 5>, scalar_prefetch = 0 : i64, scratch_operands = 0 : i64, tpu.core_type = #tpu.core_type<tc>, window_params = [{transform_indices = @transform_0, window_bounds = array<i64: 2000, 256>}, {pipeline_mode = #tpu.pipeline_mode<synchronous>, transform_indices = @transform_1, window_bounds = array<i64: 256, 256>}, {transform_indices = @transform_2, window_bounds = array<i64: 2000, 1>}, {transform_indices = @transform_3, window_bounds = array<i64: 2, 2000, 128>}, {transform_indices = @transform_4, window_bounds = array<i64: 2000, 1>}]} {
    %get3A = arith.constant 0 : index
    %get3A_0 = arith.constant 0 : index
    %get3A_1 = vector.load %arg3[%get3A, %get3A_0] : memref<2000x1xf32, #tpu.memory_space<vmem>>, vector<2000x1xf32>
    %add3A = arith.constant 1.000000e+00 : f32
    %add3A_2 = vector.broadcast %add3A : f32 to vector<2000x1xf32>
    %add3A_3 = arith.addf %get3A_1, %add3A_2 : vector<2000x1xf32>
    %max3A = arith.constant 9.99999996E-13 : f32
    %max3A_4 = vector.broadcast %max3A : f32 to vector<2000x1xf32>
    %max3A_5 = arith.maximumf %add3A_3, %max3A_4 : vector<2000x1xf32>
    %rsqrt3A = math.rsqrt %max3A_5 : vector<2000x1xf32>
    %get3A_6 = arith.constant 0 : index
    %get3A_7 = arith.constant 0 : index
    %get3A_8 = vector.load %arg1[%get3A_6, %get3A_7] : memref<2000x256xf32, #tpu.memory_space<vmem>>, vector<2000x256xf32>
    %get3A_9 = arith.constant 0 : index
    %get3A_10 = arith.constant 0 : index
    %get3A_11 = vector.load %arg2[%get3A_9, %get3A_10] : memref<256x256xf32, #tpu.memory_space<vmem>>, vector<256x256xf32>
    %dot_general3A = arith.constant dense<0.000000e+00> : vector<2000x256xf32>
    %dot_general3A_12 = tpu.matmul %get3A_8, %get3A_11, %dot_general3A {dimension_numbers = #tpu.dot_dimension_numbers<[1], [0], [0], [1], [0, 0, 1, 1], [], []>, transpose_lhs_hint = false} : vector<2000x256xf32>, vector<256x256xf32>, vector<2000x256xf32> -> vector<2000x256xf32>
    %mul3A = vector.broadcast %rsqrt3A : vector<2000x1xf32> to vector<2000x256xf32>
    %mul3A_13 = arith.mulf %dot_general3A_12, %mul3A : vector<2000x256xf32>
    %slice3A = vector.extract_strided_slice %mul3A_13 {offsets = [0, 0], sizes = [2000, 128], strides = [1, 1]} : vector<2000x256xf32> to vector<2000x128xf32>
    %swap3A = arith.constant 0 : index
    %swap3A_14 = arith.constant 0 : index
    %swap3A_15 = arith.constant 0 : index
    %swap3A_16 = vector.load %arg4[%swap3A, %swap3A_14, %swap3A_15] : memref<2x2000x128xf32, #tpu.memory_space<vmem>>, vector<1x2000x128xf32>
    %swap3A_17 = vector.shape_cast %swap3A_16 : vector<1x2000x128xf32> to vector<2000x128xf32>
    %swap3A_18 = vector.shape_cast %slice3A : vector<2000x128xf32> to vector<1x2000x128xf32>
    tpu.vector_store %arg4[%swap3A, %swap3A_14, %swap3A_15], %swap3A_18 {strides = array<i32>} : memref<2x2000x128xf32, #tpu.memory_space<vmem>>, vector<1x2000x128xf32>,
    %slice3A_19 = vector.extract_strided_slice %mul3A_13 {offsets = [0, 128], sizes = [2000, 128], strides = [1, 1]} : vector<2000x256xf32> to vector<2000x128xf32>
    %swap3A_20 = arith.constant 1 : index
    %swap3A_21 = arith.constant 0 : index
    %swap3A_22 = arith.constant 0 : index
    %swap3A_23 = vector.load %arg4[%swap3A_20, %swap3A_21, %swap3A_22] : memref<2x2000x128xf32, #tpu.memory_space<vmem>>, vector<1x2000x128xf32>
    %swap3A_24 = vector.shape_cast %swap3A_23 : vector<1x2000x128xf32> to vector<2000x128xf32>
    %swap3A_25 = vector.shape_cast %slice3A_19 : vector<2000x128xf32> to vector<1x2000x128xf32>
    tpu.vector_store %arg4[%swap3A_20, %swap3A_21, %swap3A_22], %swap3A_25 {strides = array<i32>} : memref<2x2000x128xf32, #tpu.memory_space<vmem>>, vector<1x2000x128xf32>,
    %swap3A_26 = arith.constant 0 : index
    %swap3A_27 = arith.constant 0 : index
    %swap3A_28 = vector.load %arg5[%swap3A_26, %swap3A_27] : memref<2000x1xf32, #tpu.memory_space<vmem>>, vector<2000x1xf32>
    tpu.vector_store %arg5[%swap3A_26, %swap3A_27], %rsqrt3A {strides = array<i32>} : memref<2000x1xf32, #tpu.memory_space<vmem>>, vector<2000x1xf32>,
    return
  }
  func.func @transform_0(%arg0: i32) -> (i32, i32) {
    %c0_i32 = arith.constant 0 : i32
    %c0_i32_0 = arith.constant 0 : i32
    return %arg0, %c0_i32 : i32, i32
  }
  func.func @transform_1(%arg0: i32) -> (i32, i32) {
    %c0_i32 = arith.constant 0 : i32
    %c0_i32_0 = arith.constant 0 : i32
    %c0_i32_1 = arith.constant 0 : i32
    return %c0_i32, %c0_i32_0 : i32, i32
  }
  func.func @transform_2(%arg0: i32) -> (i32, i32) {
    %c0_i32 = arith.constant 0 : i32
    %c0_i32_0 = arith.constant 0 : i32
    return %arg0, %c0_i32 : i32, i32
  }
  func.func @transform_3(%arg0: i32) -> (i32, i32, i32) {
    %c0_i32 = arith.constant 0 : i32
    %c0_i32_0 = arith.constant 0 : i32
    %c0_i32_1 = arith.constant 0 : i32
    return %c0_i32, %arg0, %c0_i32_0 : i32, i32, i32
  }
  func.func @transform_4(%arg0: i32) -> (i32, i32) {
    %c0_i32 = arith.constant 0 : i32
    %c0_i32_0 = arith.constant 0 : i32
    return %arg0, %c0_i32 : i32, i32
  }
}

module attributes {stable_mosaic.version = 14 : i64} {
  func.func @_mm2_body(%arg0: i32, %arg1: memref<2x2000x128xf32, #tpu.memory_space<vmem>>, %arg2: memref<2000x1xf32, #tpu.memory_space<vmem>>, %arg3: memref<2x1x128xf32, #tpu.memory_space<vmem>>, %arg4: memref<256x256xf32, #tpu.memory_space<vmem>>, %arg5: memref<2x2000x128xf32, #tpu.memory_space<vmem>>) attributes {dimension_semantics = [#tpu.dimension_semantics<arbitrary>], iteration_bounds = array<i64: 5>, scalar_prefetch = 0 : i64, scratch_operands = 0 : i64, tpu.core_type = #tpu.core_type<tc>, window_params = [{transform_indices = @transform_0, window_bounds = array<i64: 2, 2000, 128>}, {transform_indices = @transform_1, window_bounds = array<i64: 2000, 1>}, {pipeline_mode = #tpu.pipeline_mode<synchronous>, transform_indices = @transform_2, window_bounds = array<i64: 2, 1, 128>}, {pipeline_mode = #tpu.pipeline_mode<synchronous>, transform_indices = @transform_3, window_bounds = array<i64: 256, 256>}, {transform_indices = @transform_4, window_bounds = array<i64: 2, 2000, 128>}]} {
    %get3A = arith.constant 0 : index
    %get3A_0 = arith.constant 0 : index
    %get3A_1 = vector.load %arg2[%get3A, %get3A_0] : memref<2000x1xf32, #tpu.memory_space<vmem>>, vector<2000x1xf32>
    %get3A_2 = arith.constant 0 : index
    %get3A_3 = arith.constant 0 : index
    %get3A_4 = arith.constant 0 : index
    %get3A_5 = vector.load %arg1[%get3A_2, %get3A_3, %get3A_4] : memref<2x2000x128xf32, #tpu.memory_space<vmem>>, vector<1x2000x128xf32>
    %get3A_6 = vector.shape_cast %get3A_5 : vector<1x2000x128xf32> to vector<2000x128xf32>
    %mul3A = vector.broadcast %get3A_1 : vector<2000x1xf32> to vector<2000x128xf32>
    %mul3A_7 = arith.mulf %mul3A, %get3A_6 : vector<2000x128xf32>
    %get3A_8 = arith.constant 0 : index
    %get3A_9 = arith.constant 0 : index
    %get3A_10 = arith.constant 0 : index
    %get3A_11 = vector.load %arg3[%get3A_8, %get3A_9, %get3A_10] : memref<2x1x128xf32, #tpu.memory_space<vmem>>, vector<1x1x128xf32>
    %get3A_12 = vector.shape_cast %get3A_11 : vector<1x1x128xf32> to vector<1x128xf32>
    %add3A = vector.broadcast %get3A_12 : vector<1x128xf32> to vector<2000x128xf32>
    %add3A_13 = arith.addf %mul3A_7, %add3A : vector<2000x128xf32>
    %tanh3A = math.tanh %add3A_13 : vector<2000x128xf32>
    %get3A_14 = arith.constant 1 : index
    %get3A_15 = arith.constant 0 : index
    %get3A_16 = arith.constant 0 : index
    %get3A_17 = vector.load %arg1[%get3A_14, %get3A_15, %get3A_16] : memref<2x2000x128xf32, #tpu.memory_space<vmem>>, vector<1x2000x128xf32>
    %get3A_18 = vector.shape_cast %get3A_17 : vector<1x2000x128xf32> to vector<2000x128xf32>
    %mul3A_19 = vector.broadcast %get3A_1 : vector<2000x1xf32> to vector<2000x128xf32>
    %mul3A_20 = arith.mulf %mul3A_19, %get3A_18 : vector<2000x128xf32>
    %get3A_21 = arith.constant 1 : index
    %get3A_22 = arith.constant 0 : index
    %get3A_23 = arith.constant 0 : index
    %get3A_24 = vector.load %arg3[%get3A_21, %get3A_22, %get3A_23] : memref<2x1x128xf32, #tpu.memory_space<vmem>>, vector<1x1x128xf32>
    %get3A_25 = vector.shape_cast %get3A_24 : vector<1x1x128xf32> to vector<1x128xf32>
    %add3A_26 = vector.broadcast %get3A_25 : vector<1x128xf32> to vector<2000x128xf32>
    %add3A_27 = arith.addf %mul3A_20, %add3A_26 : vector<2000x128xf32>
    %tanh3A_28 = math.tanh %add3A_27 : vector<2000x128xf32>
    %concatenate3A = tpu.concatenate %tanh3A, %tanh3A_28 in 1 : vector<2000x128xf32>, vector<2000x128xf32> -> vector<2000x256xf32>
    %get3A_29 = arith.constant 0 : index
    %get3A_30 = arith.constant 0 : index
    %get3A_31 = vector.load %arg4[%get3A_29, %get3A_30] : memref<256x256xf32, #tpu.memory_space<vmem>>, vector<256x256xf32>
    %dot_general3A = arith.constant dense<0.000000e+00> : vector<2000x256xf32>
    %dot_general3A_32 = tpu.matmul %concatenate3A, %get3A_31, %dot_general3A {dimension_numbers = #tpu.dot_dimension_numbers<[1], [0], [0], [1], [0, 0, 1, 1], [], []>, transpose_lhs_hint = false} : vector<2000x256xf32>, vector<256x256xf32>, vector<2000x256xf32> -> vector<2000x256xf32>
    %mul3A_33 = vector.broadcast %get3A_1 : vector<2000x1xf32> to vector<2000x256xf32>
    %mul3A_34 = arith.mulf %dot_general3A_32, %mul3A_33 : vector<2000x256xf32>
    %slice3A = vector.extract_strided_slice %mul3A_34 {offsets = [0, 0], sizes = [2000, 128], strides = [1, 1]} : vector<2000x256xf32> to vector<2000x128xf32>
    %swap3A = arith.constant 0 : index
    %swap3A_35 = arith.constant 0 : index
    %swap3A_36 = arith.constant 0 : index
    %swap3A_37 = vector.load %arg5[%swap3A, %swap3A_35, %swap3A_36] : memref<2x2000x128xf32, #tpu.memory_space<vmem>>, vector<1x2000x128xf32>
    %swap3A_38 = vector.shape_cast %swap3A_37 : vector<1x2000x128xf32> to vector<2000x128xf32>
    %swap3A_39 = vector.shape_cast %slice3A : vector<2000x128xf32> to vector<1x2000x128xf32>
    tpu.vector_store %arg5[%swap3A, %swap3A_35, %swap3A_36], %swap3A_39 {strides = array<i32>} : memref<2x2000x128xf32, #tpu.memory_space<vmem>>, vector<1x2000x128xf32>,
    %slice3A_40 = vector.extract_strided_slice %mul3A_34 {offsets = [0, 128], sizes = [2000, 128], strides = [1, 1]} : vector<2000x256xf32> to vector<2000x128xf32>
    %swap3A_41 = arith.constant 1 : index
    %swap3A_42 = arith.constant 0 : index
    %swap3A_43 = arith.constant 0 : index
    %swap3A_44 = vector.load %arg5[%swap3A_41, %swap3A_42, %swap3A_43] : memref<2x2000x128xf32, #tpu.memory_space<vmem>>, vector<1x2000x128xf32>
    %swap3A_45 = vector.shape_cast %swap3A_44 : vector<1x2000x128xf32> to vector<2000x128xf32>
    %swap3A_46 = vector.shape_cast %slice3A_40 : vector<2000x128xf32> to vector<1x2000x128xf32>
    tpu.vector_store %arg5[%swap3A_41, %swap3A_42, %swap3A_43], %swap3A_46 {strides = array<i32>} : memref<2x2000x128xf32, #tpu.memory_space<vmem>>, vector<1x2000x128xf32>,
    return
  }
  func.func @transform_0(%arg0: i32) -> (i32, i32, i32) {
    %c0_i32 = arith.constant 0 : i32
    %c0_i32_0 = arith.constant 0 : i32
    %c0_i32_1 = arith.constant 0 : i32
    return %c0_i32, %arg0, %c0_i32_0 : i32, i32, i32
  }
  func.func @transform_1(%arg0: i32) -> (i32, i32) {
    %c0_i32 = arith.constant 0 : i32
    %c0_i32_0 = arith.constant 0 : i32
    return %arg0, %c0_i32 : i32, i32
  }
  func.func @transform_2(%arg0: i32) -> (i32, i32, i32) {
    %c0_i32 = arith.constant 0 : i32
    %c0_i32_0 = arith.constant 0 : i32
    %c0_i32_1 = arith.constant 0 : i32
    %c0_i32_2 = arith.constant 0 : i32
    return %c0_i32, %c0_i32_0, %c0_i32_1 : i32, i32, i32
  }
  func.func @transform_3(%arg0: i32) -> (i32, i32) {
    %c0_i32 = arith.constant 0 : i32
    %c0_i32_0 = arith.constant 0 : i32
    %c0_i32_1 = arith.constant 0 : i32
    return %c0_i32, %c0_i32_0 : i32, i32
  }
  func.func @transform_4(%arg0: i32) -> (i32, i32, i32) {
    %c0_i32 = arith.constant 0 : i32
    %c0_i32_0 = arith.constant 0 : i32
    %c0_i32_1 = arith.constant 0 : i32
    return %c0_i32, %arg0, %c0_i32_0 : i32, i32, i32
  }
}

module attributes {stable_mosaic.version = 14 : i64} {
  func.func @_fin_body(%arg0: i32, %arg1: memref<2x2000x128xf32, #tpu.memory_space<vmem>>, %arg2: memref<2000x1xf32, #tpu.memory_space<vmem>>, %arg3: memref<2x1x128xf32, #tpu.memory_space<vmem>>, %arg4: memref<256x1xf32, #tpu.memory_space<vmem>>, %arg5: memref<1x1xf32, #tpu.memory_space<vmem>>, %arg6: memref<2000x256xf32, #tpu.memory_space<vmem>>, %arg7: memref<2000x1xf32, #tpu.memory_space<vmem>>) attributes {dimension_semantics = [#tpu.dimension_semantics<arbitrary>], iteration_bounds = array<i64: 5>, scalar_prefetch = 0 : i64, scratch_operands = 0 : i64, tpu.core_type = #tpu.core_type<tc>, window_params = [{transform_indices = @transform_0, window_bounds = array<i64: 2, 2000, 128>}, {transform_indices = @transform_1, window_bounds = array<i64: 2000, 1>}, {pipeline_mode = #tpu.pipeline_mode<synchronous>, transform_indices = @transform_2, window_bounds = array<i64: 2, 1, 128>}, {pipeline_mode = #tpu.pipeline_mode<synchronous>, transform_indices = @transform_3, window_bounds = array<i64: 256, 1>}, {pipeline_mode = #tpu.pipeline_mode<synchronous>, transform_indices = @transform_4, window_bounds = array<i64: 1, 1>}, {transform_indices = @transform_5, window_bounds = array<i64: 2000, 256>}, {transform_indices = @transform_6, window_bounds = array<i64: 2000, 1>}]} {
    %get3A = arith.constant 0 : index
    %get3A_0 = arith.constant 0 : index
    %get3A_1 = vector.load %arg2[%get3A, %get3A_0] : memref<2000x1xf32, #tpu.memory_space<vmem>>, vector<2000x1xf32>
    %get3A_2 = arith.constant 0 : index
    %get3A_3 = arith.constant 0 : index
    %get3A_4 = arith.constant 0 : index
    %get3A_5 = vector.load %arg1[%get3A_2, %get3A_3, %get3A_4] : memref<2x2000x128xf32, #tpu.memory_space<vmem>>, vector<1x2000x128xf32>
    %get3A_6 = vector.shape_cast %get3A_5 : vector<1x2000x128xf32> to vector<2000x128xf32>
    %mul3A = vector.broadcast %get3A_1 : vector<2000x1xf32> to vector<2000x128xf32>
    %mul3A_7 = arith.mulf %mul3A, %get3A_6 : vector<2000x128xf32>
    %get3A_8 = arith.constant 0 : index
    %get3A_9 = arith.constant 0 : index
    %get3A_10 = arith.constant 0 : index
    %get3A_11 = vector.load %arg3[%get3A_8, %get3A_9, %get3A_10] : memref<2x1x128xf32, #tpu.memory_space<vmem>>, vector<1x1x128xf32>
    %get3A_12 = vector.shape_cast %get3A_11 : vector<1x1x128xf32> to vector<1x128xf32>
    %add3A = vector.broadcast %get3A_12 : vector<1x128xf32> to vector<2000x128xf32>
    %add3A_13 = arith.addf %mul3A_7, %add3A : vector<2000x128xf32>
    %get3A_14 = arith.constant 1 : index
    %get3A_15 = arith.constant 0 : index
    %get3A_16 = arith.constant 0 : index
    %get3A_17 = vector.load %arg1[%get3A_14, %get3A_15, %get3A_16] : memref<2x2000x128xf32, #tpu.memory_space<vmem>>, vector<1x2000x128xf32>
    %get3A_18 = vector.shape_cast %get3A_17 : vector<1x2000x128xf32> to vector<2000x128xf32>
    %mul3A_19 = vector.broadcast %get3A_1 : vector<2000x1xf32> to vector<2000x128xf32>
    %mul3A_20 = arith.mulf %mul3A_19, %get3A_18 : vector<2000x128xf32>
    %get3A_21 = arith.constant 1 : index
    %get3A_22 = arith.constant 0 : index
    %get3A_23 = arith.constant 0 : index
    %get3A_24 = vector.load %arg3[%get3A_21, %get3A_22, %get3A_23] : memref<2x1x128xf32, #tpu.memory_space<vmem>>, vector<1x1x128xf32>
    %get3A_25 = vector.shape_cast %get3A_24 : vector<1x1x128xf32> to vector<1x128xf32>
    %add3A_26 = vector.broadcast %get3A_25 : vector<1x128xf32> to vector<2000x128xf32>
    %add3A_27 = arith.addf %mul3A_20, %add3A_26 : vector<2000x128xf32>
    %concatenate3A = tpu.concatenate %add3A_13, %add3A_27 in 1 : vector<2000x128xf32>, vector<2000x128xf32> -> vector<2000x256xf32>
    %swap3A = arith.constant 0 : index
    %swap3A_28 = arith.constant 0 : index
    %swap3A_29 = vector.load %arg6[%swap3A, %swap3A_28] : memref<2000x256xf32, #tpu.memory_space<vmem>>, vector<2000x256xf32>
    tpu.vector_store %arg6[%swap3A, %swap3A_28], %concatenate3A {strides = array<i32>} : memref<2000x256xf32, #tpu.memory_space<vmem>>, vector<2000x256xf32>,
    %get3A_30 = arith.constant 0 : index
    %get3A_31 = arith.constant 0 : index
    %get3A_32 = vector.load %arg4[%get3A_30, %get3A_31] : memref<256x1xf32, #tpu.memory_space<vmem>>, vector<256x1xf32>
    %dot_general3A = arith.constant dense<0.000000e+00> : vector<2000x1xf32>
    %dot_general3A_33 = tpu.matmul %concatenate3A, %get3A_32, %dot_general3A {dimension_numbers = #tpu.dot_dimension_numbers<[1], [0], [0], [1], [0, 0, 1, 1], [], []>, transpose_lhs_hint = false} : vector<2000x256xf32>, vector<256x1xf32>, vector<2000x1xf32> -> vector<2000x1xf32>
    %get3A_34 = arith.constant 0 : index
    %get3A_35 = arith.constant 0 : index
    %get3A_36 = vector.load %arg5[%get3A_34, %get3A_35] : memref<1x1xf32, #tpu.memory_space<vmem>>, vector<1x1xf32>
    %get3A_37 = vector.extract %get3A_36[0, 0] : f32 from vector<1x1xf32>
    %add3A_38 = vector.broadcast %get3A_37 : f32 to vector<2000x1xf32>
    %add3A_39 = arith.addf %dot_general3A_33, %add3A_38 : vector<2000x1xf32>
    %logistic3A = arith.negf %add3A_39 : vector<2000x1xf32>
    %logistic3A_40 = math.exp %logistic3A : vector<2000x1xf32>
    %logistic3A_41 = arith.constant 1.000000e+00 : f32
    %logistic3A_42 = vector.broadcast %logistic3A_41 : f32 to vector<2000x1xf32>
    %logistic3A_43 = arith.addf %logistic3A_42, %logistic3A_40 : vector<2000x1xf32>
    %logistic3A_44 = arith.divf %logistic3A_42, %logistic3A_43 : vector<2000x1xf32>
    %swap3A_45 = arith.constant 0 : index
    %swap3A_46 = arith.constant 0 : index
    %swap3A_47 = vector.load %arg7[%swap3A_45, %swap3A_46] : memref<2000x1xf32, #tpu.memory_space<vmem>>, vector<2000x1xf32>
    tpu.vector_store %arg7[%swap3A_45, %swap3A_46], %logistic3A_44 {strides = array<i32>} : memref<2000x1xf32, #tpu.memory_space<vmem>>, vector<2000x1xf32>,
    return
  }
  func.func @transform_0(%arg0: i32) -> (i32, i32, i32) {
    %c0_i32 = arith.constant 0 : i32
    %c0_i32_0 = arith.constant 0 : i32
    %c0_i32_1 = arith.constant 0 : i32
    return %c0_i32, %arg0, %c0_i32_0 : i32, i32, i32
  }
  func.func @transform_1(%arg0: i32) -> (i32, i32) {
    %c0_i32 = arith.constant 0 : i32
    %c0_i32_0 = arith.constant 0 : i32
    return %arg0, %c0_i32 : i32, i32
  }
  func.func @transform_2(%arg0: i32) -> (i32, i32, i32) {
    %c0_i32 = arith.constant 0 : i32
    %c0_i32_0 = arith.constant 0 : i32
    %c0_i32_1 = arith.constant 0 : i32
    %c0_i32_2 = arith.constant 0 : i32
    return %c0_i32, %c0_i32_0, %c0_i32_1 : i32, i32, i32
  }
  func.func @transform_3(%arg0: i32) -> (i32, i32) {
    %c0_i32 = arith.constant 0 : i32
    %c0_i32_0 = arith.constant 0 : i32
    %c0_i32_1 = arith.constant 0 : i32
    return %c0_i32, %c0_i32_0 : i32, i32
  }
  func.func @transform_4(%arg0: i32) -> (i32, i32) {
    %c0_i32 = arith.constant 0 : i32
    %c0_i32_0 = arith.constant 0 : i32
    %c0_i32_1 = arith.constant 0 : i32
    return %c0_i32, %c0_i32_0 : i32, i32
  }
  func.func @transform_5(%arg0: i32) -> (i32, i32) {
    %c0_i32 = arith.constant 0 : i32
    %c0_i32_0 = arith.constant 0 : i32
    return %arg0, %c0_i32 : i32, i32
  }
  func.func @transform_6(%arg0: i32) -> (i32, i32) {
    %c0_i32 = arith.constant 0 : i32
    %c0_i32_0 = arith.constant 0 : i32
    return %arg0, %c0_i32 : i32, i32
  }
}

</mosaic_0001>

<sc_bundles>
// kernel: kernel.11.cloned.1.call-start
scs
__scs_entry_jumppad:
0x0: {  	(pc) =	sbr.rel $0x88, $3  }
0x1: {  	(tag) =	ssettag $0x0;
	lr =	simm.s32 $0x1  }
0x2: {  	[smem:$0x3F99] =	sst lr;
	_ =	strace $0xD0000000  }
0x3: {  	_ = 	snop  }
0x4: {  	_ = 	snop  }
0x5: {  	_ = 	snop  }
0x6: {  	_ = 	snop  }
0x7: {  	_ = 	snop  }
__scs_overlays_trampoline_lowered:
0x8: {  	[smem:$0x3FA8] =	sst s0  }
0x9: {  	[smem:$0x3FA9] =	sst s1  }
0xa: {  	[smem:$0x3FAA] =	sst s2  }
0xb: {  	[smem:$0x3FAB] =	sst s3  }
0xc: {  	[smem:$0x3FAC] =	sst s4  }
0xd: {  	[smem:$0x3FAD] =	sst s5  }
0xe: {  	[smem:$0x3FAE] =	sst s6  }
0xf: {  	[smem:$0x3FAF] =	sst s7  }
0x10: {  	[smem:$0x3FB0] =	sst s8  }
0x11: {  	[smem:$0x3FB1] =	sst s9;
	s0 =	simm.s32 @!p0 $0x0  }
0x12: {  	s1 =	sld [smem:$0x3F97];
	s0 =	simm.s32 @p0 $0x1  }
0x13: {  	[smem:$0x3FB2] =	sst s0;
	s0 =	simm.s32 @!p1 $0x0  }
0x14: {  	s2 =	sld [smem:$0x3F96];
	s0 =	simm.s32 @p1 $0x1  }
0x15: {  	[smem:$0x3FB3] =	sst s0;
	s0 =	simm.s32 @!p2 $0x0  }
0x16: {  	s3 =	sld [smem:$0x3FDB];
	s0 =	simm.s32 @p2 $0x1  }
0x17: {  	s4 =	simm.s32 $0x1BF5;
	[smem:$0x3FB5] =	sst s0  }
0x18: {  	s0 =	sld [smem:$0x3F98];
	_ =	swait.ge [sflag:s4], $0x0  }
0x19: {  	s7 =	sld [smem:$0x3F99]  }
0x1a: {  	s8 =	sadd.s32 $0xFFFFE003, lr  }
0x1b: {  	s9 =	sadd.s32 $0xFFFFFEF7, lr;
	s5 =	simm.s32 $0xFFFFFFFF;
	p2 =	slt.u32 s8, $0xFFFFF086  }
0x1c: {  	p1 =	slt.u32 s9, $0xF7A;
	s5 =	simm.s32 @!p2 $0x0  }
0x1d: {  	s5 =	simm.s32 @p1 $0x1;
	p0 =	seq.s32 s7, s2  }
0x1e: {  	s7 =	smul.u32 @!p0 $0xF7A, s2;
	p2 =	seq.s32 @!p0 s5, $0x0  }
0x1f: {  	s9 =	smul.u32 $0xF7A, s1;
	s8 =	simm.s32 @!p0 $0x1BF5;
	p2 =	por !p2, p0  }
0x20: {  	[sflag:s8] =	ssyncset.s32 @!p0 $0xFFFFF086;
	s6 =	sadd.s32 @!p0 s3, s7;
	s7 =	simm.s32 @!p0 $0x108  }
0x21: {  	s3 =	sadd.s32 s3, s9;
	s6 =	sadd.s32 @!p0 $0x88, s6;
	s7 =	simm.s32 @p2 $0x1082  }
0x22: {  	[simem:s7], [sflag:s8] =	dma.local @!p0 [hbm:s6], $0xF7A  }
0x23: {  	s9 =	sor.u32 $0xD0000000, s2;
	s6 =	simm.s32 $0x108;
	_ =	swait.ge @!p0 [sflag:s8], $0x0  }
0x24: {  	s3 =	sadd.s32 $0x88, s3;
	s6 =	simm.s32 @!p1 $0x1082;
	[sflag:s4] =	ssyncset.s32 $0xFFFFF086  }
0x25: {  	[simem:s6], [sflag:s4] =	dma.local [hbm:s3], $0xF7A  }
0x26: {  	[smem:$0x3F99] =	sst s1;
	(tag) =	ssettag s2;
	_ =	strace s9  }
0x27: {  	s1 =	sld [smem:$0x3FA9]  }
0x28: {  	s2 =	sld [smem:$0x3FAA]  }
0x29: {  	s4 =	sld [smem:$0x3FAC]  }
0x2a: {  	p0 =	seq.s32 s5, $0x0;
	s5 =	sld [smem:$0x3FAD]  }
0x2b: {  	s6 =	sld [smem:$0x3FAE]  }
0x2c: {  	s7 =	sld [smem:$0x3FAF]  }
0x2d: {  	s3 =	simm.s32 $0x108;
	s8 =	sld [smem:$0x3FB0]  }
0x2e: {  	s3 =	simm.s32 @!p0 $0x1082;
	s9 =	sld [smem:$0x3FB1]  }
0x2f: {  	lr =	sadd.s32 s0, s3;
	s0 =	sld [smem:$0x3FA8]  }
0x30: {  	s3 =	sld [smem:$0x3FAB]  }
0x31: {  	[smem:$0x3FB4] =	sst s10  }
0x32: {  	s10 =	sld [smem:$0x3FB2];
	_ =	sdelay $0x3  }
0x33: {  	p0 =	seq.s32 s10, $0x1;
	s10 =	sld [smem:$0x3FB4];
	_ =	sdelay $0x3  }
0x34: {  	[smem:$0x3FB4] =	sst s10  }
0x35: {  	s10 =	sld [smem:$0x3FB3];
	_ =	sdelay $0x3  }
0x36: {  	p1 =	seq.s32 s10, $0x1;
	s10 =	sld [smem:$0x3FB4];
	_ =	sdelay $0x3  }
0x37: {  	[smem:$0x3FB4] =	sst s10  }
0x38: {  	s10 =	sld [smem:$0x3FB5]  }
0x39: {  	_ = 	snop;
	(pc) =	sbr.ind lr, $3  }
0x3a: {  	_ = 	snop  }
0x3b: {  	_ = 	snop  }
0x3c: {  	p2 =	seq.s32 s10, $0x1;
	s10 =	sld [smem:$0x3FB4]  }
0x3d: {  	_ =	shalt  }
0x3e: {  	_ =	shalt  }
0x3f: {  	_ =	shalt  }
0x40: {  	_ =	shalt  }
0x41: {  	_ =	shalt  }
0x42: {  	_ =	shalt  }
0x43: {  	_ =	shalt  }
0x44: {  	_ =	shalt  }
0x45: {  	_ =	shalt  }
0x46: {  	_ =	shalt  }
0x47: {  	_ =	shalt  }
0x48: {  	_ =	shalt  }
0x49: {  	_ =	shalt  }
0x4a: {  	_ =	shalt  }
0x4b: {  	_ =	shalt  }
0x4c: {  	_ =	shalt  }
0x4d: {  	_ =	shalt  }
0x4e: {  	_ =	shalt  }
0x4f: {  	_ =	shalt  }
0x50: {  	_ =	shalt  }
0x51: {  	_ =	shalt  }
0x52: {  	_ =	shalt  }
0x53: {  	_ =	shalt  }
0x54: {  	_ =	shalt  }
0x55: {  	_ =	shalt  }
0x56: {  	_ =	shalt  }
0x57: {  	_ =	shalt  }
0x58: {  	_ =	shalt  }
0x59: {  	_ =	shalt  }
0x5a: {  	_ =	shalt  }
0x5b: {  	_ =	shalt  }
0x5c: {  	_ =	shalt  }
0x5d: {  	_ =	shalt  }
0x5e: {  	_ =	shalt  }
0x5f: {  	_ =	shalt  }
0x60: {  	_ =	shalt  }
0x61: {  	_ =	shalt  }
0x62: {  	_ =	shalt  }
0x63: {  	_ =	shalt  }
0x64: {  	_ =	shalt  }
0x65: {  	_ =	shalt  }
0x66: {  	_ =	shalt  }
0x67: {  	_ =	shalt  }
0x68: {  	_ =	shalt  }
0x69: {  	_ =	shalt  }
0x6a: {  	_ =	shalt  }
0x6b: {  	_ =	shalt  }
0x6c: {  	_ =	shalt  }
0x6d: {  	_ =	shalt  }
0x6e: {  	_ =	shalt  }
0x6f: {  	_ =	shalt  }
0x70: {  	_ =	shalt  }
0x71: {  	_ =	shalt  }
0x72: {  	_ =	shalt  }
0x73: {  	_ =	shalt  }
0x74: {  	_ =	shalt  }
0x75: {  	_ =	shalt  }
0x76: {  	_ =	shalt  }
0x77: {  	_ =	shalt  }
0x78: {  	_ =	shalt  }
0x79: {  	_ =	shalt  }
0x7a: {  	_ =	shalt  }
0x7b: {  	_ =	shalt  }
0x7c: {  	_ =	shalt  }
0x7d: {  	_ =	shalt  }
0x7e: {  	_ =	shalt  }
0x7f: {  	_ =	shalt  }
0x80: {  	_ =	shalt  }
0x81: {  	_ =	shalt  }
0x82: {  	_ =	shalt  }
0x83: {  	_ =	shalt  }
0x84: {  	_ =	shalt  }
0x85: {  	_ =	shalt  }
0x86: {  	_ =	shalt  }
0x87: {  	_ =	shalt  }
.Lfunc_end0:
.L_simem_size_0:
called_computation.1_lowered:
.L_overlay_start_0:
0x88: {  	s2 =	sld [smem:$0x3FD9]  }
0x89: {  	s3 =	sld [smem:$0x3FFE];
	_ =	sdelay $0x1  }
0x8a: {  	s1 =	srdreg.scid  }
0x8b: {  	s0 =	sand.u32 $0x1, s1  }
0x8c: {  	s14 =	sshll.u32 s0, $0xA;
	s2 =	sadd.s32 s3, s2  }
0x8d: {  	s2 =	sadd.s32 s2, s14  }
0x8e: {  	[smem:$0x3FC0] =	sst s2  }
0x8f: {  	_ = 	snop  }
0x90: {  	s2 =	sld [smem:$0x3FD0];
	_ =	sdelay $0x2  }
0x91: {  	s15 =	simm.s32 $0xA;
	s4 =	simm.s32 $0x10  }
0x92: {  	[smem:s4], [sflag:s15] =	dma.local [hbm:s2], $0x1  }
0x93: {  	_ =	swait.eq [sflag:s15], $0x1  }
0x94: {  	[sflag:s15] =	ssyncset.done $0x0  }
0x95: {  	[sflag:s15] =	ssyncadd.s32 $0xFFFFFFFF  }
0x96: {  	s16 =	sld [smem:$0x10];
	(tm) =	ssettm $0x1  }
0x97: {  	s17 =	sld [smem:$0x3FFB];
	_ =	sdelay $0x3  }
0x98: {  	_ =	strace s17  }
0x99: {  	s3 =	sld [smem:$0x3FFC];
	_ =	sdelay $0x3  }
0x9a: {  	_ =	strace s3  }
0x9b: {  	s3 =	sld [smem:$0x3FFD];
	_ =	sdelay $0x3  }
0x9c: {  	_ =	strace s3  }
0x9d: {  	_ =	strace $0x8FFFFFFF  }
0x9e: {  	s18 =	sld [smem:$0x3FDB];
	_ =	sdelay $0x1  }
0x9f: {  	s19 =	simm.s32 $_scs_section_size  }
0xa0: {  	s5 =	simm.s32 $_size__tile_overlayer_lowered;
	s6 =	simm.s32 $_tile_overlayer_lowered  }
0xa1: {  	s22 =	simm.s32 $0x1BFF;
	s21 =	sshll.u32 s6, $0x1;
	s3 =	sadd.s32 s19, s18  }
0xa2: {  	s7 =	simm.s32 $0x0;
	s20 =	sshll.u32 s5, $0x1;
	s5 =	sadd.s32 s21, s3  }
0xa3: {  	[timem:s7], [sflag:s22] =	dma.local [hbm:s5], s20  }
0xa4: {  	_ =	swait.ge [sflag:s22], s20  }
0xa5: {  	s4 =	ssub.s32 $0x0, s20;
	[sflag:s22] =	ssyncset.done $0x0  }
0xa6: {  	[sflag:s22] =	ssyncadd.s32 s4;
	_ =	sdelay $0x1  }
0xa7: {  	s23 =	simm.s32 $0x1B8B  }
0xa8: {  	_ =	swait.ge [sflag:s23], $0x1  }
0xa9: {  	[sflag:s23] =	ssyncset.done $0x0  }
0xaa: {  	s25 =	simm.s32 $0x1B8E;
	s24 =	sld [smem:$0x3FFE];
	[sflag:s23] =	ssyncadd.s32 $0xFFFFFFFF  }
0xab: {  	s26 =	simm.s32 $execute0_lowered;
	[smem:$0x3FD2] =	sst s25  }
0xac: {  	s5 =	sshll.u32 s26, $0x1;
	_ =	strace $0x80000049;
	[dreg:$0x1] =	wrdreg $0xFFFFFFFF  }
0xad: {  	s28 =	simm.s32 $_size_execute0_lowered;
	s3 =	sadd.s32 s3, s5;
	[dreg:$0x0] =	wrdreg $0x0  }
0xae: {  	s5 =	sshll.u32 s28, $0x1;
	[dreg:$0x2] =	wrdreg s3  }
0xaf: {  	[dreg:$0x3] =	wrdreg s5  }
0xb0: {  	[dreg:$0x4] =	wrdreg $0xC0  }
0xb1: {  	_ =	task [dreg:s7], $0x5FFFF  }
0xb2: {  	[dreg:$0x1] =	wrdreg $0xFFFFFFFF  }
0xb3: {  	[dreg:$0x0] =	wrdreg $0x60  }
0xb4: {  	[dreg:$0x2] =	wrdreg s24  }
0xb5: {  	[dreg:$0x3] =	wrdreg s16  }
0xb6: {  	[dreg:$0x4] =	wrdreg $0xB3600  }
0xb7: {  	[dreg:$0x5] =	wrdreg $0x153600  }
0xb8: {  	[dreg:$0x6] =	wrdreg $0x9  }
0xb9: {  	_ =	task.clear_ibuf [dreg:s7], $0x7FFFF;
	_ =	strace $0x90000049  }
0xba: {  	s29 =	simm.s32 $0x9;
	_ =	strace $0x8000004B  }
0xbb: {  	_ =	swait.ge [sflag:s29], $0x1  }
0xbc: {  	[sflag:s29] =	ssyncadd.s32 $0xFFFFFFFF  }
0xbd: {  	_ =	strace $0x9000004B  }
0xbe: {  	_ =	sfence  }
0xbf: {  	s30 =	sld [smem:$0x0];
	_ =	sdelay $0x2  }
0xc0: {  	s31 =	sshll.u32 s1, $0xD;
	s1 =	sshrl.u32 s1, $0x2  }
0xc1: {  	s3 =	sand.u32 $0x4000, s31;
	s1 =	sadd.s32 s1, s30  }
0xc2: {  	s0 =	sor.u32 s3, s0;
	s1 =	sshll.u32 s1, $0x11  }
0xc3: {  	s0 =	sor.u32 s1, s0  }
0xc4: {  	s0 =	sadd.s32 $0x8F2B, s0  }
0xc5: {  	[sflag:s0] =	ssyncadd.remote.s32 $0x1  }
0xc6: {  	_ =	sfence.sel $0xFFFF  }
0xc7: {  	[dreg:$0x0] =	wrdreg $0xFFFFFFFF;
	(pc) =	sbr.abs _section_cstart, $3  }
0xc8: {  	[dreg:$0x1] =	wrdreg $0xFFFFFFFF  }
0xc9: {  	_ =	task.clear_ibuf [dreg:s7], $0x2FFFF;
	_ =	strace $0x9FFFFFFF  }
0xca: {  	(tm) =	ssettm $0x7FFFFFFF  }
0xcb: {  	_ =	shalt  }
tec
execute0_lowered:
.L_overlay_start_1:
0x0: {  	(tag) =	ssettag $0x1  }
0x1: {  	s0 =	rddreg [dreg:$0x0]  }
0x2: {  	s29 =	rddreg [dreg:$0x1]  }
0x3: {  	s1 =	srdreg.scid;
	s3 =	rddreg [dreg:$0x2]  }
0x4: {  	s16 =	stileid.u32;
	s4 =	rddreg [dreg:$0x3]  }
0x5: {  	s17 =	simm.s32 $0x0;
	s31 =	simm.s32 $0x1;
	s5 =	smul.u32 $0x14000, s16  }
0x6: {  	s28 =	simm.s32 $0x4;
	s1 =	sand.u32 $0x1, s1;
	s8 =	smul.u32 $0x280, s16  }
0x7: {  	[smem:$0x7FF] =	sst s17;
	s6 =	sadd.s32 $0x2200, s0;
	s9 =	smul.u32 $0xA000, s16  }
0x8: {  	s10 =	sadd.s32 $0x57200, s0;
	s2 =	smul.u32 $0x140000, s1;
	s1 =	ssub.s32 $0x2, s1  }
0x9: {  	s30 =	smul.u32 $0x5A, s16;
	_ =	strace $0x8000004A;
	s11 =	sshrl.u32 s1, $0x1  }
0xa: {  	s12 =	sadd.s32 $0x80, s8;
	s15 =	sadd.s32 s9, s3;
	s9 =	sadd.s32 s9, s4  }
0xb: {  	s22 =	sadd.s32 $0x100, s8;
	s23 =	sadd.s32 $0x180, s8;
	s8 =	sadd.s32 $0x200, s8  }
0xc: {  	s5 =	sadd.s32 s5, s2;
	s1 =	ssub.s32 s1, s11;
	[dreg:$0x6] =	wrdreg s15  }
0xd: {  	s18 =	sshll.u32 s12, $0x7;
	[dreg:$0x7] =	wrdreg s9;
	s13 =	sshll.u32 s22, $0x7  }
0xe: {  	s14 =	sshll.u32 s23, $0x7;
	s15 =	sshll.u32 s8, $0x7;
	s11 =	simm.s32 $0x2760  }
0xf: {  	s5 =	sshrl.u32 s5, $0x3;
	s19 =	sadd.s32 s2, s18;
	s13 =	sadd.s32 s2, s13  }
0x10: {  	s14 =	sadd.s32 s2, s14;
	s2 =	sadd.s32 s2, s15;
	s1 =	smax.u32 s1, $0x1  }
0x11: {  	s18 =	sshll.u32 s12, $0x6;
	s7 =	sadd.s32 s5, s0;
	s0 =	sadd.s32 $0x57208, s0  }
0x12: {  	s12 =	simm.s32 $0x4360;
	[dreg:$0x14] =	wrdreg s1;
	s20 =	sadd.s32 s5, s0  }
0x13: {  	s21 =	sshrl.u32 s19, $0x3;
	s5 =	sadd.s32 s10, s5;
	[dreg:$0x8] =	wrdreg s20  }
0x14: {  	s13 =	sshrl.u32 s13, $0x3;
	s9 =	sadd.s32 s10, s21;
	[dreg:$0x9] =	wrdreg s5  }
0x15: {  	s14 =	sshrl.u32 s14, $0x3;
	s24 =	sadd.s32 s10, s13;
	[dreg:$0xa] =	wrdreg s9  }
0x16: {  	s2 =	sshrl.u32 s2, $0x3;
	s25 =	sadd.s32 s10, s14;
	[dreg:$0xb] =	wrdreg s24  }
0x17: {  	s19 =	sshll.u32 s22, $0x6;
	s10 =	sadd.s32 s10, s2;
	[dreg:$0xc] =	wrdreg s25  }
0x18: {  	s22 =	sshll.u32 s23, $0x6;
	s26 =	sadd.s32 s13, s0;
	[dreg:$0xd] =	wrdreg s10  }
0x19: {  	s23 =	sshll.u32 s8, $0x6;
	s15 =	sadd.s32 $0x7208, s7;
	[dreg:$0xf] =	wrdreg s26  }
0x1a: {  	s8 =	simm.s32 $0xB;
	s5 =	sadd.s32 s21, s0;
	[dreg:$0x13] =	wrdreg s15  }
0x1b: {  	s1 =	simm.s32 $0x9;
	s10 =	sadd.s32 s14, s0;
	[dreg:$0xe] =	wrdreg s5  }
0x1c: {  	s13 =	smul.u32 $0x28000, s16;
	s0 =	sadd.s32 s2, s0;
	[dreg:$0x10] =	wrdreg s10  }
0x1d: {  	s14 =	sadd.s32 $0x7200, s7;
	s20 =	sadd.s32 s18, s4;
	[dreg:$0x11] =	wrdreg s0  }
0x1e: {  	s21 =	sadd.s32 s19, s4;
	s24 =	sshll.u32 s16, $0x6;
	[dreg:$0x12] =	wrdreg s14  }
0x1f: {  	s25 =	sadd.s32 s23, s4;
	s2 =	simm.s32 $0x8;
	[dreg:$0x16] =	wrdreg s20  }
0x20: {  	s18 =	simm.s32 $0x10;
	s7 =	simm.s32 $0x2;
	[dreg:$0x17] =	wrdreg s21  }
0x21: {  	s9 =	simm.s32 $0x13B0;
	s16 =	simm.s32 $0x7B60;
	[dreg:$0x1a] =	wrdreg s25  }
0x22: {  	s0 =	sshrl.u32 s13, $0x2;
	[dreg:$0x18] =	wrdreg s24;
	s26 =	sor.u32 $0x1C01, s24  }
.Ltmp0:
0x23: {  	s10 =	simm.s32 $0x70;
	s14 =	simm.s32 $0x5F60;
	(pc) =	sbr.rel .LBB2_1-.Ltmp0, $4  }
0x24: {  	s21 =	simm.s32 $0x9760;
	s24 =	simm.s32 $0x6;
	s20 =	simm.s32 $0x7  }
0x25: {  	s25 =	simm.s32 $0x5;
	s0 =	sadd.s32 s0, s4;
	[dreg:$0x1b] =	wrdreg s26  }
0x26: {  	s13 =	simm.s32 $0xA;
	[dreg:$0x15] =	wrdreg s0;
	s0 =	sadd.s32 s22, s4  }
0x27: {  	s22 =	simm.s32 $0x3;
	[dreg:$0x19] =	wrdreg s0;
	s0 =	simm.s32 $0x310  }
.LBB2_11:
0x28: {  	[bflag:$0x0] =	sbarrier.arrive $0xFFFF  }
0x29: {  	s17 =	sld [smem:$0x7F9]  }
0x2a: {  	s5 =	rddreg [dreg:$0x8]  }
0x2b: {  	s18 =	simm.s32 $0x10;
	s15 =	rddreg [dreg:$0x1c]  }
0x2c: {  	[hbm:s5@s18], [sflag:s15] =	dma.strided [spmem:s17@s2], $0x400, s31, $0x8   }
0x2d: {  	_ =	swait.ge [sflag:s8], $0x400  }
0x2e: {  	s26 =	sld [smem:$0x7FA]  }
0x2f: {  	[sflag:s8] =	ssyncset.done $0x0  }
0x30: {  	s23 =	rddreg [dreg:$0xe];
	[sflag:s8] =	ssyncadd.s32 $0xFFFFFC00  }
0x31: {  	[hbm:s23@s18], [sflag:s15] =	dma.strided [spmem:s26@s2], $0x400, s31, $0x8   }
0x32: {  	_ =	swait.ge [sflag:s8], $0x400  }
0x33: {  	s19 =	sld [smem:$0x7FB]  }
0x34: {  	[sflag:s8] =	ssyncset.done $0x0  }
0x35: {  	s17 =	rddreg [dreg:$0xf];
	[sflag:s8] =	ssyncadd.s32 $0xFFFFFC00  }
0x36: {  	[hbm:s17@s18], [sflag:s15] =	dma.strided [spmem:s19@s2], $0x400, s31, $0x8   }
0x37: {  	_ =	swait.ge [sflag:s8], $0x400  }
0x38: {  	s26 =	sld [smem:$0x7FC]  }
0x39: {  	[sflag:s8] =	ssyncset.done $0x0  }
0x3a: {  	s23 =	rddreg [dreg:$0x10];
	[sflag:s8] =	ssyncadd.s32 $0xFFFFFC00  }
0x3b: {  	[hbm:s23@s18], [sflag:s15] =	dma.strided [spmem:s26@s2], $0x400, s31, $0x8   }
0x3c: {  	_ =	swait.ge [sflag:s8], $0x400  }
0x3d: {  	s19 =	sld [smem:$0x7FD]  }
0x3e: {  	[sflag:s8] =	ssyncset.done $0x0  }
0x3f: {  	s17 =	rddreg [dreg:$0x11];
	[sflag:s8] =	ssyncadd.s32 $0xFFFFFC00  }
0x40: {  	[hbm:s17@s18], [sflag:s15] =	dma.strided [spmem:s19@s2], $0x400, s31, $0x8   }
0x41: {  	_ =	swait.ge [sflag:s8], $0x400  }
0x42: {  	s23 =	rddreg [dreg:$0x5]  }
0x43: {  	s26 =	rddreg [dreg:$0x14];
	s17 =	sadd.s32 $0x1, s23  }
0x44: {  	p0 =	sne.s32 s17, s26  }
.Ltmp1:
0x45: {  	_ = 	snop;
	(pc) =	sbr.rel @!p0 .LBB2_12-.Ltmp1, $3  }
0x46: {  	_ =	sdelay $0x1  }
0x47: {  	[sflag:s8] =	ssyncset.done $0x0  }
0x48: {  	[sflag:s8] =	ssyncadd.s32 $0xFFFFFC00  }
.LBB2_1:
0x49: {  	[dreg:$0x5] =	wrdreg s17  }
0x4a: {  	s5 =	rddreg [dreg:$0x6]  }
0x4b: {  	s15 =	rddreg [dreg:$0x12]  }
0x4c: {  	s19 =	rddreg [dreg:$0x1b];
	s5 =	sshrl.u32 s5, $0x3  }
0x4d: {  	[dreg:$0x1d] =	wrdreg s5  }
0x4e: {  	[spmem:s5@s2], [sflag:s19] =	dma.strided [hbm:s15@s18], $0x1400, s31, $0x8   }
0x4f: {  	s5 =	rddreg [dreg:$0x18]  }
0x50: {  	s26 =	rddreg [dreg:$0x7];
	s23 =	sor.u32 $0x1C02, s5  }
0x51: {  	s5 =	sshrl.u32 s26, $0x3;
	[dreg:$0x1e] =	wrdreg s23  }
0x52: {  	[dreg:$0x1f] =	wrdreg s5  }
0x53: {  	[spmem:s5@s2], [sflag:s23] =	dma.strided [hbm:s15@s18], $0x1400, s31, $0x8   }
0x54: {  	_ =	swait.ge [sflag:s31], $0x1400  }
0x55: {  	[sflag:s31] =	ssyncset.done $0x0  }
0x56: {  	[sflag:s31] =	ssyncadd.s32 $0xFFFFEC00  }
.Ltmp2:
0x57: {  	_ =	swait.ge [sflag:s7], $0x1400;
	(pc) =	sbr.rel .LBB2_2-.Ltmp2, $4  }
0x58: {  	[sflag:s7] =	ssyncset.done $0x0  }
0x59: {  	[sflag:s7] =	ssyncadd.s32 $0xFFFFEC00  }
0x5a: {  	[bflag:$0x0] =	sbarrier.arrive $0xFFFF  }
0x5b: {  	p1 =	por $0x1, $0x1;
	s15 =	simm.s32 $0x0  }
.LBB2_5:
0x5c: {  	_ =	swait.ge [sflag:s1], $0x1C00  }
.Ltmp3:
0x5d: {  	[sflag:s1] =	ssyncset.done $0x0;
	(pc) =	sbr.rel @!p0 .LBB2_6-.Ltmp3, $4  }
0x5e: {  	[sflag:s1] =	ssyncadd.s32 $0xFFFFE400  }
0x5f: {  	_ =	swait.ge [sflag:s13], $0x1C00  }
0x60: {  	[sflag:s13] =	ssyncset.done $0x0  }
0x61: {  	s15 =	simm.s32 $0x2D;
	p1 =	por $0x0, $0x0;
	[sflag:s13] =	ssyncadd.s32 $0xFFFFE400  }
.LBB2_2:
0x62: {  	s15 =	sadd.s32 s30, s15  }
0x63: {  	s17 =	smul.u32 $0xE, s15;
	_ =	sdelay $0x1  }
0x64: {  	s15 =	simm.s32 $0x0;
	s18 =	sadd.s32 s6, s17  }
0x65: {  	[tilespmem:s15], [sflag:$0xB] =	stream.linear.gather [hbm4b:s18+s15], $0x13B0, $0x38;
	[tilespmem:$0x1F360] =	vst v63  }
0x66: {  	_ =	swait.ge [sflag:s8], $0x13B0  }
0x67: {  	[sflag:s8] =	ssyncset.done $0x0  }
0x68: {  	s17 =	sadd.s32 s29, s17;
	[sflag:s8] =	ssyncadd.s32 $0xFFFFEC50  }
0x69: {  	[tilespmem:s9], [sflag:$0xB] =	stream.linear.gather [hbm4b:s17+s15], $0x13B0, $0x38;
	[tilespmem:$0x1F360] =	vst v63  }
0x6a: {  	_ =	swait.ge [sflag:s8], $0x13B0  }
0x6b: {  	[sflag:s8] =	ssyncset.done $0x0  }
0x6c: {  	[sflag:s8] =	ssyncadd.s32 $0xFFFFEC50  }
0x6d: {  	[tilespmem:s11], [sflag:$0x1] =	stream.indirect.gather [spmem:s3], $0x40, s15, s10, $0xb8;
	[tilespmem:$0x1F360] =	vst v63  }
0x6e: {  	_ = 	snop  }
0x6f: {  	[tilespmem:s12], [sflag:$0x2] =	stream.indirect.gather [spmem:s3], $0x40, s10, s10, $0xb8;
	[tilespmem:$0x1F360] =	vst v63  }
0x70: {  	s5 =	simm.s32 $0xE0  }
0x71: {  	[tilespmem:s14], [sflag:$0x3] =	stream.indirect.gather [spmem:s3], $0x40, s5, s10, $0xb8;
	[tilespmem:$0x1F360] =	vst v63  }
0x72: {  	_ =	swait.ge [sflag:s31], $0x1C00  }
0x73: {  	[sflag:s31] =	ssyncset.done $0x0  }
0x74: {  	[sflag:s31] =	ssyncadd.s32 $0xFFFFE400  }
0x75: {  	[spmem:s4] =	stream.indirect.scatter.add.f32 [tilespmem:s11], [sflag:$0x6], $0x40, s9, s10, $0xb8;
	[tilespmem:$0x1F360] =	vst v63  }
0x76: {  	s19 =	simm.s32 $0x150  }
0x77: {  	[tilespmem:s16], [sflag:$0x4] =	stream.indirect.gather [spmem:s3], $0x40, s19, s10, $0xb8;
	[tilespmem:$0x1F360] =	vst v63  }
0x78: {  	_ =	swait.ge [sflag:s7], $0x1C00  }
0x79: {  	[sflag:s7] =	ssyncset.done $0x0  }
0x7a: {  	s23 =	simm.s32 $0x1420;
	[sflag:s7] =	ssyncadd.s32 $0xFFFFE400  }
0x7b: {  	[spmem:s4] =	stream.indirect.scatter.add.f32 [tilespmem:s12], [sflag:$0x7], $0x40, s23, s10, $0xb8;
	[tilespmem:$0x1F360] =	vst v63  }
0x7c: {  	s26 =	simm.s32 $0x1C0  }
0x7d: {  	[tilespmem:s21], [sflag:$0x5] =	stream.indirect.gather [spmem:s3], $0x40, s26, s10, $0xb8;
	[tilespmem:$0x1F360] =	vst v63  }
0x7e: {  	_ =	swait.ge [sflag:s22], $0x1C00  }
0x7f: {  	[sflag:s22] =	ssyncset.done $0x0  }
0x80: {  	s17 =	simm.s32 $0x1490;
	[sflag:s22] =	ssyncadd.s32 $0xFFFFE400  }
0x81: {  	[spmem:s4] =	stream.indirect.scatter.add.f32 [tilespmem:s14], [sflag:$0x8], $0x40, s17, s10, $0xb8;
	[tilespmem:$0x1F360] =	vst v63  }
0x82: {  	_ =	swait.ge [sflag:s24], $0x1C00  }
0x83: {  	[sflag:s24] =	ssyncset.done $0x0  }
0x84: {  	s18 =	simm.s32 $0x230;
	[sflag:s24] =	ssyncadd.s32 $0xFFFFE400  }
0x85: {  	[tilespmem:s11], [sflag:$0x1] =	stream.indirect.gather [spmem:s3], $0x40, s18, s10, $0xb8;
	[tilespmem:$0x1F360] =	vst v63  }
0x86: {  	_ =	swait.ge [sflag:s28], $0x1C00  }
0x87: {  	[sflag:s28] =	ssyncset.done $0x0  }
0x88: {  	s19 =	simm.s32 $0x1500;
	[sflag:s28] =	ssyncadd.s32 $0xFFFFE400  }
0x89: {  	[spmem:s4] =	stream.indirect.scatter.add.f32 [tilespmem:s16], [sflag:$0x9], $0x40, s19, s10, $0xb8;
	[tilespmem:$0x1F360] =	vst v63  }
0x8a: {  	_ =	swait.ge [sflag:s20], $0x1C00  }
0x8b: {  	[sflag:s20] =	ssyncset.done $0x0  }
0x8c: {  	s23 =	simm.s32 $0x2A0;
	[sflag:s20] =	ssyncadd.s32 $0xFFFFE400  }
0x8d: {  	[tilespmem:s12], [sflag:$0x2] =	stream.indirect.gather [spmem:s3], $0x40, s23, s10, $0xb8;
	[tilespmem:$0x1F360] =	vst v63  }
0x8e: {  	_ =	swait.ge [sflag:s25], $0x1C00  }
0x8f: {  	[sflag:s25] =	ssyncset.done $0x0  }
0x90: {  	s26 =	simm.s32 $0x1570;
	[sflag:s25] =	ssyncadd.s32 $0xFFFFE400  }
0x91: {  	[spmem:s4] =	stream.indirect.scatter.add.f32 [tilespmem:s21], [sflag:$0xA], $0x40, s26, s10, $0xb8;
	[tilespmem:$0x1F360] =	vst v63  }
0x92: {  	_ =	swait.ge [sflag:s2], $0x1C00  }
0x93: {  	[sflag:s2] =	ssyncset.done $0x0  }
0x94: {  	p0 =	por p1, p1;
	[sflag:s2] =	ssyncadd.s32 $0xFFFFE400  }
0x95: {  	[tilespmem:s14], [sflag:$0x3] =	stream.indirect.gather [spmem:s3], $0x40, s0, s10, $0xb8;
	[tilespmem:$0x1F360] =	vst v63  }
.LBB2_3:
0x96: {  	_ =	swait.ge [sflag:s31], $0x1C00  }
0x97: {  	s17 =	sshra.s32 s15, $0x2;
	[sflag:s31] =	ssyncset.done $0x0  }
0x98: {  	s18 =	sadd.s32 $0x15E0, s17;
	[sflag:s31] =	ssyncadd.s32 $0xFFFFE400  }
0x99: {  	[spmem:s4] =	stream.indirect.scatter.add.f32 [tilespmem:s11], [sflag:$0x6], $0x40, s18, s10, $0xb8;
	[tilespmem:$0x1F360] =	vst v63  }
0x9a: {  	_ =	swait.ge [sflag:s1], $0x1C00  }
0x9b: {  	[sflag:s1] =	ssyncset.done $0x0  }
0x9c: {  	s26 =	sadd.s32 $0x380, s17;
	[sflag:s1] =	ssyncadd.s32 $0xFFFFE400  }
0x9d: {  	[tilespmem:s16], [sflag:$0x4] =	stream.indirect.gather [spmem:s3], $0x40, s26, s10, $0xb8;
	[tilespmem:$0x1F360] =	vst v63  }
0x9e: {  	_ =	swait.ge [sflag:s7], $0x1C00  }
0x9f: {  	[sflag:s7] =	ssyncset.done $0x0  }
0xa0: {  	s5 =	sadd.s32 $0x1650, s17;
	[sflag:s7] =	ssyncadd.s32 $0xFFFFE400  }
0xa1: {  	[spmem:s4] =	stream.indirect.scatter.add.f32 [tilespmem:s12], [sflag:$0x7], $0x40, s5, s10, $0xb8;
	[tilespmem:$0x1F360] =	vst v63  }
0xa2: {  	_ =	swait.ge [sflag:s13], $0x1C00  }
0xa3: {  	[sflag:s13] =	ssyncset.done $0x0  }
0xa4: {  	s19 =	sadd.s32 $0x3F0, s17;
	[sflag:s13] =	ssyncadd.s32 $0xFFFFE400  }
0xa5: {  	[tilespmem:s21], [sflag:$0x5] =	stream.indirect.gather [spmem:s3], $0x40, s19, s10, $0xb8;
	[tilespmem:$0x1F360] =	vst v63  }
0xa6: {  	_ =	swait.ge [sflag:s22], $0x1C00  }
0xa7: {  	[sflag:s22] =	ssyncset.done $0x0  }
0xa8: {  	s23 =	sadd.s32 $0x16C0, s17;
	[sflag:s22] =	ssyncadd.s32 $0xFFFFE400  }
0xa9: {  	[spmem:s4] =	stream.indirect.scatter.add.f32 [tilespmem:s14], [sflag:$0x8], $0x40, s23, s10, $0xb8;
	[tilespmem:$0x1F360] =	vst v63  }
0xaa: {  	_ =	swait.ge [sflag:s24], $0x1C00  }
0xab: {  	p1 =	seq.s32 s15, $0x3D40;
	[sflag:s24] =	ssyncset.done $0x0  }
0xac: {  	s18 =	simm.s32 @p1 $0x4;
	[sflag:s24] =	ssyncadd.s32 $0xFFFFE400  }
0xad: {  	_ =	swait.ge @p1 [sflag:s18], $0x1C00  }
0xae: {  	[sflag:s18] =	ssyncset.done @p1 $0x0  }
0xaf: {  	[sflag:s18] =	ssyncadd.s32 @p1 $0xFFFFE400;
	s18 =	sshra.s32 @p1 s15, $0x2  }
0xb0: {  	s26 =	simm.s32 @p1 $0x7B60;
	s23 =	simm.s32 @p1 $0x70;
	s18 =	sadd.s32 @p1 $0x1730, s18  }
0xb1: {  	[spmem:s4] =	stream.indirect.scatter.add.f32 @p1 [tilespmem:s26], [sflag:$0x9], $0x40, s18, s23, $0xb8;
	[tilespmem:$0x1F360] =	vst v63  }
0xb2: {  	s18 =	simm.s32 @p1 $0x7  }
0xb3: {  	_ =	swait.ge @p1 [sflag:s18], $0x1C00  }
0xb4: {  	[sflag:s18] =	ssyncset.done @p1 $0x0  }
0xb5: {  	[sflag:s18] =	ssyncadd.s32 @p1 $0xFFFFE400;
	s18 =	sshra.s32 @!p1 s15, $0x2  }
0xb6: {  	s19 =	simm.s32 @!p1 $0x2760;
	s26 =	simm.s32 @!p1 $0x70;
	s23 =	sadd.s32 @!p1 $0x460, s18  }
0xb7: {  	[tilespmem:s19], [sflag:$0x1] =	stream.indirect.gather @!p1 [spmem:s3], $0x40, s23, s26, $0xb8;
	[tilespmem:$0x1F360] =	vst v63  }
0xb8: {  	s19 =	simm.s32 @!p1 $0x4  }
0xb9: {  	_ =	swait.ge @!p1 [sflag:s19], $0x1C00  }
0xba: {  	[sflag:s19] =	ssyncset.done @!p1 $0x0  }
0xbb: {  	s23 =	simm.s32 @!p1 $0x7B60;
	[sflag:s19] =	ssyncadd.s32 @!p1 $0xFFFFE400;
	s19 =	sadd.s32 @!p1 $0x1730, s18  }
0xbc: {  	[spmem:s4] =	stream.indirect.scatter.add.f32 @!p1 [tilespmem:s23], [sflag:$0x9], $0x40, s19, s26, $0xb8;
	[tilespmem:$0x1F360] =	vst v63  }
0xbd: {  	s19 =	simm.s32 @!p1 $0x7  }
0xbe: {  	_ =	swait.ge @!p1 [sflag:s19], $0x1C00  }
0xbf: {  	[sflag:s19] =	ssyncset.done @!p1 $0x0  }
0xc0: {  	s18 =	sadd.s32 @!p1 $0x4D0, s18;
	[sflag:s19] =	ssyncadd.s32 @!p1 $0xFFFFE400;
	s19 =	simm.s32 @!p1 $0x4360  }
0xc1: {  	[tilespmem:s19], [sflag:$0x2] =	stream.indirect.gather @!p1 [spmem:s3], $0x40, s18, s26, $0xb8;
	[tilespmem:$0x1F360] =	vst v63  }
0xc2: {  	_ =	swait.ge [sflag:s25], $0x1C00  }
0xc3: {  	[sflag:s25] =	ssyncset.done $0x0  }
.Ltmp4:
0xc4: {  	s26 =	sadd.s32 $0x17A0, s17;
	[sflag:s25] =	ssyncadd.s32 $0xFFFFE400;
	(pc) =	sbr.rel @p1 .LBB2_5-.Ltmp4, $4  }
0xc5: {  	[spmem:s4] =	stream.indirect.scatter.add.f32 [tilespmem:s21], [sflag:$0xA], $0x40, s26, s10, $0xb8;
	[tilespmem:$0x1F360] =	vst v63  }
0xc6: {  	_ =	swait.ge [sflag:s2], $0x1C00  }
0xc7: {  	[sflag:s2] =	ssyncset.done $0x0  }
0xc8: {  	[sflag:s2] =	ssyncadd.s32 $0xFFFFE400  }
.Ltmp5:
0xc9: {  	(pc) =	sbr.rel .LBB2_3-.Ltmp5, $3  }
0xca: {  	_ =	sdelay $0x1  }
0xcb: {  	s17 =	sadd.s32 $0x540, s17;
	s15 =	sadd.s32 $0x8C0, s15  }
0xcc: {  	[tilespmem:s14], [sflag:$0x3] =	stream.indirect.gather [spmem:s3], $0x40, s17, s10, $0xb8;
	[tilespmem:$0x1F360] =	vst v63  }
.LBB2_6:
0xcd: {  	[bflag:$0x0] =	sbarrier.arrive $0xFFFF  }
0xce: {  	s5 =	rddreg [dreg:$0x18]  }
0xcf: {  	s23 =	rddreg [dreg:$0x15]  }
0xd0: {  	s26 =	rddreg [dreg:$0x9];
	s18 =	sshrl.u32 s23, $0x3  }
0xd1: {  	s17 =	simm.s32 $0x10;
	s15 =	sor.u32 $0x1C0B, s5;
	[smem:$0x7F9] =	sst s18  }
0xd2: {  	[hbm:s26@s17], [sflag:s15] =	dma.strided [spmem:s18@s2], $0x400, s31, $0x8   }
0xd3: {  	_ =	swait.ge [sflag:s8], $0x400  }
0xd4: {  	s19 =	rddreg [dreg:$0x16]  }
0xd5: {  	[sflag:s8] =	ssyncset.done $0x0;
	s26 =	rddreg [dreg:$0xa];
	s23 =	sshrl.u32 s19, $0x3  }
0xd6: {  	[sflag:s8] =	ssyncadd.s32 $0xFFFFFC00;
	[smem:$0x7FA] =	sst s23  }
0xd7: {  	[hbm:s26@s17], [sflag:s15] =	dma.strided [spmem:s23@s2], $0x400, s31, $0x8   }
0xd8: {  	_ =	swait.ge [sflag:s8], $0x400  }
0xd9: {  	s19 =	rddreg [dreg:$0x17]  }
0xda: {  	[sflag:s8] =	ssyncset.done $0x0;
	s26 =	rddreg [dreg:$0xb];
	s23 =	sshrl.u32 s19, $0x3  }
0xdb: {  	[sflag:s8] =	ssyncadd.s32 $0xFFFFFC00;
	[smem:$0x7FB] =	sst s23  }
0xdc: {  	[hbm:s26@s17], [sflag:s15] =	dma.strided [spmem:s23@s2], $0x400, s31, $0x8   }
0xdd: {  	_ =	swait.ge [sflag:s8], $0x400  }
0xde: {  	s19 =	rddreg [dreg:$0x19]  }
0xdf: {  	[sflag:s8] =	ssyncset.done $0x0;
	s26 =	rddreg [dreg:$0xc];
	s23 =	sshrl.u32 s19, $0x3  }
0xe0: {  	[sflag:s8] =	ssyncadd.s32 $0xFFFFFC00;
	[smem:$0x7FC] =	sst s23  }
0xe1: {  	[hbm:s26@s17], [sflag:s15] =	dma.strided [spmem:s23@s2], $0x400, s31, $0x8   }
0xe2: {  	_ =	swait.ge [sflag:s8], $0x400;
	[dreg:$0x1c] =	wrdreg s15  }
0xe3: {  	s19 =	rddreg [dreg:$0x1a]  }
0xe4: {  	[sflag:s8] =	ssyncset.done $0x0;
	s26 =	rddreg [dreg:$0xd];
	s23 =	sshrl.u32 s19, $0x3  }
0xe5: {  	[sflag:s8] =	ssyncadd.s32 $0xFFFFFC00;
	[smem:$0x7FD] =	sst s23  }
0xe6: {  	[hbm:s26@s17], [sflag:s15] =	dma.strided [spmem:s23@s2], $0x400, s31, $0x8   }
0xe7: {  	_ =	swait.ge [sflag:s8], $0x400  }
0xe8: {  	s19 =	rddreg [dreg:$0x13]  }
0xe9: {  	[sflag:s8] =	ssyncset.done $0x0;
	s23 =	rddreg [dreg:$0x1b]  }
0xea: {  	s26 =	rddreg [dreg:$0x1d];
	[sflag:s8] =	ssyncadd.s32 $0xFFFFFC00  }
0xeb: {  	[spmem:s26@s2], [sflag:s23] =	dma.strided [hbm:s19@s17], $0x1400, s31, $0x8   }
0xec: {  	s15 =	rddreg [dreg:$0x1e]  }
0xed: {  	s18 =	rddreg [dreg:$0x1f]  }
0xee: {  	[spmem:s18@s2], [sflag:s15] =	dma.strided [hbm:s19@s17], $0x1400, s31, $0x8   }
0xef: {  	_ =	swait.ge [sflag:s31], $0x1400  }
0xf0: {  	[sflag:s31] =	ssyncset.done $0x0  }
0xf1: {  	[sflag:s31] =	ssyncadd.s32 $0xFFFFEC00  }
.Ltmp6:
0xf2: {  	_ =	swait.ge [sflag:s7], $0x1400;
	(pc) =	sbr.rel .LBB2_7-.Ltmp6, $4  }
0xf3: {  	[sflag:s7] =	ssyncset.done $0x0  }
0xf4: {  	[sflag:s7] =	ssyncadd.s32 $0xFFFFEC00  }
0xf5: {  	[bflag:$0x0] =	sbarrier.arrive $0xFFFF  }
0xf6: {  	p1 =	por $0x1, $0x1;
	s15 =	simm.s32 $0x0;
	s17 =	simm.s32 $0x0  }
.LBB2_10:
0xf7: {  	_ =	swait.ge [sflag:s1], $0x1C00  }
.Ltmp7:
0xf8: {  	[sflag:s1] =	ssyncset.done $0x0;
	(pc) =	sbr.rel @!p0 .LBB2_11-.Ltmp7, $4  }
0xf9: {  	[sflag:s1] =	ssyncadd.s32 $0xFFFFE400  }
0xfa: {  	_ =	swait.ge [sflag:s13], $0x1C00  }
0xfb: {  	s17 =	simm.s32 $0x2D;
	[sflag:s13] =	ssyncset.done $0x0  }
0xfc: {  	p1 =	por $0x0, $0x0;
	s29 =	smov.u32 s5;
	[sflag:s13] =	ssyncadd.s32 $0xFFFFE400  }
.LBB2_7:
0xfd: {  	s17 =	sadd.s32 s30, s17  }
0xfe: {  	s17 =	smul.u32 $0xE, s17;
	_ =	sdelay $0x1  }
0xff: {  	s18 =	sadd.s32 s6, s17  }
0x100: {  	[tilespmem:s15], [sflag:$0xB] =	stream.linear.gather [hbm4b:s18+s15], $0x13B0, $0x38;
	[tilespmem:$0x1F360] =	vst v63  }
0x101: {  	_ =	swait.ge [sflag:s8], $0x13B0  }
0x102: {  	[sflag:s8] =	ssyncset.done $0x0  }
0x103: {  	s17 =	sadd.s32 s29, s17;
	[sflag:s8] =	ssyncadd.s32 $0xFFFFEC50  }
0x104: {  	[tilespmem:s9], [sflag:$0xB] =	stream.linear.gather [hbm4b:s17+s15], $0x13B0, $0x38;
	[tilespmem:$0x1F360] =	vst v63  }
0x105: {  	_ =	swait.ge [sflag:s8], $0x13B0  }
0x106: {  	[sflag:s8] =	ssyncset.done $0x0  }
0x107: {  	[sflag:s8] =	ssyncadd.s32 $0xFFFFEC50  }
0x108: {  	[tilespmem:s11], [sflag:$0x1] =	stream.indirect.gather [spmem:s3], $0x40, s15, s10, $0xb8;
	[tilespmem:$0x1F360] =	vst v63  }
0x109: {  	_ = 	snop  }
0x10a: {  	[tilespmem:s12], [sflag:$0x2] =	stream.indirect.gather [spmem:s3], $0x40, s10, s10, $0xb8;
	[tilespmem:$0x1F360] =	vst v63  }
0x10b: {  	s19 =	simm.s32 $0xE0  }
0x10c: {  	[tilespmem:s14], [sflag:$0x3] =	stream.indirect.gather [spmem:s3], $0x40, s19, s10, $0xb8;
	[tilespmem:$0x1F360] =	vst v63  }
0x10d: {  	_ =	swait.ge [sflag:s31], $0x1C00  }
0x10e: {  	[sflag:s31] =	ssyncset.done $0x0  }
0x10f: {  	[sflag:s31] =	ssyncadd.s32 $0xFFFFE400  }
0x110: {  	[spmem:s4] =	stream.indirect.scatter.add.f32 [tilespmem:s11], [sflag:$0x6], $0x40, s9, s10, $0xb8;
	[tilespmem:$0x1F360] =	vst v63  }
0x111: {  	s23 =	simm.s32 $0x150  }
0x112: {  	[tilespmem:s16], [sflag:$0x4] =	stream.indirect.gather [spmem:s3], $0x40, s23, s10, $0xb8;
	[tilespmem:$0x1F360] =	vst v63  }
0x113: {  	_ =	swait.ge [sflag:s7], $0x1C00  }
0x114: {  	[sflag:s7] =	ssyncset.done $0x0  }
0x115: {  	s26 =	simm.s32 $0x1420;
	[sflag:s7] =	ssyncadd.s32 $0xFFFFE400  }
0x116: {  	[spmem:s4] =	stream.indirect.scatter.add.f32 [tilespmem:s12], [sflag:$0x7], $0x40, s26, s10, $0xb8;
	[tilespmem:$0x1F360] =	vst v63  }
0x117: {  	s5 =	smov.u32 s29;
	s29 =	simm.s32 $0x1C0  }
0x118: {  	[tilespmem:s21], [sflag:$0x5] =	stream.indirect.gather [spmem:s3], $0x40, s29, s10, $0xb8;
	[tilespmem:$0x1F360] =	vst v63  }
0x119: {  	_ =	swait.ge [sflag:s22], $0x1C00  }
0x11a: {  	[sflag:s22] =	ssyncset.done $0x0  }
0x11b: {  	s18 =	simm.s32 $0x1490;
	[sflag:s22] =	ssyncadd.s32 $0xFFFFE400  }
0x11c: {  	[spmem:s4] =	stream.indirect.scatter.add.f32 [tilespmem:s14], [sflag:$0x8], $0x40, s18, s10, $0xb8;
	[tilespmem:$0x1F360] =	vst v63  }
0x11d: {  	_ =	swait.ge [sflag:s24], $0x1C00  }
0x11e: {  	[sflag:s24] =	ssyncset.done $0x0  }
0x11f: {  	s19 =	simm.s32 $0x230;
	[sflag:s24] =	ssyncadd.s32 $0xFFFFE400  }
0x120: {  	[tilespmem:s11], [sflag:$0x1] =	stream.indirect.gather [spmem:s3], $0x40, s19, s10, $0xb8;
	[tilespmem:$0x1F360] =	vst v63  }
0x121: {  	_ =	swait.ge [sflag:s28], $0x1C00  }
0x122: {  	[sflag:s28] =	ssyncset.done $0x0  }
0x123: {  	s23 =	simm.s32 $0x1500;
	[sflag:s28] =	ssyncadd.s32 $0xFFFFE400  }
0x124: {  	[spmem:s4] =	stream.indirect.scatter.add.f32 [tilespmem:s16], [sflag:$0x9], $0x40, s23, s10, $0xb8;
	[tilespmem:$0x1F360] =	vst v63  }
0x125: {  	_ =	swait.ge [sflag:s20], $0x1C00  }
0x126: {  	[sflag:s20] =	ssyncset.done $0x0  }
0x127: {  	s26 =	simm.s32 $0x2A0;
	[sflag:s20] =	ssyncadd.s32 $0xFFFFE400  }
0x128: {  	[tilespmem:s12], [sflag:$0x2] =	stream.indirect.gather [spmem:s3], $0x40, s26, s10, $0xb8;
	[tilespmem:$0x1F360] =	vst v63  }
0x129: {  	_ =	swait.ge [sflag:s25], $0x1C00  }
0x12a: {  	[sflag:s25] =	ssyncset.done $0x0  }
0x12b: {  	s29 =	simm.s32 $0x1570;
	[sflag:s25] =	ssyncadd.s32 $0xFFFFE400  }
0x12c: {  	[spmem:s4] =	stream.indirect.scatter.add.f32 [tilespmem:s21], [sflag:$0xA], $0x40, s29, s10, $0xb8;
	[tilespmem:$0x1F360] =	vst v63  }
0x12d: {  	_ =	swait.ge [sflag:s2], $0x1C00  }
0x12e: {  	[sflag:s2] =	ssyncset.done $0x0  }
0x12f: {  	p0 =	por p1, p1;
	s17 =	simm.s32 $0x0;
	[sflag:s2] =	ssyncadd.s32 $0xFFFFE400  }
0x130: {  	[tilespmem:s14], [sflag:$0x3] =	stream.indirect.gather [spmem:s3], $0x40, s0, s10, $0xb8;
	[tilespmem:$0x1F360] =	vst v63  }
.LBB2_8:
0x131: {  	_ =	swait.ge [sflag:s31], $0x1C00  }
0x132: {  	s18 =	sshra.s32 s17, $0x2;
	[sflag:s31] =	ssyncset.done $0x0  }
0x133: {  	s19 =	sadd.s32 $0x15E0, s18;
	[sflag:s31] =	ssyncadd.s32 $0xFFFFE400  }
0x134: {  	[spmem:s4] =	stream.indirect.scatter.add.f32 [tilespmem:s11], [sflag:$0x6], $0x40, s19, s10, $0xb8;
	[tilespmem:$0x1F360] =	vst v63  }
0x135: {  	_ =	swait.ge [sflag:s1], $0x1C00  }
0x136: {  	[sflag:s1] =	ssyncset.done $0x0  }
0x137: {  	s26 =	sadd.s32 $0x380, s18;
	[sflag:s1] =	ssyncadd.s32 $0xFFFFE400  }
0x138: {  	[tilespmem:s16], [sflag:$0x4] =	stream.indirect.gather [spmem:s3], $0x40, s26, s10, $0xb8;
	[tilespmem:$0x1F360] =	vst v63  }
0x139: {  	_ =	swait.ge [sflag:s7], $0x1C00  }
0x13a: {  	[sflag:s7] =	ssyncset.done $0x0  }
0x13b: {  	s29 =	sadd.s32 $0x1650, s18;
	[sflag:s7] =	ssyncadd.s32 $0xFFFFE400  }
0x13c: {  	[spmem:s4] =	stream.indirect.scatter.add.f32 [tilespmem:s12], [sflag:$0x7], $0x40, s29, s10, $0xb8;
	[tilespmem:$0x1F360] =	vst v63  }
0x13d: {  	_ =	swait.ge [sflag:s13], $0x1C00  }
0x13e: {  	[sflag:s13] =	ssyncset.done $0x0  }
0x13f: {  	s23 =	sadd.s32 $0x3F0, s18;
	[sflag:s13] =	ssyncadd.s32 $0xFFFFE400  }
0x140: {  	[tilespmem:s21], [sflag:$0x5] =	stream.indirect.gather [spmem:s3], $0x40, s23, s10, $0xb8;
	[tilespmem:$0x1F360] =	vst v63  }
0x141: {  	_ =	swait.ge [sflag:s22], $0x1C00  }
0x142: {  	[sflag:s22] =	ssyncset.done $0x0  }
0x143: {  	s26 =	sadd.s32 $0x16C0, s18;
	[sflag:s22] =	ssyncadd.s32 $0xFFFFE400  }
0x144: {  	[spmem:s4] =	stream.indirect.scatter.add.f32 [tilespmem:s14], [sflag:$0x8], $0x40, s26, s10, $0xb8;
	[tilespmem:$0x1F360] =	vst v63  }
0x145: {  	_ =	swait.ge [sflag:s24], $0x1C00  }
0x146: {  	p1 =	seq.s32 s17, $0x3D40;
	[sflag:s24] =	ssyncset.done $0x0  }
0x147: {  	s19 =	simm.s32 @p1 $0x4;
	[sflag:s24] =	ssyncadd.s32 $0xFFFFE400  }
0x148: {  	_ =	swait.ge @p1 [sflag:s19], $0x1C00  }
0x149: {  	[sflag:s19] =	ssyncset.done @p1 $0x0  }
0x14a: {  	[sflag:s19] =	ssyncadd.s32 @p1 $0xFFFFE400;
	s19 =	sshra.s32 @p1 s17, $0x2  }
0x14b: {  	s23 =	simm.s32 @p1 $0x70;
	s26 =	simm.s32 @p1 $0x7B60;
	s19 =	sadd.s32 @p1 $0x1730, s19  }
0x14c: {  	[spmem:s4] =	stream.indirect.scatter.add.f32 @p1 [tilespmem:s26], [sflag:$0x9], $0x40, s19, s23, $0xb8;
	[tilespmem:$0x1F360] =	vst v63  }
0x14d: {  	s19 =	simm.s32 @p1 $0x7  }
0x14e: {  	_ =	swait.ge @p1 [sflag:s19], $0x1C00  }
0x14f: {  	[sflag:s19] =	ssyncset.done @p1 $0x0  }
0x150: {  	[sflag:s19] =	ssyncadd.s32 @p1 $0xFFFFE400;
	s19 =	sshra.s32 @!p1 s17, $0x2  }
0x151: {  	s29 =	simm.s32 @!p1 $0x2760;
	s26 =	simm.s32 @!p1 $0x70;
	s23 =	sadd.s32 @!p1 $0x460, s19  }
0x152: {  	[tilespmem:s29], [sflag:$0x1] =	stream.indirect.gather @!p1 [spmem:s3], $0x40, s23, s26, $0xb8;
	[tilespmem:$0x1F360] =	vst v63  }
0x153: {  	s23 =	simm.s32 @!p1 $0x4  }
0x154: {  	_ =	swait.ge @!p1 [sflag:s23], $0x1C00  }
0x155: {  	[sflag:s23] =	ssyncset.done @!p1 $0x0  }
0x156: {  	s29 =	simm.s32 @!p1 $0x7B60;
	[sflag:s23] =	ssyncadd.s32 @!p1 $0xFFFFE400;
	s23 =	sadd.s32 @!p1 $0x1730, s19  }
0x157: {  	[spmem:s4] =	stream.indirect.scatter.add.f32 @!p1 [tilespmem:s29], [sflag:$0x9], $0x40, s23, s26, $0xb8;
	[tilespmem:$0x1F360] =	vst v63  }
0x158: {  	s23 =	simm.s32 @!p1 $0x7  }
0x159: {  	_ =	swait.ge @!p1 [sflag:s23], $0x1C00  }
0x15a: {  	[sflag:s23] =	ssyncset.done @!p1 $0x0  }
0x15b: {  	s19 =	sadd.s32 @!p1 $0x4D0, s19;
	[sflag:s23] =	ssyncadd.s32 @!p1 $0xFFFFE400;
	s23 =	simm.s32 @!p1 $0x4360  }
0x15c: {  	[tilespmem:s23], [sflag:$0x2] =	stream.indirect.gather @!p1 [spmem:s3], $0x40, s19, s26, $0xb8;
	[tilespmem:$0x1F360] =	vst v63  }
0x15d: {  	_ =	swait.ge [sflag:s25], $0x1C00  }
0x15e: {  	[sflag:s25] =	ssyncset.done $0x0  }
.Ltmp8:
0x15f: {  	s29 =	sadd.s32 $0x17A0, s18;
	[sflag:s25] =	ssyncadd.s32 $0xFFFFE400;
	(pc) =	sbr.rel @p1 .LBB2_10-.Ltmp8, $4  }
0x160: {  	[spmem:s4] =	stream.indirect.scatter.add.f32 [tilespmem:s21], [sflag:$0xA], $0x40, s29, s10, $0xb8;
	[tilespmem:$0x1F360] =	vst v63  }
0x161: {  	_ =	swait.ge [sflag:s2], $0x1C00  }
0x162: {  	[sflag:s2] =	ssyncset.done $0x0  }
0x163: {  	[sflag:s2] =	ssyncadd.s32 $0xFFFFE400  }
.Ltmp9:
0x164: {  	(pc) =	sbr.rel .LBB2_8-.Ltmp9, $3  }
0x165: {  	_ =	sdelay $0x1  }
0x166: {  	s18 =	sadd.s32 $0x540, s18;
	s17 =	sadd.s32 $0x8C0, s17  }
0x167: {  	[tilespmem:s14], [sflag:$0x3] =	stream.indirect.gather [spmem:s3], $0x40, s18, s10, $0xb8;
	[tilespmem:$0x1F360] =	vst v63  }
.LBB2_12:
0x168: {  	_ =	sfence.sel $0x180000  }
0x169: {  	[bflag:$0x0] =	sbarrier.arrive $0xFFFF  }
0x16a: {  	_ =	strace $0x9000004A  }
0x16b: {  	s0 =	stileid.u32;
	[bflag:$0x2] =	sbarrier.arrive $0xFFFF  }
0x16c: {  	p0 =	sne.s32 s0, $0x0;
	s0 =	rddreg [dreg:$0x4]  }
0x16d: {  	s0 =	sadd.s32 @!p0 $0x100000, s0  }
0x16e: {  	[sflag:s0] =	ssyncadd.tile.s32 @!p0 $0x1;
	_ =	shalt  }
.Lfunc_end2:
_tile_overlayer_lowered:
.L_overlay_start_2:
0x16f: {  	(tag) =	ssettag $0x2  }
0x170: {  	s0 =	rddreg [dreg:$0x0];
	s2 =	stileid.u32  }
0x171: {  	s1 =	rddreg [dreg:$0x1];
	p0 =	sne.s32 s2, $0x0  }
0x172: {  	s3 =	rddreg [dreg:$0x2];
	[bflag:$0x3] =	sbarrier.arrive $0xFFFF;
	s2 =	simm.s32 @!p0 $0x1C0B  }
0x173: {  	[timem:s3], [sflag:s2] =	dma.local @!p0 [hbm:s0], s1  }
0x174: {  	s0 =	simm.s32 @!p0 $0xB  }
0x175: {  	_ =	swait.ge @!p0 [sflag:s0], s1  }
0x176: {  	s1 =	ssub.s32 @!p0 $0x0, s1;
	[sflag:s0] =	ssyncset.done @!p0 $0x0  }
0x177: {  	[sflag:s0] =	ssyncadd.s32 @!p0 s1  }
0x178: {  	[bflag:$0x3] =	sbarrier.arrive $0xFFFF  }
0x179: {  	_ =	shalt  }

// kernel: kernel.14.cloned.1.call-start
scs
__scs_entry_jumppad:
0x0: {  	(pc) =	sbr.rel $0x88, $3  }
0x1: {  	(tag) =	ssettag $0x0;
	lr =	simm.s32 $0x1  }
0x2: {  	[smem:$0x3F99] =	sst lr;
	_ =	strace $0xD0000000  }
0x3: {  	_ = 	snop  }
0x4: {  	_ = 	snop  }
0x5: {  	_ = 	snop  }
0x6: {  	_ = 	snop  }
0x7: {  	_ = 	snop  }
__scs_overlays_trampoline_lowered:
0x8: {  	[smem:$0x3FA8] =	sst s0  }
0x9: {  	[smem:$0x3FA9] =	sst s1  }
0xa: {  	[smem:$0x3FAA] =	sst s2  }
0xb: {  	[smem:$0x3FAB] =	sst s3  }
0xc: {  	[smem:$0x3FAC] =	sst s4  }
0xd: {  	[smem:$0x3FAD] =	sst s5  }
0xe: {  	[smem:$0x3FAE] =	sst s6  }
0xf: {  	[smem:$0x3FAF] =	sst s7  }
0x10: {  	[smem:$0x3FB0] =	sst s8  }
0x11: {  	[smem:$0x3FB1] =	sst s9;
	s0 =	simm.s32 @!p0 $0x0  }
0x12: {  	s1 =	sld [smem:$0x3F97];
	s0 =	simm.s32 @p0 $0x1  }
0x13: {  	[smem:$0x3FB2] =	sst s0;
	s0 =	simm.s32 @!p1 $0x0  }
0x14: {  	s2 =	sld [smem:$0x3F96];
	s0 =	simm.s32 @p1 $0x1  }
0x15: {  	[smem:$0x3FB3] =	sst s0;
	s0 =	simm.s32 @!p2 $0x0  }
0x16: {  	s3 =	sld [smem:$0x3FDB];
	s0 =	simm.s32 @p2 $0x1  }
0x17: {  	s4 =	simm.s32 $0x1BF5;
	[smem:$0x3FB5] =	sst s0  }
0x18: {  	s0 =	sld [smem:$0x3F98];
	_ =	swait.ge [sflag:s4], $0x0  }
0x19: {  	s7 =	sld [smem:$0x3F99]  }
0x1a: {  	s8 =	sadd.s32 $0xFFFFE003, lr  }
0x1b: {  	s9 =	sadd.s32 $0xFFFFFEF7, lr;
	s5 =	simm.s32 $0xFFFFFFFF;
	p2 =	slt.u32 s8, $0xFFFFF086  }
0x1c: {  	p1 =	slt.u32 s9, $0xF7A;
	s5 =	simm.s32 @!p2 $0x0  }
0x1d: {  	s5 =	simm.s32 @p1 $0x1;
	p0 =	seq.s32 s7, s2  }
0x1e: {  	s7 =	smul.u32 @!p0 $0xF7A, s2;
	p2 =	seq.s32 @!p0 s5, $0x0  }
0x1f: {  	s9 =	smul.u32 $0xF7A, s1;
	s8 =	simm.s32 @!p0 $0x1BF5;
	p2 =	por !p2, p0  }
0x20: {  	[sflag:s8] =	ssyncset.s32 @!p0 $0xFFFFF086;
	s6 =	sadd.s32 @!p0 s3, s7;
	s7 =	simm.s32 @!p0 $0x108  }
0x21: {  	s3 =	sadd.s32 s3, s9;
	s6 =	sadd.s32 @!p0 $0x88, s6;
	s7 =	simm.s32 @p2 $0x1082  }
0x22: {  	[simem:s7], [sflag:s8] =	dma.local @!p0 [hbm:s6], $0xF7A  }
0x23: {  	s9 =	sor.u32 $0xD0000000, s2;
	s6 =	simm.s32 $0x108;
	_ =	swait.ge @!p0 [sflag:s8], $0x0  }
0x24: {  	s3 =	sadd.s32 $0x88, s3;
	s6 =	simm.s32 @!p1 $0x1082;
	[sflag:s4] =	ssyncset.s32 $0xFFFFF086  }
0x25: {  	[simem:s6], [sflag:s4] =	dma.local [hbm:s3], $0xF7A  }
0x26: {  	[smem:$0x3F99] =	sst s1;
	(tag) =	ssettag s2;
	_ =	strace s9  }
0x27: {  	s1 =	sld [smem:$0x3FA9]  }
0x28: {  	s2 =	sld [smem:$0x3FAA]  }
0x29: {  	s4 =	sld [smem:$0x3FAC]  }
0x2a: {  	p0 =	seq.s32 s5, $0x0;
	s5 =	sld [smem:$0x3FAD]  }
0x2b: {  	s6 =	sld [smem:$0x3FAE]  }
0x2c: {  	s7 =	sld [smem:$0x3FAF]  }
0x2d: {  	s3 =	simm.s32 $0x108;
	s8 =	sld [smem:$0x3FB0]  }
0x2e: {  	s3 =	simm.s32 @!p0 $0x1082;
	s9 =	sld [smem:$0x3FB1]  }
0x2f: {  	lr =	sadd.s32 s0, s3;
	s0 =	sld [smem:$0x3FA8]  }
0x30: {  	s3 =	sld [smem:$0x3FAB]  }
0x31: {  	[smem:$0x3FB4] =	sst s10  }
0x32: {  	s10 =	sld [smem:$0x3FB2];
	_ =	sdelay $0x3  }
0x33: {  	p0 =	seq.s32 s10, $0x1;
	s10 =	sld [smem:$0x3FB4];
	_ =	sdelay $0x3  }
0x34: {  	[smem:$0x3FB4] =	sst s10  }
0x35: {  	s10 =	sld [smem:$0x3FB3];
	_ =	sdelay $0x3  }
0x36: {  	p1 =	seq.s32 s10, $0x1;
	s10 =	sld [smem:$0x3FB4];
	_ =	sdelay $0x3  }
0x37: {  	[smem:$0x3FB4] =	sst s10  }
0x38: {  	s10 =	sld [smem:$0x3FB5]  }
0x39: {  	_ = 	snop;
	(pc) =	sbr.ind lr, $3  }
0x3a: {  	_ = 	snop  }
0x3b: {  	_ = 	snop  }
0x3c: {  	p2 =	seq.s32 s10, $0x1;
	s10 =	sld [smem:$0x3FB4]  }
0x3d: {  	_ =	shalt  }
0x3e: {  	_ =	shalt  }
0x3f: {  	_ =	shalt  }
0x40: {  	_ =	shalt  }
0x41: {  	_ =	shalt  }
0x42: {  	_ =	shalt  }
0x43: {  	_ =	shalt  }
0x44: {  	_ =	shalt  }
0x45: {  	_ =	shalt  }
0x46: {  	_ =	shalt  }
0x47: {  	_ =	shalt  }
0x48: {  	_ =	shalt  }
0x49: {  	_ =	shalt  }
0x4a: {  	_ =	shalt  }
0x4b: {  	_ =	shalt  }
0x4c: {  	_ =	shalt  }
0x4d: {  	_ =	shalt  }
0x4e: {  	_ =	shalt  }
0x4f: {  	_ =	shalt  }
0x50: {  	_ =	shalt  }
0x51: {  	_ =	shalt  }
0x52: {  	_ =	shalt  }
0x53: {  	_ =	shalt  }
0x54: {  	_ =	shalt  }
0x55: {  	_ =	shalt  }
0x56: {  	_ =	shalt  }
0x57: {  	_ =	shalt  }
0x58: {  	_ =	shalt  }
0x59: {  	_ =	shalt  }
0x5a: {  	_ =	shalt  }
0x5b: {  	_ =	shalt  }
0x5c: {  	_ =	shalt  }
0x5d: {  	_ =	shalt  }
0x5e: {  	_ =	shalt  }
0x5f: {  	_ =	shalt  }
0x60: {  	_ =	shalt  }
0x61: {  	_ =	shalt  }
0x62: {  	_ =	shalt  }
0x63: {  	_ =	shalt  }
0x64: {  	_ =	shalt  }
0x65: {  	_ =	shalt  }
0x66: {  	_ =	shalt  }
0x67: {  	_ =	shalt  }
0x68: {  	_ =	shalt  }
0x69: {  	_ =	shalt  }
0x6a: {  	_ =	shalt  }
0x6b: {  	_ =	shalt  }
0x6c: {  	_ =	shalt  }
0x6d: {  	_ =	shalt  }
0x6e: {  	_ =	shalt  }
0x6f: {  	_ =	shalt  }
0x70: {  	_ =	shalt  }
0x71: {  	_ =	shalt  }
0x72: {  	_ =	shalt  }
0x73: {  	_ =	shalt  }
0x74: {  	_ =	shalt  }
0x75: {  	_ =	shalt  }
0x76: {  	_ =	shalt  }
0x77: {  	_ =	shalt  }
0x78: {  	_ =	shalt  }
0x79: {  	_ =	shalt  }
0x7a: {  	_ =	shalt  }
0x7b: {  	_ =	shalt  }
0x7c: {  	_ =	shalt  }
0x7d: {  	_ =	shalt  }
0x7e: {  	_ =	shalt  }
0x7f: {  	_ =	shalt  }
0x80: {  	_ =	shalt  }
0x81: {  	_ =	shalt  }
0x82: {  	_ =	shalt  }
0x83: {  	_ =	shalt  }
0x84: {  	_ =	shalt  }
0x85: {  	_ =	shalt  }
0x86: {  	_ =	shalt  }
0x87: {  	_ =	shalt  }
.Lfunc_end0:
.L_simem_size_0:
called_computation.2_lowered:
.L_overlay_start_0:
0x88: {  	s2 =	sld [smem:$0x3FD9]  }
0x89: {  	s3 =	sld [smem:$0x3FFE];
	_ =	sdelay $0x1  }
0x8a: {  	s1 =	srdreg.scid  }
0x8b: {  	s0 =	sand.u32 $0x1, s1  }
0x8c: {  	s14 =	sshll.u32 s0, $0xA;
	s2 =	sadd.s32 s3, s2  }
0x8d: {  	s2 =	sadd.s32 s2, s14  }
0x8e: {  	[smem:$0x3FC0] =	sst s2  }
0x8f: {  	_ = 	snop  }
0x90: {  	s2 =	sld [smem:$0x3FD0];
	_ =	sdelay $0x2  }
0x91: {  	s15 =	simm.s32 $0xA;
	s4 =	simm.s32 $0x10  }
0x92: {  	[smem:s4], [sflag:s15] =	dma.local [hbm:s2], $0x1  }
0x93: {  	_ =	swait.eq [sflag:s15], $0x1  }
0x94: {  	[sflag:s15] =	ssyncset.done $0x0  }
0x95: {  	[sflag:s15] =	ssyncadd.s32 $0xFFFFFFFF  }
0x96: {  	s16 =	sld [smem:$0x10];
	(tm) =	ssettm $0x1  }
0x97: {  	s17 =	sld [smem:$0x3FFB];
	_ =	sdelay $0x3  }
0x98: {  	_ =	strace s17  }
0x99: {  	s3 =	sld [smem:$0x3FFC];
	_ =	sdelay $0x3  }
0x9a: {  	_ =	strace s3  }
0x9b: {  	s3 =	sld [smem:$0x3FFD];
	_ =	sdelay $0x3  }
0x9c: {  	_ =	strace s3  }
0x9d: {  	_ =	strace $0x8FFFFFFF  }
0x9e: {  	s18 =	sld [smem:$0x3FDB];
	_ =	sdelay $0x1  }
0x9f: {  	s19 =	simm.s32 $_scs_section_size  }
0xa0: {  	s5 =	simm.s32 $_size__tile_overlayer_lowered;
	s6 =	simm.s32 $_tile_overlayer_lowered  }
0xa1: {  	s22 =	simm.s32 $0x1BFF;
	s21 =	sshll.u32 s6, $0x1;
	s3 =	sadd.s32 s19, s18  }
0xa2: {  	s7 =	simm.s32 $0x0;
	s20 =	sshll.u32 s5, $0x1;
	s5 =	sadd.s32 s21, s3  }
0xa3: {  	[timem:s7], [sflag:s22] =	dma.local [hbm:s5], s20  }
0xa4: {  	_ =	swait.ge [sflag:s22], s20  }
0xa5: {  	s4 =	ssub.s32 $0x0, s20;
	[sflag:s22] =	ssyncset.done $0x0  }
0xa6: {  	[sflag:s22] =	ssyncadd.s32 s4;
	_ =	sdelay $0x1  }
0xa7: {  	s23 =	simm.s32 $0x1B8B  }
0xa8: {  	_ =	swait.ge [sflag:s23], $0x1  }
0xa9: {  	[sflag:s23] =	ssyncset.done $0x0  }
0xaa: {  	s25 =	simm.s32 $0x1B8E;
	s24 =	sld [smem:$0x3FFE];
	[sflag:s23] =	ssyncadd.s32 $0xFFFFFFFF  }
0xab: {  	s26 =	simm.s32 $execute0_lowered;
	[smem:$0x3FD2] =	sst s25  }
0xac: {  	s5 =	sshll.u32 s26, $0x1;
	_ =	strace $0x8000004C;
	[dreg:$0x1] =	wrdreg $0xFFFFFFFF  }
0xad: {  	s28 =	simm.s32 $_size_execute0_lowered;
	s3 =	sadd.s32 s3, s5;
	[dreg:$0x0] =	wrdreg $0x0  }
0xae: {  	s5 =	sshll.u32 s28, $0x1;
	[dreg:$0x2] =	wrdreg s3  }
0xaf: {  	[dreg:$0x3] =	wrdreg s5  }
0xb0: {  	[dreg:$0x4] =	wrdreg $0xC0  }
0xb1: {  	_ =	task [dreg:s7], $0x5FFFF  }
0xb2: {  	[dreg:$0x1] =	wrdreg $0xFFFFFFFF  }
0xb3: {  	[dreg:$0x0] =	wrdreg $0x60  }
0xb4: {  	[dreg:$0x2] =	wrdreg s24  }
0xb5: {  	[dreg:$0x3] =	wrdreg s16  }
0xb6: {  	[dreg:$0x4] =	wrdreg $0xB3600  }
0xb7: {  	[dreg:$0x5] =	wrdreg $0x153600  }
0xb8: {  	[dreg:$0x6] =	wrdreg $0x9  }
0xb9: {  	_ =	task.clear_ibuf [dreg:s7], $0x7FFFF;
	_ =	strace $0x9000004C  }
0xba: {  	s29 =	simm.s32 $0x9;
	_ =	strace $0x8000004E  }
0xbb: {  	_ =	swait.ge [sflag:s29], $0x1  }
0xbc: {  	[sflag:s29] =	ssyncadd.s32 $0xFFFFFFFF  }
0xbd: {  	_ =	strace $0x9000004E  }
0xbe: {  	_ =	sfence  }
0xbf: {  	s30 =	sld [smem:$0x0];
	_ =	sdelay $0x2  }
0xc0: {  	s31 =	sshll.u32 s1, $0xD;
	s1 =	sshrl.u32 s1, $0x2  }
0xc1: {  	s3 =	sand.u32 $0x4000, s31;
	s1 =	sadd.s32 s1, s30  }
0xc2: {  	s0 =	sor.u32 s3, s0;
	s1 =	sshll.u32 s1, $0x11  }
0xc3: {  	s0 =	sor.u32 s1, s0  }
0xc4: {  	s0 =	sadd.s32 $0x8F2B, s0  }
0xc5: {  	[sflag:s0] =	ssyncadd.remote.s32 $0x1  }
0xc6: {  	_ =	sfence.sel $0xFFFF  }
0xc7: {  	[dreg:$0x0] =	wrdreg $0xFFFFFFFF;
	(pc) =	sbr.abs _section_cstart, $3  }
0xc8: {  	[dreg:$0x1] =	wrdreg $0xFFFFFFFF  }
0xc9: {  	_ =	task.clear_ibuf [dreg:s7], $0x2FFFF;
	_ =	strace $0x9FFFFFFF  }
0xca: {  	(tm) =	ssettm $0x7FFFFFFF  }
0xcb: {  	_ =	shalt  }
tec
execute0_lowered:
.L_overlay_start_1:
0x0: {  	(tag) =	ssettag $0x1  }
0x1: {  	s0 =	rddreg [dreg:$0x0]  }
0x2: {  	s29 =	rddreg [dreg:$0x1]  }
0x3: {  	s1 =	srdreg.scid;
	s3 =	rddreg [dreg:$0x2]  }
0x4: {  	s16 =	stileid.u32;
	s4 =	rddreg [dreg:$0x3]  }
0x5: {  	s17 =	simm.s32 $0x0;
	s31 =	simm.s32 $0x1;
	s5 =	smul.u32 $0x14000, s16  }
0x6: {  	s28 =	simm.s32 $0x4;
	s1 =	sand.u32 $0x1, s1;
	s8 =	smul.u32 $0x280, s16  }
0x7: {  	[smem:$0x7FF] =	sst s17;
	s6 =	sadd.s32 $0x2200, s0;
	s9 =	smul.u32 $0xA000, s16  }
0x8: {  	s10 =	sadd.s32 $0x57200, s0;
	s2 =	smul.u32 $0x140000, s1;
	s1 =	ssub.s32 $0x2, s1  }
0x9: {  	s30 =	smul.u32 $0x5A, s16;
	_ =	strace $0x8000004D;
	s11 =	sshrl.u32 s1, $0x1  }
0xa: {  	s12 =	sadd.s32 $0x80, s8;
	s15 =	sadd.s32 s9, s3;
	s9 =	sadd.s32 s9, s4  }
0xb: {  	s22 =	sadd.s32 $0x100, s8;
	s23 =	sadd.s32 $0x180, s8;
	s8 =	sadd.s32 $0x200, s8  }
0xc: {  	s5 =	sadd.s32 s5, s2;
	s1 =	ssub.s32 s1, s11;
	[dreg:$0x6] =	wrdreg s15  }
0xd: {  	s18 =	sshll.u32 s12, $0x7;
	[dreg:$0x7] =	wrdreg s9;
	s13 =	sshll.u32 s22, $0x7  }
0xe: {  	s14 =	sshll.u32 s23, $0x7;
	s15 =	sshll.u32 s8, $0x7;
	s11 =	simm.s32 $0x2760  }
0xf: {  	s5 =	sshrl.u32 s5, $0x3;
	s19 =	sadd.s32 s2, s18;
	s13 =	sadd.s32 s2, s13  }
0x10: {  	s14 =	sadd.s32 s2, s14;
	s2 =	sadd.s32 s2, s15;
	s1 =	smax.u32 s1, $0x1  }
0x11: {  	s18 =	sshll.u32 s12, $0x6;
	s7 =	sadd.s32 s5, s0;
	s0 =	sadd.s32 $0x57208, s0  }
0x12: {  	s12 =	simm.s32 $0x4360;
	[dreg:$0x14] =	wrdreg s1;
	s20 =	sadd.s32 s5, s0  }
0x13: {  	s21 =	sshrl.u32 s19, $0x3;
	s5 =	sadd.s32 s10, s5;
	[dreg:$0x8] =	wrdreg s20  }
0x14: {  	s13 =	sshrl.u32 s13, $0x3;
	s9 =	sadd.s32 s10, s21;
	[dreg:$0x9] =	wrdreg s5  }
0x15: {  	s14 =	sshrl.u32 s14, $0x3;
	s24 =	sadd.s32 s10, s13;
	[dreg:$0xa] =	wrdreg s9  }
0x16: {  	s2 =	sshrl.u32 s2, $0x3;
	s25 =	sadd.s32 s10, s14;
	[dreg:$0xb] =	wrdreg s24  }
0x17: {  	s19 =	sshll.u32 s22, $0x6;
	s10 =	sadd.s32 s10, s2;
	[dreg:$0xc] =	wrdreg s25  }
0x18: {  	s22 =	sshll.u32 s23, $0x6;
	s26 =	sadd.s32 s13, s0;
	[dreg:$0xd] =	wrdreg s10  }
0x19: {  	s23 =	sshll.u32 s8, $0x6;
	s15 =	sadd.s32 $0x7208, s7;
	[dreg:$0xf] =	wrdreg s26  }
0x1a: {  	s8 =	simm.s32 $0xB;
	s5 =	sadd.s32 s21, s0;
	[dreg:$0x13] =	wrdreg s15  }
0x1b: {  	s1 =	simm.s32 $0x9;
	s10 =	sadd.s32 s14, s0;
	[dreg:$0xe] =	wrdreg s5  }
0x1c: {  	s13 =	smul.u32 $0x28000, s16;
	s0 =	sadd.s32 s2, s0;
	[dreg:$0x10] =	wrdreg s10  }
0x1d: {  	s14 =	sadd.s32 $0x7200, s7;
	s20 =	sadd.s32 s18, s4;
	[dreg:$0x11] =	wrdreg s0  }
0x1e: {  	s21 =	sadd.s32 s19, s4;
	s24 =	sshll.u32 s16, $0x6;
	[dreg:$0x12] =	wrdreg s14  }
0x1f: {  	s25 =	sadd.s32 s23, s4;
	s2 =	simm.s32 $0x8;
	[dreg:$0x16] =	wrdreg s20  }
0x20: {  	s18 =	simm.s32 $0x10;
	s7 =	simm.s32 $0x2;
	[dreg:$0x17] =	wrdreg s21  }
0x21: {  	s9 =	simm.s32 $0x13B0;
	s16 =	simm.s32 $0x7B60;
	[dreg:$0x1a] =	wrdreg s25  }
0x22: {  	s0 =	sshrl.u32 s13, $0x2;
	[dreg:$0x18] =	wrdreg s24;
	s26 =	sor.u32 $0x1C01, s24  }
.Ltmp0:
0x23: {  	s10 =	simm.s32 $0x70;
	s14 =	simm.s32 $0x5F60;
	(pc) =	sbr.rel .LBB2_1-.Ltmp0, $4  }
0x24: {  	s21 =	simm.s32 $0x9760;
	s24 =	simm.s32 $0x6;
	s20 =	simm.s32 $0x7  }
0x25: {  	s25 =	simm.s32 $0x5;
	s0 =	sadd.s32 s0, s4;
	[dreg:$0x1b] =	wrdreg s26  }
0x26: {  	s13 =	simm.s32 $0xA;
	[dreg:$0x15] =	wrdreg s0;
	s0 =	sadd.s32 s22, s4  }
0x27: {  	s22 =	simm.s32 $0x3;
	[dreg:$0x19] =	wrdreg s0;
	s0 =	simm.s32 $0x310  }
.LBB2_11:
0x28: {  	[bflag:$0x0] =	sbarrier.arrive $0xFFFF  }
0x29: {  	s17 =	sld [smem:$0x7F9]  }
0x2a: {  	s5 =	rddreg [dreg:$0x8]  }
0x2b: {  	s18 =	simm.s32 $0x10;
	s15 =	rddreg [dreg:$0x1c]  }
0x2c: {  	[hbm:s5@s18], [sflag:s15] =	dma.strided [spmem:s17@s2], $0x400, s31, $0x8   }
0x2d: {  	_ =	swait.ge [sflag:s8], $0x400  }
0x2e: {  	s26 =	sld [smem:$0x7FA]  }
0x2f: {  	[sflag:s8] =	ssyncset.done $0x0  }
0x30: {  	s23 =	rddreg [dreg:$0xe];
	[sflag:s8] =	ssyncadd.s32 $0xFFFFFC00  }
0x31: {  	[hbm:s23@s18], [sflag:s15] =	dma.strided [spmem:s26@s2], $0x400, s31, $0x8   }
0x32: {  	_ =	swait.ge [sflag:s8], $0x400  }
0x33: {  	s19 =	sld [smem:$0x7FB]  }
0x34: {  	[sflag:s8] =	ssyncset.done $0x0  }
0x35: {  	s17 =	rddreg [dreg:$0xf];
	[sflag:s8] =	ssyncadd.s32 $0xFFFFFC00  }
0x36: {  	[hbm:s17@s18], [sflag:s15] =	dma.strided [spmem:s19@s2], $0x400, s31, $0x8   }
0x37: {  	_ =	swait.ge [sflag:s8], $0x400  }
0x38: {  	s26 =	sld [smem:$0x7FC]  }
0x39: {  	[sflag:s8] =	ssyncset.done $0x0  }
0x3a: {  	s23 =	rddreg [dreg:$0x10];
	[sflag:s8] =	ssyncadd.s32 $0xFFFFFC00  }
0x3b: {  	[hbm:s23@s18], [sflag:s15] =	dma.strided [spmem:s26@s2], $0x400, s31, $0x8   }
0x3c: {  	_ =	swait.ge [sflag:s8], $0x400  }
0x3d: {  	s19 =	sld [smem:$0x7FD]  }
0x3e: {  	[sflag:s8] =	ssyncset.done $0x0  }
0x3f: {  	s17 =	rddreg [dreg:$0x11];
	[sflag:s8] =	ssyncadd.s32 $0xFFFFFC00  }
0x40: {  	[hbm:s17@s18], [sflag:s15] =	dma.strided [spmem:s19@s2], $0x400, s31, $0x8   }
0x41: {  	_ =	swait.ge [sflag:s8], $0x400  }
0x42: {  	s23 =	rddreg [dreg:$0x5]  }
0x43: {  	s26 =	rddreg [dreg:$0x14];
	s17 =	sadd.s32 $0x1, s23  }
0x44: {  	p0 =	sne.s32 s17, s26  }
.Ltmp1:
0x45: {  	_ = 	snop;
	(pc) =	sbr.rel @!p0 .LBB2_12-.Ltmp1, $3  }
0x46: {  	_ =	sdelay $0x1  }
0x47: {  	[sflag:s8] =	ssyncset.done $0x0  }
0x48: {  	[sflag:s8] =	ssyncadd.s32 $0xFFFFFC00  }
.LBB2_1:
0x49: {  	[dreg:$0x5] =	wrdreg s17  }
0x4a: {  	s5 =	rddreg [dreg:$0x6]  }
0x4b: {  	s15 =	rddreg [dreg:$0x12]  }
0x4c: {  	s19 =	rddreg [dreg:$0x1b];
	s5 =	sshrl.u32 s5, $0x3  }
0x4d: {  	[dreg:$0x1d] =	wrdreg s5  }
0x4e: {  	[spmem:s5@s2], [sflag:s19] =	dma.strided [hbm:s15@s18], $0x1400, s31, $0x8   }
0x4f: {  	s5 =	rddreg [dreg:$0x18]  }
0x50: {  	s26 =	rddreg [dreg:$0x7];
	s23 =	sor.u32 $0x1C02, s5  }
0x51: {  	s5 =	sshrl.u32 s26, $0x3;
	[dreg:$0x1e] =	wrdreg s23  }
0x52: {  	[dreg:$0x1f] =	wrdreg s5  }
0x53: {  	[spmem:s5@s2], [sflag:s23] =	dma.strided [hbm:s15@s18], $0x1400, s31, $0x8   }
0x54: {  	_ =	swait.ge [sflag:s31], $0x1400  }
0x55: {  	[sflag:s31] =	ssyncset.done $0x0  }
0x56: {  	[sflag:s31] =	ssyncadd.s32 $0xFFFFEC00  }
.Ltmp2:
0x57: {  	_ =	swait.ge [sflag:s7], $0x1400;
	(pc) =	sbr.rel .LBB2_2-.Ltmp2, $4  }
0x58: {  	[sflag:s7] =	ssyncset.done $0x0  }
0x59: {  	[sflag:s7] =	ssyncadd.s32 $0xFFFFEC00  }
0x5a: {  	[bflag:$0x0] =	sbarrier.arrive $0xFFFF  }
0x5b: {  	p1 =	por $0x1, $0x1;
	s15 =	simm.s32 $0x0  }
.LBB2_5:
0x5c: {  	_ =	swait.ge [sflag:s1], $0x1C00  }
.Ltmp3:
0x5d: {  	[sflag:s1] =	ssyncset.done $0x0;
	(pc) =	sbr.rel @!p0 .LBB2_6-.Ltmp3, $4  }
0x5e: {  	[sflag:s1] =	ssyncadd.s32 $0xFFFFE400  }
0x5f: {  	_ =	swait.ge [sflag:s13], $0x1C00  }
0x60: {  	[sflag:s13] =	ssyncset.done $0x0  }
0x61: {  	s15 =	simm.s32 $0x2D;
	p1 =	por $0x0, $0x0;
	[sflag:s13] =	ssyncadd.s32 $0xFFFFE400  }
.LBB2_2:
0x62: {  	s15 =	sadd.s32 s30, s15  }
0x63: {  	s17 =	smul.u32 $0xE, s15;
	_ =	sdelay $0x1  }
0x64: {  	s15 =	simm.s32 $0x0;
	s18 =	sadd.s32 s6, s17  }
0x65: {  	[tilespmem:s15], [sflag:$0xB] =	stream.linear.gather [hbm4b:s18+s15], $0x13B0, $0x38;
	[tilespmem:$0x1F360] =	vst v63  }
0x66: {  	_ =	swait.ge [sflag:s8], $0x13B0  }
0x67: {  	[sflag:s8] =	ssyncset.done $0x0  }
0x68: {  	s17 =	sadd.s32 s29, s17;
	[sflag:s8] =	ssyncadd.s32 $0xFFFFEC50  }
0x69: {  	[tilespmem:s9], [sflag:$0xB] =	stream.linear.gather [hbm4b:s17+s15], $0x13B0, $0x38;
	[tilespmem:$0x1F360] =	vst v63  }
0x6a: {  	_ =	swait.ge [sflag:s8], $0x13B0  }
0x6b: {  	[sflag:s8] =	ssyncset.done $0x0  }
0x6c: {  	[sflag:s8] =	ssyncadd.s32 $0xFFFFEC50  }
0x6d: {  	[tilespmem:s11], [sflag:$0x1] =	stream.indirect.gather [spmem:s3], $0x40, s15, s10, $0xb8;
	[tilespmem:$0x1F360] =	vst v63  }
0x6e: {  	_ = 	snop  }
0x6f: {  	[tilespmem:s12], [sflag:$0x2] =	stream.indirect.gather [spmem:s3], $0x40, s10, s10, $0xb8;
	[tilespmem:$0x1F360] =	vst v63  }
0x70: {  	s5 =	simm.s32 $0xE0  }
0x71: {  	[tilespmem:s14], [sflag:$0x3] =	stream.indirect.gather [spmem:s3], $0x40, s5, s10, $0xb8;
	[tilespmem:$0x1F360] =	vst v63  }
0x72: {  	_ =	swait.ge [sflag:s31], $0x1C00  }
0x73: {  	[sflag:s31] =	ssyncset.done $0x0  }
0x74: {  	[sflag:s31] =	ssyncadd.s32 $0xFFFFE400  }
0x75: {  	[spmem:s4] =	stream.indirect.scatter.add.f32 [tilespmem:s11], [sflag:$0x6], $0x40, s9, s10, $0xb8;
	[tilespmem:$0x1F360] =	vst v63  }
0x76: {  	s19 =	simm.s32 $0x150  }
0x77: {  	[tilespmem:s16], [sflag:$0x4] =	stream.indirect.gather [spmem:s3], $0x40, s19, s10, $0xb8;
	[tilespmem:$0x1F360] =	vst v63  }
0x78: {  	_ =	swait.ge [sflag:s7], $0x1C00  }
0x79: {  	[sflag:s7] =	ssyncset.done $0x0  }
0x7a: {  	s23 =	simm.s32 $0x1420;
	[sflag:s7] =	ssyncadd.s32 $0xFFFFE400  }
0x7b: {  	[spmem:s4] =	stream.indirect.scatter.add.f32 [tilespmem:s12], [sflag:$0x7], $0x40, s23, s10, $0xb8;
	[tilespmem:$0x1F360] =	vst v63  }
0x7c: {  	s26 =	simm.s32 $0x1C0  }
0x7d: {  	[tilespmem:s21], [sflag:$0x5] =	stream.indirect.gather [spmem:s3], $0x40, s26, s10, $0xb8;
	[tilespmem:$0x1F360] =	vst v63  }
0x7e: {  	_ =	swait.ge [sflag:s22], $0x1C00  }
0x7f: {  	[sflag:s22] =	ssyncset.done $0x0  }
0x80: {  	s17 =	simm.s32 $0x1490;
	[sflag:s22] =	ssyncadd.s32 $0xFFFFE400  }
0x81: {  	[spmem:s4] =	stream.indirect.scatter.add.f32 [tilespmem:s14], [sflag:$0x8], $0x40, s17, s10, $0xb8;
	[tilespmem:$0x1F360] =	vst v63  }
0x82: {  	_ =	swait.ge [sflag:s24], $0x1C00  }
0x83: {  	[sflag:s24] =	ssyncset.done $0x0  }
0x84: {  	s18 =	simm.s32 $0x230;
	[sflag:s24] =	ssyncadd.s32 $0xFFFFE400  }
0x85: {  	[tilespmem:s11], [sflag:$0x1] =	stream.indirect.gather [spmem:s3], $0x40, s18, s10, $0xb8;
	[tilespmem:$0x1F360] =	vst v63  }
0x86: {  	_ =	swait.ge [sflag:s28], $0x1C00  }
0x87: {  	[sflag:s28] =	ssyncset.done $0x0  }
0x88: {  	s19 =	simm.s32 $0x1500;
	[sflag:s28] =	ssyncadd.s32 $0xFFFFE400  }
0x89: {  	[spmem:s4] =	stream.indirect.scatter.add.f32 [tilespmem:s16], [sflag:$0x9], $0x40, s19, s10, $0xb8;
	[tilespmem:$0x1F360] =	vst v63  }
0x8a: {  	_ =	swait.ge [sflag:s20], $0x1C00  }
0x8b: {  	[sflag:s20] =	ssyncset.done $0x0  }
0x8c: {  	s23 =	simm.s32 $0x2A0;
	[sflag:s20] =	ssyncadd.s32 $0xFFFFE400  }
0x8d: {  	[tilespmem:s12], [sflag:$0x2] =	stream.indirect.gather [spmem:s3], $0x40, s23, s10, $0xb8;
	[tilespmem:$0x1F360] =	vst v63  }
0x8e: {  	_ =	swait.ge [sflag:s25], $0x1C00  }
0x8f: {  	[sflag:s25] =	ssyncset.done $0x0  }
0x90: {  	s26 =	simm.s32 $0x1570;
	[sflag:s25] =	ssyncadd.s32 $0xFFFFE400  }
0x91: {  	[spmem:s4] =	stream.indirect.scatter.add.f32 [tilespmem:s21], [sflag:$0xA], $0x40, s26, s10, $0xb8;
	[tilespmem:$0x1F360] =	vst v63  }
0x92: {  	_ =	swait.ge [sflag:s2], $0x1C00  }
0x93: {  	[sflag:s2] =	ssyncset.done $0x0  }
0x94: {  	p0 =	por p1, p1;
	[sflag:s2] =	ssyncadd.s32 $0xFFFFE400  }
0x95: {  	[tilespmem:s14], [sflag:$0x3] =	stream.indirect.gather [spmem:s3], $0x40, s0, s10, $0xb8;
	[tilespmem:$0x1F360] =	vst v63  }
.LBB2_3:
0x96: {  	_ =	swait.ge [sflag:s31], $0x1C00  }
0x97: {  	s17 =	sshra.s32 s15, $0x2;
	[sflag:s31] =	ssyncset.done $0x0  }
0x98: {  	s18 =	sadd.s32 $0x15E0, s17;
	[sflag:s31] =	ssyncadd.s32 $0xFFFFE400  }
0x99: {  	[spmem:s4] =	stream.indirect.scatter.add.f32 [tilespmem:s11], [sflag:$0x6], $0x40, s18, s10, $0xb8;
	[tilespmem:$0x1F360] =	vst v63  }
0x9a: {  	_ =	swait.ge [sflag:s1], $0x1C00  }
0x9b: {  	[sflag:s1] =	ssyncset.done $0x0  }
0x9c: {  	s26 =	sadd.s32 $0x380, s17;
	[sflag:s1] =	ssyncadd.s32 $0xFFFFE400  }
0x9d: {  	[tilespmem:s16], [sflag:$0x4] =	stream.indirect.gather [spmem:s3], $0x40, s26, s10, $0xb8;
	[tilespmem:$0x1F360] =	vst v63  }
0x9e: {  	_ =	swait.ge [sflag:s7], $0x1C00  }
0x9f: {  	[sflag:s7] =	ssyncset.done $0x0  }
0xa0: {  	s5 =	sadd.s32 $0x1650, s17;
	[sflag:s7] =	ssyncadd.s32 $0xFFFFE400  }
0xa1: {  	[spmem:s4] =	stream.indirect.scatter.add.f32 [tilespmem:s12], [sflag:$0x7], $0x40, s5, s10, $0xb8;
	[tilespmem:$0x1F360] =	vst v63  }
0xa2: {  	_ =	swait.ge [sflag:s13], $0x1C00  }
0xa3: {  	[sflag:s13] =	ssyncset.done $0x0  }
0xa4: {  	s19 =	sadd.s32 $0x3F0, s17;
	[sflag:s13] =	ssyncadd.s32 $0xFFFFE400  }
0xa5: {  	[tilespmem:s21], [sflag:$0x5] =	stream.indirect.gather [spmem:s3], $0x40, s19, s10, $0xb8;
	[tilespmem:$0x1F360] =	vst v63  }
0xa6: {  	_ =	swait.ge [sflag:s22], $0x1C00  }
0xa7: {  	[sflag:s22] =	ssyncset.done $0x0  }
0xa8: {  	s23 =	sadd.s32 $0x16C0, s17;
	[sflag:s22] =	ssyncadd.s32 $0xFFFFE400  }
0xa9: {  	[spmem:s4] =	stream.indirect.scatter.add.f32 [tilespmem:s14], [sflag:$0x8], $0x40, s23, s10, $0xb8;
	[tilespmem:$0x1F360] =	vst v63  }
0xaa: {  	_ =	swait.ge [sflag:s24], $0x1C00  }
0xab: {  	p1 =	seq.s32 s15, $0x3D40;
	[sflag:s24] =	ssyncset.done $0x0  }
0xac: {  	s18 =	simm.s32 @p1 $0x4;
	[sflag:s24] =	ssyncadd.s32 $0xFFFFE400  }
0xad: {  	_ =	swait.ge @p1 [sflag:s18], $0x1C00  }
0xae: {  	[sflag:s18] =	ssyncset.done @p1 $0x0  }
0xaf: {  	[sflag:s18] =	ssyncadd.s32 @p1 $0xFFFFE400;
	s18 =	sshra.s32 @p1 s15, $0x2  }
0xb0: {  	s26 =	simm.s32 @p1 $0x7B60;
	s23 =	simm.s32 @p1 $0x70;
	s18 =	sadd.s32 @p1 $0x1730, s18  }
0xb1: {  	[spmem:s4] =	stream.indirect.scatter.add.f32 @p1 [tilespmem:s26], [sflag:$0x9], $0x40, s18, s23, $0xb8;
	[tilespmem:$0x1F360] =	vst v63  }
0xb2: {  	s18 =	simm.s32 @p1 $0x7  }
0xb3: {  	_ =	swait.ge @p1 [sflag:s18], $0x1C00  }
0xb4: {  	[sflag:s18] =	ssyncset.done @p1 $0x0  }
0xb5: {  	[sflag:s18] =	ssyncadd.s32 @p1 $0xFFFFE400;
	s18 =	sshra.s32 @!p1 s15, $0x2  }
0xb6: {  	s19 =	simm.s32 @!p1 $0x2760;
	s26 =	simm.s32 @!p1 $0x70;
	s23 =	sadd.s32 @!p1 $0x460, s18  }
0xb7: {  	[tilespmem:s19], [sflag:$0x1] =	stream.indirect.gather @!p1 [spmem:s3], $0x40, s23, s26, $0xb8;
	[tilespmem:$0x1F360] =	vst v63  }
0xb8: {  	s19 =	simm.s32 @!p1 $0x4  }
0xb9: {  	_ =	swait.ge @!p1 [sflag:s19], $0x1C00  }
0xba: {  	[sflag:s19] =	ssyncset.done @!p1 $0x0  }
0xbb: {  	s23 =	simm.s32 @!p1 $0x7B60;
	[sflag:s19] =	ssyncadd.s32 @!p1 $0xFFFFE400;
	s19 =	sadd.s32 @!p1 $0x1730, s18  }
0xbc: {  	[spmem:s4] =	stream.indirect.scatter.add.f32 @!p1 [tilespmem:s23], [sflag:$0x9], $0x40, s19, s26, $0xb8;
	[tilespmem:$0x1F360] =	vst v63  }
0xbd: {  	s19 =	simm.s32 @!p1 $0x7  }
0xbe: {  	_ =	swait.ge @!p1 [sflag:s19], $0x1C00  }
0xbf: {  	[sflag:s19] =	ssyncset.done @!p1 $0x0  }
0xc0: {  	s18 =	sadd.s32 @!p1 $0x4D0, s18;
	[sflag:s19] =	ssyncadd.s32 @!p1 $0xFFFFE400;
	s19 =	simm.s32 @!p1 $0x4360  }
0xc1: {  	[tilespmem:s19], [sflag:$0x2] =	stream.indirect.gather @!p1 [spmem:s3], $0x40, s18, s26, $0xb8;
	[tilespmem:$0x1F360] =	vst v63  }
0xc2: {  	_ =	swait.ge [sflag:s25], $0x1C00  }
0xc3: {  	[sflag:s25] =	ssyncset.done $0x0  }
.Ltmp4:
0xc4: {  	s26 =	sadd.s32 $0x17A0, s17;
	[sflag:s25] =	ssyncadd.s32 $0xFFFFE400;
	(pc) =	sbr.rel @p1 .LBB2_5-.Ltmp4, $4  }
0xc5: {  	[spmem:s4] =	stream.indirect.scatter.add.f32 [tilespmem:s21], [sflag:$0xA], $0x40, s26, s10, $0xb8;
	[tilespmem:$0x1F360] =	vst v63  }
0xc6: {  	_ =	swait.ge [sflag:s2], $0x1C00  }
0xc7: {  	[sflag:s2] =	ssyncset.done $0x0  }
0xc8: {  	[sflag:s2] =	ssyncadd.s32 $0xFFFFE400  }
.Ltmp5:
0xc9: {  	(pc) =	sbr.rel .LBB2_3-.Ltmp5, $3  }
0xca: {  	_ =	sdelay $0x1  }
0xcb: {  	s17 =	sadd.s32 $0x540, s17;
	s15 =	sadd.s32 $0x8C0, s15  }
0xcc: {  	[tilespmem:s14], [sflag:$0x3] =	stream.indirect.gather [spmem:s3], $0x40, s17, s10, $0xb8;
	[tilespmem:$0x1F360] =	vst v63  }
.LBB2_6:
0xcd: {  	[bflag:$0x0] =	sbarrier.arrive $0xFFFF  }
0xce: {  	s5 =	rddreg [dreg:$0x18]  }
0xcf: {  	s23 =	rddreg [dreg:$0x15]  }
0xd0: {  	s26 =	rddreg [dreg:$0x9];
	s18 =	sshrl.u32 s23, $0x3  }
0xd1: {  	s17 =	simm.s32 $0x10;
	s15 =	sor.u32 $0x1C0B, s5;
	[smem:$0x7F9] =	sst s18  }
0xd2: {  	[hbm:s26@s17], [sflag:s15] =	dma.strided [spmem:s18@s2], $0x400, s31, $0x8   }
0xd3: {  	_ =	swait.ge [sflag:s8], $0x400  }
0xd4: {  	s19 =	rddreg [dreg:$0x16]  }
0xd5: {  	[sflag:s8] =	ssyncset.done $0x0;
	s26 =	rddreg [dreg:$0xa];
	s23 =	sshrl.u32 s19, $0x3  }
0xd6: {  	[sflag:s8] =	ssyncadd.s32 $0xFFFFFC00;
	[smem:$0x7FA] =	sst s23  }
0xd7: {  	[hbm:s26@s17], [sflag:s15] =	dma.strided [spmem:s23@s2], $0x400, s31, $0x8   }
0xd8: {  	_ =	swait.ge [sflag:s8], $0x400  }
0xd9: {  	s19 =	rddreg [dreg:$0x17]  }
0xda: {  	[sflag:s8] =	ssyncset.done $0x0;
	s26 =	rddreg [dreg:$0xb];
	s23 =	sshrl.u32 s19, $0x3  }
0xdb: {  	[sflag:s8] =	ssyncadd.s32 $0xFFFFFC00;
	[smem:$0x7FB] =	sst s23  }
0xdc: {  	[hbm:s26@s17], [sflag:s15] =	dma.strided [spmem:s23@s2], $0x400, s31, $0x8   }
0xdd: {  	_ =	swait.ge [sflag:s8], $0x400  }
0xde: {  	s19 =	rddreg [dreg:$0x19]  }
0xdf: {  	[sflag:s8] =	ssyncset.done $0x0;
	s26 =	rddreg [dreg:$0xc];
	s23 =	sshrl.u32 s19, $0x3  }
0xe0: {  	[sflag:s8] =	ssyncadd.s32 $0xFFFFFC00;
	[smem:$0x7FC] =	sst s23  }
0xe1: {  	[hbm:s26@s17], [sflag:s15] =	dma.strided [spmem:s23@s2], $0x400, s31, $0x8   }
0xe2: {  	_ =	swait.ge [sflag:s8], $0x400;
	[dreg:$0x1c] =	wrdreg s15  }
0xe3: {  	s19 =	rddreg [dreg:$0x1a]  }
0xe4: {  	[sflag:s8] =	ssyncset.done $0x0;
	s26 =	rddreg [dreg:$0xd];
	s23 =	sshrl.u32 s19, $0x3  }
0xe5: {  	[sflag:s8] =	ssyncadd.s32 $0xFFFFFC00;
	[smem:$0x7FD] =	sst s23  }
0xe6: {  	[hbm:s26@s17], [sflag:s15] =	dma.strided [spmem:s23@s2], $0x400, s31, $0x8   }
0xe7: {  	_ =	swait.ge [sflag:s8], $0x400  }
0xe8: {  	s19 =	rddreg [dreg:$0x13]  }
0xe9: {  	[sflag:s8] =	ssyncset.done $0x0;
	s23 =	rddreg [dreg:$0x1b]  }
0xea: {  	s26 =	rddreg [dreg:$0x1d];
	[sflag:s8] =	ssyncadd.s32 $0xFFFFFC00  }
0xeb: {  	[spmem:s26@s2], [sflag:s23] =	dma.strided [hbm:s19@s17], $0x1400, s31, $0x8   }
0xec: {  	s15 =	rddreg [dreg:$0x1e]  }
0xed: {  	s18 =	rddreg [dreg:$0x1f]  }
0xee: {  	[spmem:s18@s2], [sflag:s15] =	dma.strided [hbm:s19@s17], $0x1400, s31, $0x8   }
0xef: {  	_ =	swait.ge [sflag:s31], $0x1400  }
0xf0: {  	[sflag:s31] =	ssyncset.done $0x0  }
0xf1: {  	[sflag:s31] =	ssyncadd.s32 $0xFFFFEC00  }
.Ltmp6:
0xf2: {  	_ =	swait.ge [sflag:s7], $0x1400;
	(pc) =	sbr.rel .LBB2_7-.Ltmp6, $4  }
0xf3: {  	[sflag:s7] =	ssyncset.done $0x0  }
0xf4: {  	[sflag:s7] =	ssyncadd.s32 $0xFFFFEC00  }
0xf5: {  	[bflag:$0x0] =	sbarrier.arrive $0xFFFF  }
0xf6: {  	p1 =	por $0x1, $0x1;
	s15 =	simm.s32 $0x0;
	s17 =	simm.s32 $0x0  }
.LBB2_10:
0xf7: {  	_ =	swait.ge [sflag:s1], $0x1C00  }
.Ltmp7:
0xf8: {  	[sflag:s1] =	ssyncset.done $0x0;
	(pc) =	sbr.rel @!p0 .LBB2_11-.Ltmp7, $4  }
0xf9: {  	[sflag:s1] =	ssyncadd.s32 $0xFFFFE400  }
0xfa: {  	_ =	swait.ge [sflag:s13], $0x1C00  }
0xfb: {  	s17 =	simm.s32 $0x2D;
	[sflag:s13] =	ssyncset.done $0x0  }
0xfc: {  	p1 =	por $0x0, $0x0;
	s29 =	smov.u32 s5;
	[sflag:s13] =	ssyncadd.s32 $0xFFFFE400  }
.LBB2_7:
0xfd: {  	s17 =	sadd.s32 s30, s17  }
0xfe: {  	s17 =	smul.u32 $0xE, s17;
	_ =	sdelay $0x1  }
0xff: {  	s18 =	sadd.s32 s6, s17  }
0x100: {  	[tilespmem:s15], [sflag:$0xB] =	stream.linear.gather [hbm4b:s18+s15], $0x13B0, $0x38;
	[tilespmem:$0x1F360] =	vst v63  }
0x101: {  	_ =	swait.ge [sflag:s8], $0x13B0  }
0x102: {  	[sflag:s8] =	ssyncset.done $0x0  }
0x103: {  	s17 =	sadd.s32 s29, s17;
	[sflag:s8] =	ssyncadd.s32 $0xFFFFEC50  }
0x104: {  	[tilespmem:s9], [sflag:$0xB] =	stream.linear.gather [hbm4b:s17+s15], $0x13B0, $0x38;
	[tilespmem:$0x1F360] =	vst v63  }
0x105: {  	_ =	swait.ge [sflag:s8], $0x13B0  }
0x106: {  	[sflag:s8] =	ssyncset.done $0x0  }
0x107: {  	[sflag:s8] =	ssyncadd.s32 $0xFFFFEC50  }
0x108: {  	[tilespmem:s11], [sflag:$0x1] =	stream.indirect.gather [spmem:s3], $0x40, s15, s10, $0xb8;
	[tilespmem:$0x1F360] =	vst v63  }
0x109: {  	_ = 	snop  }
0x10a: {  	[tilespmem:s12], [sflag:$0x2] =	stream.indirect.gather [spmem:s3], $0x40, s10, s10, $0xb8;
	[tilespmem:$0x1F360] =	vst v63  }
0x10b: {  	s19 =	simm.s32 $0xE0  }
0x10c: {  	[tilespmem:s14], [sflag:$0x3] =	stream.indirect.gather [spmem:s3], $0x40, s19, s10, $0xb8;
	[tilespmem:$0x1F360] =	vst v63  }
0x10d: {  	_ =	swait.ge [sflag:s31], $0x1C00  }
0x10e: {  	[sflag:s31] =	ssyncset.done $0x0  }
0x10f: {  	[sflag:s31] =	ssyncadd.s32 $0xFFFFE400  }
0x110: {  	[spmem:s4] =	stream.indirect.scatter.add.f32 [tilespmem:s11], [sflag:$0x6], $0x40, s9, s10, $0xb8;
	[tilespmem:$0x1F360] =	vst v63  }
0x111: {  	s23 =	simm.s32 $0x150  }
0x112: {  	[tilespmem:s16], [sflag:$0x4] =	stream.indirect.gather [spmem:s3], $0x40, s23, s10, $0xb8;
	[tilespmem:$0x1F360] =	vst v63  }
0x113: {  	_ =	swait.ge [sflag:s7], $0x1C00  }
0x114: {  	[sflag:s7] =	ssyncset.done $0x0  }
0x115: {  	s26 =	simm.s32 $0x1420;
	[sflag:s7] =	ssyncadd.s32 $0xFFFFE400  }
0x116: {  	[spmem:s4] =	stream.indirect.scatter.add.f32 [tilespmem:s12], [sflag:$0x7], $0x40, s26, s10, $0xb8;
	[tilespmem:$0x1F360] =	vst v63  }
0x117: {  	s5 =	smov.u32 s29;
	s29 =	simm.s32 $0x1C0  }
0x118: {  	[tilespmem:s21], [sflag:$0x5] =	stream.indirect.gather [spmem:s3], $0x40, s29, s10, $0xb8;
	[tilespmem:$0x1F360] =	vst v63  }
0x119: {  	_ =	swait.ge [sflag:s22], $0x1C00  }
0x11a: {  	[sflag:s22] =	ssyncset.done $0x0  }
0x11b: {  	s18 =	simm.s32 $0x1490;
	[sflag:s22] =	ssyncadd.s32 $0xFFFFE400  }
0x11c: {  	[spmem:s4] =	stream.indirect.scatter.add.f32 [tilespmem:s14], [sflag:$0x8], $0x40, s18, s10, $0xb8;
	[tilespmem:$0x1F360] =	vst v63  }
0x11d: {  	_ =	swait.ge [sflag:s24], $0x1C00  }
0x11e: {  	[sflag:s24] =	ssyncset.done $0x0  }
0x11f: {  	s19 =	simm.s32 $0x230;
	[sflag:s24] =	ssyncadd.s32 $0xFFFFE400  }
0x120: {  	[tilespmem:s11], [sflag:$0x1] =	stream.indirect.gather [spmem:s3], $0x40, s19, s10, $0xb8;
	[tilespmem:$0x1F360] =	vst v63  }
0x121: {  	_ =	swait.ge [sflag:s28], $0x1C00  }
0x122: {  	[sflag:s28] =	ssyncset.done $0x0  }
0x123: {  	s23 =	simm.s32 $0x1500;
	[sflag:s28] =	ssyncadd.s32 $0xFFFFE400  }
0x124: {  	[spmem:s4] =	stream.indirect.scatter.add.f32 [tilespmem:s16], [sflag:$0x9], $0x40, s23, s10, $0xb8;
	[tilespmem:$0x1F360] =	vst v63  }
0x125: {  	_ =	swait.ge [sflag:s20], $0x1C00  }
0x126: {  	[sflag:s20] =	ssyncset.done $0x0  }
0x127: {  	s26 =	simm.s32 $0x2A0;
	[sflag:s20] =	ssyncadd.s32 $0xFFFFE400  }
0x128: {  	[tilespmem:s12], [sflag:$0x2] =	stream.indirect.gather [spmem:s3], $0x40, s26, s10, $0xb8;
	[tilespmem:$0x1F360] =	vst v63  }
0x129: {  	_ =	swait.ge [sflag:s25], $0x1C00  }
0x12a: {  	[sflag:s25] =	ssyncset.done $0x0  }
0x12b: {  	s29 =	simm.s32 $0x1570;
	[sflag:s25] =	ssyncadd.s32 $0xFFFFE400  }
0x12c: {  	[spmem:s4] =	stream.indirect.scatter.add.f32 [tilespmem:s21], [sflag:$0xA], $0x40, s29, s10, $0xb8;
	[tilespmem:$0x1F360] =	vst v63  }
0x12d: {  	_ =	swait.ge [sflag:s2], $0x1C00  }
0x12e: {  	[sflag:s2] =	ssyncset.done $0x0  }
0x12f: {  	p0 =	por p1, p1;
	s17 =	simm.s32 $0x0;
	[sflag:s2] =	ssyncadd.s32 $0xFFFFE400  }
0x130: {  	[tilespmem:s14], [sflag:$0x3] =	stream.indirect.gather [spmem:s3], $0x40, s0, s10, $0xb8;
	[tilespmem:$0x1F360] =	vst v63  }
.LBB2_8:
0x131: {  	_ =	swait.ge [sflag:s31], $0x1C00  }
0x132: {  	s18 =	sshra.s32 s17, $0x2;
	[sflag:s31] =	ssyncset.done $0x0  }
0x133: {  	s19 =	sadd.s32 $0x15E0, s18;
	[sflag:s31] =	ssyncadd.s32 $0xFFFFE400  }
0x134: {  	[spmem:s4] =	stream.indirect.scatter.add.f32 [tilespmem:s11], [sflag:$0x6], $0x40, s19, s10, $0xb8;
	[tilespmem:$0x1F360] =	vst v63  }
0x135: {  	_ =	swait.ge [sflag:s1], $0x1C00  }
0x136: {  	[sflag:s1] =	ssyncset.done $0x0  }
0x137: {  	s26 =	sadd.s32 $0x380, s18;
	[sflag:s1] =	ssyncadd.s32 $0xFFFFE400  }
0x138: {  	[tilespmem:s16], [sflag:$0x4] =	stream.indirect.gather [spmem:s3], $0x40, s26, s10, $0xb8;
	[tilespmem:$0x1F360] =	vst v63  }
0x139: {  	_ =	swait.ge [sflag:s7], $0x1C00  }
0x13a: {  	[sflag:s7] =	ssyncset.done $0x0  }
0x13b: {  	s29 =	sadd.s32 $0x1650, s18;
	[sflag:s7] =	ssyncadd.s32 $0xFFFFE400  }
0x13c: {  	[spmem:s4] =	stream.indirect.scatter.add.f32 [tilespmem:s12], [sflag:$0x7], $0x40, s29, s10, $0xb8;
	[tilespmem:$0x1F360] =	vst v63  }
0x13d: {  	_ =	swait.ge [sflag:s13], $0x1C00  }
0x13e: {  	[sflag:s13] =	ssyncset.done $0x0  }
0x13f: {  	s23 =	sadd.s32 $0x3F0, s18;
	[sflag:s13] =	ssyncadd.s32 $0xFFFFE400  }
0x140: {  	[tilespmem:s21], [sflag:$0x5] =	stream.indirect.gather [spmem:s3], $0x40, s23, s10, $0xb8;
	[tilespmem:$0x1F360] =	vst v63  }
0x141: {  	_ =	swait.ge [sflag:s22], $0x1C00  }
0x142: {  	[sflag:s22] =	ssyncset.done $0x0  }
0x143: {  	s26 =	sadd.s32 $0x16C0, s18;
	[sflag:s22] =	ssyncadd.s32 $0xFFFFE400  }
0x144: {  	[spmem:s4] =	stream.indirect.scatter.add.f32 [tilespmem:s14], [sflag:$0x8], $0x40, s26, s10, $0xb8;
	[tilespmem:$0x1F360] =	vst v63  }
0x145: {  	_ =	swait.ge [sflag:s24], $0x1C00  }
0x146: {  	p1 =	seq.s32 s17, $0x3D40;
	[sflag:s24] =	ssyncset.done $0x0  }
0x147: {  	s19 =	simm.s32 @p1 $0x4;
	[sflag:s24] =	ssyncadd.s32 $0xFFFFE400  }
0x148: {  	_ =	swait.ge @p1 [sflag:s19], $0x1C00  }
0x149: {  	[sflag:s19] =	ssyncset.done @p1 $0x0  }
0x14a: {  	[sflag:s19] =	ssyncadd.s32 @p1 $0xFFFFE400;
	s19 =	sshra.s32 @p1 s17, $0x2  }
0x14b: {  	s23 =	simm.s32 @p1 $0x70;
	s26 =	simm.s32 @p1 $0x7B60;
	s19 =	sadd.s32 @p1 $0x1730, s19  }
0x14c: {  	[spmem:s4] =	stream.indirect.scatter.add.f32 @p1 [tilespmem:s26], [sflag:$0x9], $0x40, s19, s23, $0xb8;
	[tilespmem:$0x1F360] =	vst v63  }
0x14d: {  	s19 =	simm.s32 @p1 $0x7  }
0x14e: {  	_ =	swait.ge @p1 [sflag:s19], $0x1C00  }
0x14f: {  	[sflag:s19] =	ssyncset.done @p1 $0x0  }
0x150: {  	[sflag:s19] =	ssyncadd.s32 @p1 $0xFFFFE400;
	s19 =	sshra.s32 @!p1 s17, $0x2  }
0x151: {  	s29 =	simm.s32 @!p1 $0x2760;
	s26 =	simm.s32 @!p1 $0x70;
	s23 =	sadd.s32 @!p1 $0x460, s19  }
0x152: {  	[tilespmem:s29], [sflag:$0x1] =	stream.indirect.gather @!p1 [spmem:s3], $0x40, s23, s26, $0xb8;
	[tilespmem:$0x1F360] =	vst v63  }
0x153: {  	s23 =	simm.s32 @!p1 $0x4  }
0x154: {  	_ =	swait.ge @!p1 [sflag:s23], $0x1C00  }
0x155: {  	[sflag:s23] =	ssyncset.done @!p1 $0x0  }
0x156: {  	s29 =	simm.s32 @!p1 $0x7B60;
	[sflag:s23] =	ssyncadd.s32 @!p1 $0xFFFFE400;
	s23 =	sadd.s32 @!p1 $0x1730, s19  }
0x157: {  	[spmem:s4] =	stream.indirect.scatter.add.f32 @!p1 [tilespmem:s29], [sflag:$0x9], $0x40, s23, s26, $0xb8;
	[tilespmem:$0x1F360] =	vst v63  }
0x158: {  	s23 =	simm.s32 @!p1 $0x7  }
0x159: {  	_ =	swait.ge @!p1 [sflag:s23], $0x1C00  }
0x15a: {  	[sflag:s23] =	ssyncset.done @!p1 $0x0  }
0x15b: {  	s19 =	sadd.s32 @!p1 $0x4D0, s19;
	[sflag:s23] =	ssyncadd.s32 @!p1 $0xFFFFE400;
	s23 =	simm.s32 @!p1 $0x4360  }
0x15c: {  	[tilespmem:s23], [sflag:$0x2] =	stream.indirect.gather @!p1 [spmem:s3], $0x40, s19, s26, $0xb8;
	[tilespmem:$0x1F360] =	vst v63  }
0x15d: {  	_ =	swait.ge [sflag:s25], $0x1C00  }
0x15e: {  	[sflag:s25] =	ssyncset.done $0x0  }
.Ltmp8:
0x15f: {  	s29 =	sadd.s32 $0x17A0, s18;
	[sflag:s25] =	ssyncadd.s32 $0xFFFFE400;
	(pc) =	sbr.rel @p1 .LBB2_10-.Ltmp8, $4  }
0x160: {  	[spmem:s4] =	stream.indirect.scatter.add.f32 [tilespmem:s21], [sflag:$0xA], $0x40, s29, s10, $0xb8;
	[tilespmem:$0x1F360] =	vst v63  }
0x161: {  	_ =	swait.ge [sflag:s2], $0x1C00  }
0x162: {  	[sflag:s2] =	ssyncset.done $0x0  }
0x163: {  	[sflag:s2] =	ssyncadd.s32 $0xFFFFE400  }
.Ltmp9:
0x164: {  	(pc) =	sbr.rel .LBB2_8-.Ltmp9, $3  }
0x165: {  	_ =	sdelay $0x1  }
0x166: {  	s18 =	sadd.s32 $0x540, s18;
	s17 =	sadd.s32 $0x8C0, s17  }
0x167: {  	[tilespmem:s14], [sflag:$0x3] =	stream.indirect.gather [spmem:s3], $0x40, s18, s10, $0xb8;
	[tilespmem:$0x1F360] =	vst v63  }
.LBB2_12:
0x168: {  	_ =	sfence.sel $0x180000  }
0x169: {  	[bflag:$0x0] =	sbarrier.arrive $0xFFFF  }
0x16a: {  	_ =	strace $0x9000004D  }
0x16b: {  	s0 =	stileid.u32;
	[bflag:$0x2] =	sbarrier.arrive $0xFFFF  }
0x16c: {  	p0 =	sne.s32 s0, $0x0;
	s0 =	rddreg [dreg:$0x4]  }
0x16d: {  	s0 =	sadd.s32 @!p0 $0x100000, s0  }
0x16e: {  	[sflag:s0] =	ssyncadd.tile.s32 @!p0 $0x1;
	_ =	shalt  }
.Lfunc_end2:
_tile_overlayer_lowered:
.L_overlay_start_2:
0x16f: {  	(tag) =	ssettag $0x2  }
0x170: {  	s0 =	rddreg [dreg:$0x0];
	s2 =	stileid.u32  }
0x171: {  	s1 =	rddreg [dreg:$0x1];
	p0 =	sne.s32 s2, $0x0  }
0x172: {  	s3 =	rddreg [dreg:$0x2];
	[bflag:$0x3] =	sbarrier.arrive $0xFFFF;
	s2 =	simm.s32 @!p0 $0x1C0B  }
0x173: {  	[timem:s3], [sflag:s2] =	dma.local @!p0 [hbm:s0], s1  }
0x174: {  	s0 =	simm.s32 @!p0 $0xB  }
0x175: {  	_ =	swait.ge @!p0 [sflag:s0], s1  }
0x176: {  	s1 =	ssub.s32 @!p0 $0x0, s1;
	[sflag:s0] =	ssyncset.done @!p0 $0x0  }
0x177: {  	[sflag:s0] =	ssyncadd.s32 @!p0 s1  }
0x178: {  	[bflag:$0x3] =	sbarrier.arrive $0xFFFF  }
0x179: {  	_ =	shalt  }

// kernel: kernel.8.cloned.1.call-start
scs
__scs_entry_jumppad:
0x0: {  	(pc) =	sbr.rel $0x88, $3  }
0x1: {  	(tag) =	ssettag $0x0;
	lr =	simm.s32 $0x1  }
0x2: {  	[smem:$0x3F99] =	sst lr;
	_ =	strace $0xD0000000  }
0x3: {  	_ = 	snop  }
0x4: {  	_ = 	snop  }
0x5: {  	_ = 	snop  }
0x6: {  	_ = 	snop  }
0x7: {  	_ = 	snop  }
__scs_overlays_trampoline_lowered:
0x8: {  	[smem:$0x3FA8] =	sst s0  }
0x9: {  	[smem:$0x3FA9] =	sst s1  }
0xa: {  	[smem:$0x3FAA] =	sst s2  }
0xb: {  	[smem:$0x3FAB] =	sst s3  }
0xc: {  	[smem:$0x3FAC] =	sst s4  }
0xd: {  	[smem:$0x3FAD] =	sst s5  }
0xe: {  	[smem:$0x3FAE] =	sst s6  }
0xf: {  	[smem:$0x3FAF] =	sst s7  }
0x10: {  	[smem:$0x3FB0] =	sst s8  }
0x11: {  	[smem:$0x3FB1] =	sst s9;
	s0 =	simm.s32 @!p0 $0x0  }
0x12: {  	s1 =	sld [smem:$0x3F97];
	s0 =	simm.s32 @p0 $0x1  }
0x13: {  	[smem:$0x3FB2] =	sst s0;
	s0 =	simm.s32 @!p1 $0x0  }
0x14: {  	s2 =	sld [smem:$0x3F96];
	s0 =	simm.s32 @p1 $0x1  }
0x15: {  	[smem:$0x3FB3] =	sst s0;
	s0 =	simm.s32 @!p2 $0x0  }
0x16: {  	s3 =	sld [smem:$0x3FDB];
	s0 =	simm.s32 @p2 $0x1  }
0x17: {  	s4 =	simm.s32 $0x1BF5;
	[smem:$0x3FB5] =	sst s0  }
0x18: {  	s0 =	sld [smem:$0x3F98];
	_ =	swait.ge [sflag:s4], $0x0  }
0x19: {  	s7 =	sld [smem:$0x3F99]  }
0x1a: {  	s8 =	sadd.s32 $0xFFFFE003, lr  }
0x1b: {  	s9 =	sadd.s32 $0xFFFFFEF7, lr;
	s5 =	simm.s32 $0xFFFFFFFF;
	p2 =	slt.u32 s8, $0xFFFFF086  }
0x1c: {  	p1 =	slt.u32 s9, $0xF7A;
	s5 =	simm.s32 @!p2 $0x0  }
0x1d: {  	s5 =	simm.s32 @p1 $0x1;
	p0 =	seq.s32 s7, s2  }
0x1e: {  	s7 =	smul.u32 @!p0 $0xF7A, s2;
	p2 =	seq.s32 @!p0 s5, $0x0  }
0x1f: {  	s9 =	smul.u32 $0xF7A, s1;
	s8 =	simm.s32 @!p0 $0x1BF5;
	p2 =	por !p2, p0  }
0x20: {  	[sflag:s8] =	ssyncset.s32 @!p0 $0xFFFFF086;
	s6 =	sadd.s32 @!p0 s3, s7;
	s7 =	simm.s32 @!p0 $0x108  }
0x21: {  	s3 =	sadd.s32 s3, s9;
	s6 =	sadd.s32 @!p0 $0x88, s6;
	s7 =	simm.s32 @p2 $0x1082  }
0x22: {  	[simem:s7], [sflag:s8] =	dma.local @!p0 [hbm:s6], $0xF7A  }
0x23: {  	s9 =	sor.u32 $0xD0000000, s2;
	s6 =	simm.s32 $0x108;
	_ =	swait.ge @!p0 [sflag:s8], $0x0  }
0x24: {  	s3 =	sadd.s32 $0x88, s3;
	s6 =	simm.s32 @!p1 $0x1082;
	[sflag:s4] =	ssyncset.s32 $0xFFFFF086  }
0x25: {  	[simem:s6], [sflag:s4] =	dma.local [hbm:s3], $0xF7A  }
0x26: {  	[smem:$0x3F99] =	sst s1;
	(tag) =	ssettag s2;
	_ =	strace s9  }
0x27: {  	s1 =	sld [smem:$0x3FA9]  }
0x28: {  	s2 =	sld [smem:$0x3FAA]  }
0x29: {  	s4 =	sld [smem:$0x3FAC]  }
0x2a: {  	p0 =	seq.s32 s5, $0x0;
	s5 =	sld [smem:$0x3FAD]  }
0x2b: {  	s6 =	sld [smem:$0x3FAE]  }
0x2c: {  	s7 =	sld [smem:$0x3FAF]  }
0x2d: {  	s3 =	simm.s32 $0x108;
	s8 =	sld [smem:$0x3FB0]  }
0x2e: {  	s3 =	simm.s32 @!p0 $0x1082;
	s9 =	sld [smem:$0x3FB1]  }
0x2f: {  	lr =	sadd.s32 s0, s3;
	s0 =	sld [smem:$0x3FA8]  }
0x30: {  	s3 =	sld [smem:$0x3FAB]  }
0x31: {  	[smem:$0x3FB4] =	sst s10  }
0x32: {  	s10 =	sld [smem:$0x3FB2];
	_ =	sdelay $0x3  }
0x33: {  	p0 =	seq.s32 s10, $0x1;
	s10 =	sld [smem:$0x3FB4];
	_ =	sdelay $0x3  }
0x34: {  	[smem:$0x3FB4] =	sst s10  }
0x35: {  	s10 =	sld [smem:$0x3FB3];
	_ =	sdelay $0x3  }
0x36: {  	p1 =	seq.s32 s10, $0x1;
	s10 =	sld [smem:$0x3FB4];
	_ =	sdelay $0x3  }
0x37: {  	[smem:$0x3FB4] =	sst s10  }
0x38: {  	s10 =	sld [smem:$0x3FB5]  }
0x39: {  	_ = 	snop;
	(pc) =	sbr.ind lr, $3  }
0x3a: {  	_ = 	snop  }
0x3b: {  	_ = 	snop  }
0x3c: {  	p2 =	seq.s32 s10, $0x1;
	s10 =	sld [smem:$0x3FB4]  }
0x3d: {  	_ =	shalt  }
0x3e: {  	_ =	shalt  }
0x3f: {  	_ =	shalt  }
0x40: {  	_ =	shalt  }
0x41: {  	_ =	shalt  }
0x42: {  	_ =	shalt  }
0x43: {  	_ =	shalt  }
0x44: {  	_ =	shalt  }
0x45: {  	_ =	shalt  }
0x46: {  	_ =	shalt  }
0x47: {  	_ =	shalt  }
0x48: {  	_ =	shalt  }
0x49: {  	_ =	shalt  }
0x4a: {  	_ =	shalt  }
0x4b: {  	_ =	shalt  }
0x4c: {  	_ =	shalt  }
0x4d: {  	_ =	shalt  }
0x4e: {  	_ =	shalt  }
0x4f: {  	_ =	shalt  }
0x50: {  	_ =	shalt  }
0x51: {  	_ =	shalt  }
0x52: {  	_ =	shalt  }
0x53: {  	_ =	shalt  }
0x54: {  	_ =	shalt  }
0x55: {  	_ =	shalt  }
0x56: {  	_ =	shalt  }
0x57: {  	_ =	shalt  }
0x58: {  	_ =	shalt  }
0x59: {  	_ =	shalt  }
0x5a: {  	_ =	shalt  }
0x5b: {  	_ =	shalt  }
0x5c: {  	_ =	shalt  }
0x5d: {  	_ =	shalt  }
0x5e: {  	_ =	shalt  }
0x5f: {  	_ =	shalt  }
0x60: {  	_ =	shalt  }
0x61: {  	_ =	shalt  }
0x62: {  	_ =	shalt  }
0x63: {  	_ =	shalt  }
0x64: {  	_ =	shalt  }
0x65: {  	_ =	shalt  }
0x66: {  	_ =	shalt  }
0x67: {  	_ =	shalt  }
0x68: {  	_ =	shalt  }
0x69: {  	_ =	shalt  }
0x6a: {  	_ =	shalt  }
0x6b: {  	_ =	shalt  }
0x6c: {  	_ =	shalt  }
0x6d: {  	_ =	shalt  }
0x6e: {  	_ =	shalt  }
0x6f: {  	_ =	shalt  }
0x70: {  	_ =	shalt  }
0x71: {  	_ =	shalt  }
0x72: {  	_ =	shalt  }
0x73: {  	_ =	shalt  }
0x74: {  	_ =	shalt  }
0x75: {  	_ =	shalt  }
0x76: {  	_ =	shalt  }
0x77: {  	_ =	shalt  }
0x78: {  	_ =	shalt  }
0x79: {  	_ =	shalt  }
0x7a: {  	_ =	shalt  }
0x7b: {  	_ =	shalt  }
0x7c: {  	_ =	shalt  }
0x7d: {  	_ =	shalt  }
0x7e: {  	_ =	shalt  }
0x7f: {  	_ =	shalt  }
0x80: {  	_ =	shalt  }
0x81: {  	_ =	shalt  }
0x82: {  	_ =	shalt  }
0x83: {  	_ =	shalt  }
0x84: {  	_ =	shalt  }
0x85: {  	_ =	shalt  }
0x86: {  	_ =	shalt  }
0x87: {  	_ =	shalt  }
.Lfunc_end0:
.L_simem_size_0:
called_computation_lowered:
.L_overlay_start_0:
0x88: {  	s2 =	sld [smem:$0x3FD9]  }
0x89: {  	s3 =	sld [smem:$0x3FFE];
	_ =	sdelay $0x1  }
0x8a: {  	s1 =	srdreg.scid  }
0x8b: {  	s0 =	sand.u32 $0x1, s1  }
0x8c: {  	s14 =	sshll.u32 s0, $0xA;
	s2 =	sadd.s32 s3, s2  }
0x8d: {  	s2 =	sadd.s32 s2, s14  }
0x8e: {  	[smem:$0x3FC0] =	sst s2  }
0x8f: {  	_ = 	snop  }
0x90: {  	s2 =	sld [smem:$0x3FD0];
	_ =	sdelay $0x2  }
0x91: {  	s15 =	simm.s32 $0xA;
	s4 =	simm.s32 $0x10  }
0x92: {  	[smem:s4], [sflag:s15] =	dma.local [hbm:s2], $0x1  }
0x93: {  	_ =	swait.eq [sflag:s15], $0x1  }
0x94: {  	[sflag:s15] =	ssyncset.done $0x0  }
0x95: {  	[sflag:s15] =	ssyncadd.s32 $0xFFFFFFFF  }
0x96: {  	s16 =	sld [smem:$0x10];
	(tm) =	ssettm $0x1  }
0x97: {  	s17 =	sld [smem:$0x3FFB];
	_ =	sdelay $0x3  }
0x98: {  	_ =	strace s17  }
0x99: {  	s3 =	sld [smem:$0x3FFC];
	_ =	sdelay $0x3  }
0x9a: {  	_ =	strace s3  }
0x9b: {  	s3 =	sld [smem:$0x3FFD];
	_ =	sdelay $0x3  }
0x9c: {  	_ =	strace s3  }
0x9d: {  	_ =	strace $0x8FFFFFFF  }
0x9e: {  	s18 =	sld [smem:$0x3FDB];
	_ =	sdelay $0x1  }
0x9f: {  	s19 =	simm.s32 $_scs_section_size  }
0xa0: {  	s5 =	simm.s32 $_size__tile_overlayer_lowered;
	s6 =	simm.s32 $_tile_overlayer_lowered  }
0xa1: {  	s22 =	simm.s32 $0x1BFF;
	s21 =	sshll.u32 s6, $0x1;
	s3 =	sadd.s32 s19, s18  }
0xa2: {  	s7 =	simm.s32 $0x0;
	s20 =	sshll.u32 s5, $0x1;
	s5 =	sadd.s32 s21, s3  }
0xa3: {  	[timem:s7], [sflag:s22] =	dma.local [hbm:s5], s20  }
0xa4: {  	_ =	swait.ge [sflag:s22], s20  }
0xa5: {  	s4 =	ssub.s32 $0x0, s20;
	[sflag:s22] =	ssyncset.done $0x0  }
0xa6: {  	[sflag:s22] =	ssyncadd.s32 s4;
	_ =	sdelay $0x1  }
0xa7: {  	s23 =	simm.s32 $0x1B8B  }
0xa8: {  	_ =	swait.ge [sflag:s23], $0x1  }
0xa9: {  	[sflag:s23] =	ssyncset.done $0x0  }
0xaa: {  	s25 =	simm.s32 $0x1B8E;
	s24 =	sld [smem:$0x3FFE];
	[sflag:s23] =	ssyncadd.s32 $0xFFFFFFFF  }
0xab: {  	s26 =	simm.s32 $execute0_lowered;
	[smem:$0x3FD2] =	sst s25  }
0xac: {  	s5 =	sshll.u32 s26, $0x1;
	_ =	strace $0x80000046;
	[dreg:$0x1] =	wrdreg $0xFFFFFFFF  }
0xad: {  	s28 =	simm.s32 $_size_execute0_lowered;
	s3 =	sadd.s32 s3, s5;
	[dreg:$0x0] =	wrdreg $0x0  }
0xae: {  	s5 =	sshll.u32 s28, $0x1;
	[dreg:$0x2] =	wrdreg s3  }
0xaf: {  	[dreg:$0x3] =	wrdreg s5  }
0xb0: {  	[dreg:$0x4] =	wrdreg $0xC0  }
0xb1: {  	_ =	task [dreg:s7], $0x5FFFF  }
0xb2: {  	[dreg:$0x1] =	wrdreg $0xFFFFFFFF  }
0xb3: {  	[dreg:$0x0] =	wrdreg $0x60  }
0xb4: {  	[dreg:$0x2] =	wrdreg s16  }
0xb5: {  	[dreg:$0x3] =	wrdreg s24  }
0xb6: {  	[dreg:$0x4] =	wrdreg $0x16A00  }
0xb7: {  	[dreg:$0x5] =	wrdreg $0x9  }
0xb8: {  	_ =	task.clear_ibuf [dreg:s7], $0x6FFFF;
	_ =	strace $0x90000046  }
0xb9: {  	s29 =	simm.s32 $0x9;
	_ =	strace $0x80000048  }
0xba: {  	_ =	swait.ge [sflag:s29], $0x1  }
0xbb: {  	[sflag:s29] =	ssyncadd.s32 $0xFFFFFFFF  }
0xbc: {  	_ =	strace $0x90000048  }
0xbd: {  	_ =	sfence  }
0xbe: {  	s30 =	sld [smem:$0x0];
	_ =	sdelay $0x2  }
0xbf: {  	s31 =	sshll.u32 s1, $0xD;
	s1 =	sshrl.u32 s1, $0x2  }
0xc0: {  	s3 =	sand.u32 $0x4000, s31;
	s1 =	sadd.s32 s1, s30  }
0xc1: {  	s0 =	sor.u32 s3, s0;
	s1 =	sshll.u32 s1, $0x11  }
0xc2: {  	s0 =	sor.u32 s1, s0  }
0xc3: {  	s0 =	sadd.s32 $0x8F2B, s0  }
0xc4: {  	[sflag:s0] =	ssyncadd.remote.s32 $0x1  }
0xc5: {  	_ =	sfence.sel $0xFFFF  }
0xc6: {  	[dreg:$0x0] =	wrdreg $0xFFFFFFFF;
	(pc) =	sbr.abs _section_cstart, $3  }
0xc7: {  	[dreg:$0x1] =	wrdreg $0xFFFFFFFF  }
0xc8: {  	_ =	task.clear_ibuf [dreg:s7], $0x2FFFF;
	_ =	strace $0x9FFFFFFF  }
0xc9: {  	(tm) =	ssettm $0x7FFFFFFF  }
tec
execute0_lowered:
.L_overlay_start_1:
0x0: {  	(tag) =	ssettag $0x1  }
0x1: {  	s5 =	rddreg [dreg:$0x0]  }
0x2: {  	s4 =	rddreg [dreg:$0x1];
	s1 =	srdreg.scid  }
0x3: {  	s0 =	stileid.u32;
	s2 =	rddreg [dreg:$0x2];
	s3 =	simm.s32 $0x0  }
0x4: {  	s11 =	simm.s32 $0x13B0;
	s6 =	sand.u32 $0x1, s1;
	s1 =	rddreg [dreg:$0x3]  }
0x5: {  	s14 =	simm.s32 $0x0;
	s7 =	smul.u32 $0x280, s0;
	[smem:$0x7FF] =	sst s3  }
0x6: {  	s12 =	sshll.u32 s0, $0x6;
	s8 =	smul.u32 $0x2800, s6;
	s9 =	sshll.u32 s6, $0x4  }
0x7: {  	s6 =	ssub.s32 $0x2, s6;
	_ =	strace $0x80000047;
	s9 =	sor.u32 s0, s9  }
0x8: {  	s10 =	sshrl.u32 s6, $0x1;
	s8 =	sadd.s32 s7, s8;
	s9 =	smul.u32 $0x276, s9  }
0x9: {  	s12 =	sor.u32 $0x1C01, s12;
	s10 =	ssub.s32 s6, s10;
	s8 =	sshrl.u32 s8, $0x3  }
0xa: {  	s8 =	sadd.s32 s8, s4;
	s4 =	sadd.s32 s7, s2;
	s5 =	sadd.s32 s5, s9  }
0xb: {  	s7 =	smax.u32 s10, $0x1;
	s9 =	simm.s32 $0x1;
	s10 =	simm.s32 $0x70  }
0xc: {  	v0 =	vimm.f32 $1.000000000e+00;
	v1 =	vimm.f32 $0.0e+00;
	s6 =	sadd.s32 $0x1800, s8;
	s8 =	simm.s32 $0x1420;
	s13 =	sshrl.u32 s4, $0x3  }
.LBB2_1:
0xd: {  	[tilespmem:$0x13B0] =	vst v0  }
0xe: {  	[tilespmem:$0x13C0] =	vst v0  }
0xf: {  	[tilespmem:$0x13D0] =	vst v0  }
0x10: {  	[tilespmem:$0x13E0] =	vst v0  }
0x11: {  	[tilespmem:$0x13F0] =	vst v0  }
0x12: {  	[tilespmem:$0x1400] =	vst v0  }
0x13: {  	[tilespmem:$0x1410] =	vst v0  }
0x14: {  	[tilespmem:$0x1420] =	vst v1  }
0x15: {  	[tilespmem:$0x1430] =	vst v1  }
0x16: {  	[tilespmem:$0x1440] =	vst v1  }
0x17: {  	[tilespmem:$0x1450] =	vst v1  }
0x18: {  	[tilespmem:$0x1460] =	vst v1  }
0x19: {  	[tilespmem:$0x1470] =	vst v1  }
0x1a: {  	[tilespmem:$0x1480] =	vst v1  }
0x1b: {  	[tilespmem:$0x1490] =	vst v1  }
0x1c: {  	[tilespmem:$0x14A0] =	vst v1  }
0x1d: {  	[tilespmem:$0x14B0] =	vst v1  }
0x1e: {  	[tilespmem:$0x14C0] =	vst v1  }
0x1f: {  	[tilespmem:$0x14D0] =	vst v1  }
0x20: {  	[tilespmem:$0x14E0] =	vst v1  }
0x21: {  	[tilespmem:$0x14F0] =	vst v1  }
0x22: {  	[tilespmem:$0x1500] =	vst v1  }
0x23: {  	[tilespmem:$0x1510] =	vst v1  }
0x24: {  	[tilespmem:$0x1520] =	vst v1  }
0x25: {  	[tilespmem:$0x1530] =	vst v1  }
0x26: {  	[tilespmem:$0x1540] =	vst v1  }
0x27: {  	[tilespmem:$0x1550] =	vst v1  }
0x28: {  	[tilespmem:$0x1560] =	vst v1  }
0x29: {  	[tilespmem:$0x1570] =	vst v1  }
0x2a: {  	[tilespmem:$0x1580] =	vst v1  }
0x2b: {  	[tilespmem:$0x1590] =	vst v1  }
0x2c: {  	[tilespmem:$0x15A0] =	vst v1  }
0x2d: {  	[tilespmem:$0x15B0] =	vst v1  }
0x2e: {  	[tilespmem:$0x15C0] =	vst v1  }
0x2f: {  	[tilespmem:$0x15D0] =	vst v1  }
0x30: {  	[tilespmem:$0x15E0] =	vst v1  }
0x31: {  	[tilespmem:$0x15F0] =	vst v1  }
0x32: {  	[tilespmem:$0x1600] =	vst v1  }
0x33: {  	[tilespmem:$0x1610] =	vst v1  }
0x34: {  	[tilespmem:$0x1620] =	vst v1  }
0x35: {  	[tilespmem:$0x1630] =	vst v1  }
0x36: {  	[tilespmem:$0x1640] =	vst v1  }
0x37: {  	[tilespmem:$0x1650] =	vst v1  }
0x38: {  	[tilespmem:$0x1660] =	vst v1  }
0x39: {  	[tilespmem:$0x1670] =	vst v1  }
0x3a: {  	[tilespmem:$0x1680] =	vst v1  }
0x3b: {  	[tilespmem:$0x1690] =	vst v1  }
0x3c: {  	[spmem:s4] =	stream.linear.scatter [tilespmem:s8], [sflag:$0x1], $0x280, $0x38;
	[tilespmem:$0x1920] =	vst v63  }
0x3d: {  	_ =	swait.ge [sflag:s9], $0x280  }
0x3e: {  	[sflag:s9] =	ssyncset.done $0x0  }
0x3f: {  	[sflag:s9] =	ssyncadd.s32 $0xFFFFFD80  }
0x40: {  	[bflag:$0x0] =	sbarrier.arrive $0xFFFF  }
0x41: {  	[tilespmem:s3], [sflag:$0x1] =	stream.linear.gather [hbm4b:s5+s3], $0x13B0, $0x38;
	[tilespmem:$0x1920] =	vst v63  }
0x42: {  	_ =	swait.ge [sflag:s9], $0x13B0  }
0x43: {  	[sflag:s9] =	ssyncset.done $0x0  }
0x44: {  	s15 =	simm.s32 $0x0;
	[sflag:s9] =	ssyncadd.s32 $0xFFFFEC50  }
0x45: {  	[spmem:s2] =	stream.indirect.scatter.add.f32 [tilespmem:s11], [sflag:$0x1], $0x1, s15, s10, $0xb8;
	[tilespmem:$0x1920] =	vst v63  }
0x46: {  	_ =	swait.ge [sflag:s9], $0x70  }
0x47: {  	s15 =	simm.s32 $0x1C0;
	[sflag:s9] =	ssyncset.done $0x0  }
.LBB2_2:
0x48: {  	s16 =	sshra.s32 s15, $0x2;
	[sflag:s9] =	ssyncadd.s32 $0xFFFFFF90;
	p0 =	sne.s32 s15, $0x4D00  }
0x49: {  	[spmem:s2] =	stream.indirect.scatter.add.f32 [tilespmem:s11], [sflag:$0x1], $0x1, s16, s10, $0xb8;
	[tilespmem:$0x1920] =	vst v63  }
.Ltmp0:
0x4a: {  	_ = 	snop;
	(pc) =	sbr.rel @p0 .LBB2_2-.Ltmp0, $4  }
0x4b: {  	_ = 	snop  }
0x4c: {  	s15 =	sadd.s32 $0x1C0, s15  }
0x4d: {  	_ =	swait.ge [sflag:s9], $0x70  }
0x4e: {  	[sflag:s9] =	ssyncset.done $0x0  }
0x4f: {  	s14 =	sadd.s32 $0x1, s14  }
0x50: {  	[sflag:s9] =	ssyncadd.s32 $0xFFFFFF90;
	p0 =	sne.s32 s14, s7  }
.Ltmp1:
0x51: {  	[bflag:$0x0] =	sbarrier.arrive $0xFFFF;
	(pc) =	sbr.rel @p0 .LBB2_1-.Ltmp1, $4  }
0x52: {  	[hbm:s6], [sflag:s12] =	dma.local [spmem:s13], $0x50  }
0x53: {  	_ =	swait.ge [sflag:s9], $0x50  }
0x54: {  	[sflag:s9] =	ssyncset.done $0x0  }
0x55: {  	[sflag:s9] =	ssyncadd.s32 $0xFFFFFFB0  }
0x56: {  	_ =	sfence.sel $0x180000  }
0x57: {  	[bflag:$0x0] =	sbarrier.arrive $0xFFFF  }
0x58: {  	p0 =	sne.s32 s0, $0x0;
	_ =	strace $0x90000047  }
0x59: {  	s0 =	sadd.s32 @!p0 $0x100000, s1;
	[bflag:$0x2] =	sbarrier.arrive $0xFFFF  }
0x5a: {  	[sflag:s0] =	ssyncadd.tile.s32 @!p0 $0x1;
	_ =	shalt  }
.Lfunc_end2:
_tile_overlayer_lowered:
.L_overlay_start_2:
0x5b: {  	(tag) =	ssettag $0x2  }
0x5c: {  	s0 =	rddreg [dreg:$0x0];
	s2 =	stileid.u32  }
0x5d: {  	s1 =	rddreg [dreg:$0x1];
	p0 =	sne.s32 s2, $0x0  }
0x5e: {  	s3 =	rddreg [dreg:$0x2];
	[bflag:$0x3] =	sbarrier.arrive $0xFFFF;
	s2 =	simm.s32 @!p0 $0x1C01  }
0x5f: {  	[timem:s3], [sflag:s2] =	dma.local @!p0 [hbm:s0], s1  }
0x60: {  	s0 =	simm.s32 @!p0 $0x1  }
0x61: {  	_ =	swait.ge @!p0 [sflag:s0], s1  }
0x62: {  	s1 =	ssub.s32 @!p0 $0x0, s1;
	[sflag:s0] =	ssyncset.done @!p0 $0x0  }
0x63: {  	[sflag:s0] =	ssyncadd.s32 @!p0 s1  }
0x64: {  	[bflag:$0x3] =	sbarrier.arrive $0xFFFF  }
0x65: {  	_ =	shalt  }

</sc_bundles>
